<compile_context>
chip_gen: v7x
topology: tpu7x:2x2x1
jax: 0.10.2.dev20260603
libtpu: 0.0.44.dev20260713+nightly
codegen_flags: <defaults>
</compile_context>

<pallas_src>
import functools

import jax
import jax.numpy as jnp
from jax import lax
from jax.experimental import pallas as pl
from jax.experimental.pallas import tpu as pltpu
from jax.experimental.pallas import tpu_sc as plsc

S = 64.0
MARGIN = 0.4

NC = 2
NS = 16
NW = NC * NS
L = 16
NBUF = 6
R = 8


def _make_sc_kernel(B, V):
    nchunks = V // R
    tmax = pl.cdiv(nchunks, NW)
    ngroups = B // L
    mesh = plsc.VectorSubcoreMesh(core_axis_name="c", subcore_axis_name="s")

    @functools.partial(
        pl.kernel,
        mesh=mesh,
        out_type=jax.ShapeDtypeStruct((V, B), jnp.float32),
        scratch_types=[
            pltpu.VMEM((B,), jnp.int32),
            pltpu.VMEM((NBUF, R, B), jnp.float32),
            pltpu.VMEM((NBUF, R, B), jnp.float32),
            pltpu.SemaphoreType.DMA((NBUF,)),
            pltpu.SemaphoreType.DMA((NBUF,)),
        ],
    )
    def sc_fn(xt_hbm, labels_hbm, out_hbm, lab_v, ibuf, obuf, isem, osem):
        wid = lax.axis_index("s") * NC + lax.axis_index("c")
        pltpu.sync_copy(labels_hbm, lab_v)
        neg = jnp.full((L,), -MARGIN * S, jnp.float32)
        my_t = jnp.where(wid < nchunks - NW * (tmax - 1), tmax, tmax - 1)

        def start_in(b, t):
            off = pl.multiple_of((wid + t * NW) * R, R)
            pltpu.async_copy(
                xt_hbm.at[pl.ds(off, R), :], ibuf.at[b], isem.at[b]
            )

        def wait(sem_b, dst):
            pltpu.make_async_copy(
                xt_hbm.at[pl.ds(0, R), :], dst, sem_b
            ).wait()

        for b in range(NBUF):
            start_in(b, b)

        @pl.loop(0, pl.cdiv(tmax, NBUF) * NBUF, step=NBUF)
        def _ring(g):
          for b in range(NBUF):
            t = g + b

            @pl.when(t < my_t)
            def _step():
                voff = (wid + t * NW) * R
                wait(isem.at[b], ibuf.at[b])

                @pl.when(t >= NBUF)
                def _():
                    wait(osem.at[b], obuf.at[b])

                @pl.loop(0, ngroups)
                def _v(i):
                    sl = pl.ds(i * L, L)
                    labv = lab_v[sl]
                    for lr in range(R):
                        x = ibuf[b, lr, sl] * S
                        obuf[b, lr, sl] = jnp.where(
                            labv == voff + lr, x + neg, x
                        )

                off = pl.multiple_of(voff, R)
                pltpu.async_copy(
                    obuf.at[b], out_hbm.at[pl.ds(off, R), :], osem.at[b]
                )

                @pl.when(t + NBUF < my_t)
                def _next():
                    start_in(b, t + NBUF)

        for b in range(NBUF):
            wait(osem.at[b], obuf.at[b])

    return sc_fn


def kernel(logits, labels, embeddings):
    B, V = logits.shape
    sc_fn = _make_sc_kernel(B, V)
    out_t = sc_fn(logits.T, labels.astype(jnp.int32))
    return out_t.T

# --- scband reference (transcript-rebuilt; emitter-appended) ---
"""Pipeline reference for scband-cos-face-46755013984747 (READ-ONLY COPY).

The authoritative reference and input builder live on the scoring server;
editing this copy changes nothing except your own understanding.
"""

import jax, jax.numpy as jnp
import numpy as np

S = 64.0
MARGIN = 0.4

def setup_inputs(seed: int = 0) -> dict:
    key = jax.random.key(seed)
    k1, k2, k3 = jax.random.split(key, 3)
    B, V, D = 1024, 100000, 128
    # logits are cosine similarities in [-1, 1]
    logits = jax.random.uniform(k1, (B, V), dtype=jnp.float32, minval=-1.0, maxval=1.0)
    labels = jax.random.randint(k2, (B,), 0, V, dtype=jnp.int64)
    embeddings = jax.random.normal(k3, (B, D), dtype=jnp.float32)
    return {"logits": logits, "labels": labels, "embeddings": embeddings}

def reference(logits, labels, embeddings):
    # Faithful CosFace: subtract margin from the target-class logit for rows
    # whose label != -1 (the subtraction itself is done under no_grad in the
    # original torch code, i.e. treated as a constant shift), then scale by s.
    B = logits.shape[0]
    valid = labels != -1
    safe_labels = jnp.where(valid, labels, 0)
    rows = jnp.arange(B)
    delta = jnp.where(valid, -MARGIN, 0.0).astype(logits.dtype)
    # constant shift at target positions (matches no_grad in-place write:
    # gradient w.r.t. logits is identity * s everywhere)
    shifted = logits.at[rows, safe_labels].add(delta)
    out = shifted * S
    return out

if __name__ == "__main__":
    import jax
    _d = setup_inputs()
    print(jax.jit(kernel)(*tuple(_d.values())))

</pallas_src>

<mosaic_0001>
#map = affine_map<(d0, d1) -> (0, 0)>
#map1 = affine_map<(d0, d1) -> (0)>
module attributes {stable_mosaic.version = 14 : i64} {
  func.func @sc_fn(%arg0: i32, %arg1: i32, %arg2: memref<100000x1024xf32, #tpu.memory_space<hbm>>, %arg3: memref<1024xi32, #tpu.memory_space<hbm>>, %arg4: memref<100000x1024xf32, #tpu.memory_space<hbm>>, %arg5: memref<1024xi32, #tpu.memory_space<vmem>>, %arg6: memref<6x8x1024xf32, #tpu.memory_space<vmem>>, %arg7: memref<6x8x1024xf32, #tpu.memory_space<vmem>>, %arg8: memref<6x!tpu.dma_semaphore, #tpu.memory_space<semaphore_mem>>, %arg9: memref<6x!tpu.dma_semaphore, #tpu.memory_space<semaphore_mem>>) attributes {dimension_semantics = [#tpu.dimension_semantics<core_parallel>, #tpu.dimension_semantics<subcore_parallel>], iteration_bounds = array<i64: 2, 16>, scalar_prefetch = 0 : i64, scratch_operands = 5 : i64, tpu.core_type = #tpu.core_type<sc_vector_subcore>, window_params = [{transform_indices = #map}, {transform_indices = #map1}, {transform_indices = #map}]} {
    %mul3A = arith.constant 2 : i32
    %mul3A_0 = arith.muli %arg1, %mul3A : i32
    %add3A = arith.addi %mul3A_0, %arg0 : i32
    "tpu.region"() ({
      %run_scoped3A = tpu.sem_alloc : memref<!tpu.dma_semaphore, #tpu.memory_space<semaphore_mem>>
      tpu.enqueue_dma source(%arg3 : memref<1024xi32, #tpu.memory_space<hbm>>) target(%arg5 : memref<1024xi32, #tpu.memory_space<vmem>>) target_semaphore(%run_scoped3A : memref<!tpu.dma_semaphore, #tpu.memory_space<semaphore_mem>>)
      tpu.wait_dma2 semaphore(%run_scoped3A : memref<!tpu.dma_semaphore, #tpu.memory_space<semaphore_mem>>) src(%arg3 : memref<1024xi32, #tpu.memory_space<hbm>>) dst(%arg5 : memref<1024xi32, #tpu.memory_space<vmem>>)
      tpu.yield
    }) : () -> ()
    %broadcast_in_dim3A = arith.constant -2.560000e+01 : f32
    %broadcast_in_dim3A_1 = vector.broadcast %broadcast_in_dim3A : f32 to vector<16xf32>
    %lt3A = arith.constant 20 : i32
    %lt3A_2 = arith.cmpi slt, %add3A, %lt3A : i32
    %jit3A = arith.constant 391 : i32
    %jit3A_3 = arith.constant 390 : i32
    %select_n3A = arith.select %lt3A_2, %jit3A, %jit3A_3 : i32
    %add3A_4 = arith.constant 0 : i32
    %add3A_5 = arith.addi %add3A, %add3A_4 : i32
    %mul3A_6 = arith.constant 8 : i32
    %mul3A_7 = arith.muli %add3A_5, %mul3A_6 : i32
    %multiple_of3A = tpu.assume_multiple %mul3A_7, 8 : i32
    %dma_start3A = arith.constant 0 : i32
    %dma_start3A_8 = arith.constant 0 : i32
    %dma_start3A_9 = arith.constant 0 : i32
    %dma_start3A_10 = arith.constant 0 : i32
    %dma_start3A_11 = tpu.memref_slice %arg6[%dma_start3A, %dma_start3A_9, %dma_start3A_10] : memref<6x8x1024xf32, #tpu.memory_space<vmem>> -> memref<1x8x1024xf32, #tpu.memory_space<vmem>>
    %dma_start3A_12 = tpu.memref_squeeze %dma_start3A_11 : memref<1x8x1024xf32, #tpu.memory_space<vmem>> -> memref<8x1024xf32, #tpu.memory_space<vmem>>
    %dma_start3A_13 = arith.constant 0 : i32
    %dma_start3A_14 = tpu.memref_slice %arg2[%multiple_of3A, %dma_start3A_13] : memref<100000x1024xf32, #tpu.memory_space<hbm>> -> memref<8x1024xf32, #tpu.memory_space<hbm>>
    %dma_start3A_15 = tpu.memref_slice %arg8[%dma_start3A_8] : memref<6x!tpu.dma_semaphore, #tpu.memory_space<semaphore_mem>> -> memref<1x!tpu.dma_semaphore, #tpu.memory_space<semaphore_mem>>
    %dma_start3A_16 = tpu.memref_squeeze %dma_start3A_15 : memref<1x!tpu.dma_semaphore, #tpu.memory_space<semaphore_mem>> -> memref<!tpu.dma_semaphore, #tpu.memory_space<semaphore_mem>>
    %dma_start3A_17 = arith.constant 0 : i32
    %dma_start3A_18 = arith.constant 0 : i32
    %dma_start3A_19 = tpu.memref_slice %arg6[%dma_start3A, %dma_start3A_17, %dma_start3A_18] : memref<6x8x1024xf32, #tpu.memory_space<vmem>> -> memref<1x8x1024xf32, #tpu.memory_space<vmem>>
    %dma_start3A_20 = tpu.memref_squeeze %dma_start3A_19 : memref<1x8x1024xf32, #tpu.memory_space<vmem>> -> memref<8x1024xf32, #tpu.memory_space<vmem>>
    %dma_start3A_21 = arith.constant 0 : i32
    %dma_start3A_22 = tpu.memref_slice %arg2[%multiple_of3A, %dma_start3A_21] : memref<100000x1024xf32, #tpu.memory_space<hbm>> -> memref<8x1024xf32, #tpu.memory_space<hbm>>
    tpu.enqueue_dma source(%dma_start3A_22 : memref<8x1024xf32, #tpu.memory_space<hbm>>) target(%dma_start3A_20 : memref<8x1024xf32, #tpu.memory_space<vmem>>) target_semaphore(%dma_start3A_16 : memref<!tpu.dma_semaphore, #tpu.memory_space<semaphore_mem>>)
    %add3A_23 = arith.constant 32 : i32
    %add3A_24 = arith.addi %add3A, %add3A_23 : i32
    %mul3A_25 = arith.constant 8 : i32
    %mul3A_26 = arith.muli %add3A_24, %mul3A_25 : i32
    %multiple_of3A_27 = tpu.assume_multiple %mul3A_26, 8 : i32
    %dma_start3A_28 = arith.constant 1 : i32
    %dma_start3A_29 = arith.constant 1 : i32
    %dma_start3A_30 = arith.constant 0 : i32
    %dma_start3A_31 = arith.constant 0 : i32
    %dma_start3A_32 = tpu.memref_slice %arg6[%dma_start3A_28, %dma_start3A_30, %dma_start3A_31] : memref<6x8x1024xf32, #tpu.memory_space<vmem>> -> memref<1x8x1024xf32, #tpu.memory_space<vmem>>
    %dma_start3A_33 = tpu.memref_squeeze %dma_start3A_32 : memref<1x8x1024xf32, #tpu.memory_space<vmem>> -> memref<8x1024xf32, #tpu.memory_space<vmem>>
    %dma_start3A_34 = arith.constant 0 : i32
    %dma_start3A_35 = tpu.memref_slice %arg2[%multiple_of3A_27, %dma_start3A_34] : memref<100000x1024xf32, #tpu.memory_space<hbm>> -> memref<8x1024xf32, #tpu.memory_space<hbm>>
    %dma_start3A_36 = tpu.memref_slice %arg8[%dma_start3A_29] : memref<6x!tpu.dma_semaphore, #tpu.memory_space<semaphore_mem>> -> memref<1x!tpu.dma_semaphore, #tpu.memory_space<semaphore_mem>>
    %dma_start3A_37 = tpu.memref_squeeze %dma_start3A_36 : memref<1x!tpu.dma_semaphore, #tpu.memory_space<semaphore_mem>> -> memref<!tpu.dma_semaphore, #tpu.memory_space<semaphore_mem>>
    %dma_start3A_38 = arith.constant 0 : i32
    %dma_start3A_39 = arith.constant 0 : i32
    %dma_start3A_40 = tpu.memref_slice %arg6[%dma_start3A_28, %dma_start3A_38, %dma_start3A_39] : memref<6x8x1024xf32, #tpu.memory_space<vmem>> -> memref<1x8x1024xf32, #tpu.memory_space<vmem>>
    %dma_start3A_41 = tpu.memref_squeeze %dma_start3A_40 : memref<1x8x1024xf32, #tpu.memory_space<vmem>> -> memref<8x1024xf32, #tpu.memory_space<vmem>>
    %dma_start3A_42 = arith.constant 0 : i32
    %dma_start3A_43 = tpu.memref_slice %arg2[%multiple_of3A_27, %dma_start3A_42] : memref<100000x1024xf32, #tpu.memory_space<hbm>> -> memref<8x1024xf32, #tpu.memory_space<hbm>>
    tpu.enqueue_dma source(%dma_start3A_43 : memref<8x1024xf32, #tpu.memory_space<hbm>>) target(%dma_start3A_41 : memref<8x1024xf32, #tpu.memory_space<vmem>>) target_semaphore(%dma_start3A_37 : memref<!tpu.dma_semaphore, #tpu.memory_space<semaphore_mem>>)
    %add3A_44 = arith.constant 64 : i32
    %add3A_45 = arith.addi %add3A, %add3A_44 : i32
    %mul3A_46 = arith.constant 8 : i32
    %mul3A_47 = arith.muli %add3A_45, %mul3A_46 : i32
    %multiple_of3A_48 = tpu.assume_multiple %mul3A_47, 8 : i32
    %dma_start3A_49 = arith.constant 2 : i32
    %dma_start3A_50 = arith.constant 2 : i32
    %dma_start3A_51 = arith.constant 0 : i32
    %dma_start3A_52 = arith.constant 0 : i32
    %dma_start3A_53 = tpu.memref_slice %arg6[%dma_start3A_49, %dma_start3A_51, %dma_start3A_52] : memref<6x8x1024xf32, #tpu.memory_space<vmem>> -> memref<1x8x1024xf32, #tpu.memory_space<vmem>>
    %dma_start3A_54 = tpu.memref_squeeze %dma_start3A_53 : memref<1x8x1024xf32, #tpu.memory_space<vmem>> -> memref<8x1024xf32, #tpu.memory_space<vmem>>
    %dma_start3A_55 = arith.constant 0 : i32
    %dma_start3A_56 = tpu.memref_slice %arg2[%multiple_of3A_48, %dma_start3A_55] : memref<100000x1024xf32, #tpu.memory_space<hbm>> -> memref<8x1024xf32, #tpu.memory_space<hbm>>
    %dma_start3A_57 = tpu.memref_slice %arg8[%dma_start3A_50] : memref<6x!tpu.dma_semaphore, #tpu.memory_space<semaphore_mem>> -> memref<1x!tpu.dma_semaphore, #tpu.memory_space<semaphore_mem>>
    %dma_start3A_58 = tpu.memref_squeeze %dma_start3A_57 : memref<1x!tpu.dma_semaphore, #tpu.memory_space<semaphore_mem>> -> memref<!tpu.dma_semaphore, #tpu.memory_space<semaphore_mem>>
    %dma_start3A_59 = arith.constant 0 : i32
    %dma_start3A_60 = arith.constant 0 : i32
    %dma_start3A_61 = tpu.memref_slice %arg6[%dma_start3A_49, %dma_start3A_59, %dma_start3A_60] : memref<6x8x1024xf32, #tpu.memory_space<vmem>> -> memref<1x8x1024xf32, #tpu.memory_space<vmem>>
    %dma_start3A_62 = tpu.memref_squeeze %dma_start3A_61 : memref<1x8x1024xf32, #tpu.memory_space<vmem>> -> memref<8x1024xf32, #tpu.memory_space<vmem>>
    %dma_start3A_63 = arith.constant 0 : i32
    %dma_start3A_64 = tpu.memref_slice %arg2[%multiple_of3A_48, %dma_start3A_63] : memref<100000x1024xf32, #tpu.memory_space<hbm>> -> memref<8x1024xf32, #tpu.memory_space<hbm>>
    tpu.enqueue_dma source(%dma_start3A_64 : memref<8x1024xf32, #tpu.memory_space<hbm>>) target(%dma_start3A_62 : memref<8x1024xf32, #tpu.memory_space<vmem>>) target_semaphore(%dma_start3A_58 : memref<!tpu.dma_semaphore, #tpu.memory_space<semaphore_mem>>)
    %add3A_65 = arith.constant 96 : i32
    %add3A_66 = arith.addi %add3A, %add3A_65 : i32
    %mul3A_67 = arith.constant 8 : i32
    %mul3A_68 = arith.muli %add3A_66, %mul3A_67 : i32
    %multiple_of3A_69 = tpu.assume_multiple %mul3A_68, 8 : i32
    %dma_start3A_70 = arith.constant 3 : i32
    %dma_start3A_71 = arith.constant 3 : i32
    %dma_start3A_72 = arith.constant 0 : i32
    %dma_start3A_73 = arith.constant 0 : i32
    %dma_start3A_74 = tpu.memref_slice %arg6[%dma_start3A_70, %dma_start3A_72, %dma_start3A_73] : memref<6x8x1024xf32, #tpu.memory_space<vmem>> -> memref<1x8x1024xf32, #tpu.memory_space<vmem>>
    %dma_start3A_75 = tpu.memref_squeeze %dma_start3A_74 : memref<1x8x1024xf32, #tpu.memory_space<vmem>> -> memref<8x1024xf32, #tpu.memory_space<vmem>>
    %dma_start3A_76 = arith.constant 0 : i32
    %dma_start3A_77 = tpu.memref_slice %arg2[%multiple_of3A_69, %dma_start3A_76] : memref<100000x1024xf32, #tpu.memory_space<hbm>> -> memref<8x1024xf32, #tpu.memory_space<hbm>>
    %dma_start3A_78 = tpu.memref_slice %arg8[%dma_start3A_71] : memref<6x!tpu.dma_semaphore, #tpu.memory_space<semaphore_mem>> -> memref<1x!tpu.dma_semaphore, #tpu.memory_space<semaphore_mem>>
    %dma_start3A_79 = tpu.memref_squeeze %dma_start3A_78 : memref<1x!tpu.dma_semaphore, #tpu.memory_space<semaphore_mem>> -> memref<!tpu.dma_semaphore, #tpu.memory_space<semaphore_mem>>
    %dma_start3A_80 = arith.constant 0 : i32
    %dma_start3A_81 = arith.constant 0 : i32
    %dma_start3A_82 = tpu.memref_slice %arg6[%dma_start3A_70, %dma_start3A_80, %dma_start3A_81] : memref<6x8x1024xf32, #tpu.memory_space<vmem>> -> memref<1x8x1024xf32, #tpu.memory_space<vmem>>
    %dma_start3A_83 = tpu.memref_squeeze %dma_start3A_82 : memref<1x8x1024xf32, #tpu.memory_space<vmem>> -> memref<8x1024xf32, #tpu.memory_space<vmem>>
    %dma_start3A_84 = arith.constant 0 : i32
    %dma_start3A_85 = tpu.memref_slice %arg2[%multiple_of3A_69, %dma_start3A_84] : memref<100000x1024xf32, #tpu.memory_space<hbm>> -> memref<8x1024xf32, #tpu.memory_space<hbm>>
    tpu.enqueue_dma source(%dma_start3A_85 : memref<8x1024xf32, #tpu.memory_space<hbm>>) target(%dma_start3A_83 : memref<8x1024xf32, #tpu.memory_space<vmem>>) target_semaphore(%dma_start3A_79 : memref<!tpu.dma_semaphore, #tpu.memory_space<semaphore_mem>>)
    %add3A_86 = arith.constant 128 : i32
    %add3A_87 = arith.addi %add3A, %add3A_86 : i32
    %mul3A_88 = arith.constant 8 : i32
    %mul3A_89 = arith.muli %add3A_87, %mul3A_88 : i32
    %multiple_of3A_90 = tpu.assume_multiple %mul3A_89, 8 : i32
    %dma_start3A_91 = arith.constant 4 : i32
    %dma_start3A_92 = arith.constant 4 : i32
    %dma_start3A_93 = arith.constant 0 : i32
    %dma_start3A_94 = arith.constant 0 : i32
    %dma_start3A_95 = tpu.memref_slice %arg6[%dma_start3A_91, %dma_start3A_93, %dma_start3A_94] : memref<6x8x1024xf32, #tpu.memory_space<vmem>> -> memref<1x8x1024xf32, #tpu.memory_space<vmem>>
    %dma_start3A_96 = tpu.memref_squeeze %dma_start3A_95 : memref<1x8x1024xf32, #tpu.memory_space<vmem>> -> memref<8x1024xf32, #tpu.memory_space<vmem>>
    %dma_start3A_97 = arith.constant 0 : i32
    %dma_start3A_98 = tpu.memref_slice %arg2[%multiple_of3A_90, %dma_start3A_97] : memref<100000x1024xf32, #tpu.memory_space<hbm>> -> memref<8x1024xf32, #tpu.memory_space<hbm>>
    %dma_start3A_99 = tpu.memref_slice %arg8[%dma_start3A_92] : memref<6x!tpu.dma_semaphore, #tpu.memory_space<semaphore_mem>> -> memref<1x!tpu.dma_semaphore, #tpu.memory_space<semaphore_mem>>
    %dma_start3A_100 = tpu.memref_squeeze %dma_start3A_99 : memref<1x!tpu.dma_semaphore, #tpu.memory_space<semaphore_mem>> -> memref<!tpu.dma_semaphore, #tpu.memory_space<semaphore_mem>>
    %dma_start3A_101 = arith.constant 0 : i32
    %dma_start3A_102 = arith.constant 0 : i32
    %dma_start3A_103 = tpu.memref_slice %arg6[%dma_start3A_91, %dma_start3A_101, %dma_start3A_102] : memref<6x8x1024xf32, #tpu.memory_space<vmem>> -> memref<1x8x1024xf32, #tpu.memory_space<vmem>>
    %dma_start3A_104 = tpu.memref_squeeze %dma_start3A_103 : memref<1x8x1024xf32, #tpu.memory_space<vmem>> -> memref<8x1024xf32, #tpu.memory_space<vmem>>
    %dma_start3A_105 = arith.constant 0 : i32
    %dma_start3A_106 = tpu.memref_slice %arg2[%multiple_of3A_90, %dma_start3A_105] : memref<100000x1024xf32, #tpu.memory_space<hbm>> -> memref<8x1024xf32, #tpu.memory_space<hbm>>
    tpu.enqueue_dma source(%dma_start3A_106 : memref<8x1024xf32, #tpu.memory_space<hbm>>) target(%dma_start3A_104 : memref<8x1024xf32, #tpu.memory_space<vmem>>) target_semaphore(%dma_start3A_100 : memref<!tpu.dma_semaphore, #tpu.memory_space<semaphore_mem>>)
    %add3A_107 = arith.constant 160 : i32
    %add3A_108 = arith.addi %add3A, %add3A_107 : i32
    %mul3A_109 = arith.constant 8 : i32
    %mul3A_110 = arith.muli %add3A_108, %mul3A_109 : i32
    %multiple_of3A_111 = tpu.assume_multiple %mul3A_110, 8 : i32
    %dma_start3A_112 = arith.constant 5 : i32
    %dma_start3A_113 = arith.constant 5 : i32
    %dma_start3A_114 = arith.constant 0 : i32
    %dma_start3A_115 = arith.constant 0 : i32
    %dma_start3A_116 = tpu.memref_slice %arg6[%dma_start3A_112, %dma_start3A_114, %dma_start3A_115] : memref<6x8x1024xf32, #tpu.memory_space<vmem>> -> memref<1x8x1024xf32, #tpu.memory_space<vmem>>
    %dma_start3A_117 = tpu.memref_squeeze %dma_start3A_116 : memref<1x8x1024xf32, #tpu.memory_space<vmem>> -> memref<8x1024xf32, #tpu.memory_space<vmem>>
    %dma_start3A_118 = arith.constant 0 : i32
    %dma_start3A_119 = tpu.memref_slice %arg2[%multiple_of3A_111, %dma_start3A_118] : memref<100000x1024xf32, #tpu.memory_space<hbm>> -> memref<8x1024xf32, #tpu.memory_space<hbm>>
    %dma_start3A_120 = tpu.memref_slice %arg8[%dma_start3A_113] : memref<6x!tpu.dma_semaphore, #tpu.memory_space<semaphore_mem>> -> memref<1x!tpu.dma_semaphore, #tpu.memory_space<semaphore_mem>>
    %dma_start3A_121 = tpu.memref_squeeze %dma_start3A_120 : memref<1x!tpu.dma_semaphore, #tpu.memory_space<semaphore_mem>> -> memref<!tpu.dma_semaphore, #tpu.memory_space<semaphore_mem>>
    %dma_start3A_122 = arith.constant 0 : i32
    %dma_start3A_123 = arith.constant 0 : i32
    %dma_start3A_124 = tpu.memref_slice %arg6[%dma_start3A_112, %dma_start3A_122, %dma_start3A_123] : memref<6x8x1024xf32, #tpu.memory_space<vmem>> -> memref<1x8x1024xf32, #tpu.memory_space<vmem>>
    %dma_start3A_125 = tpu.memref_squeeze %dma_start3A_124 : memref<1x8x1024xf32, #tpu.memory_space<vmem>> -> memref<8x1024xf32, #tpu.memory_space<vmem>>
    %dma_start3A_126 = arith.constant 0 : i32
    %dma_start3A_127 = tpu.memref_slice %arg2[%multiple_of3A_111, %dma_start3A_126] : memref<100000x1024xf32, #tpu.memory_space<hbm>> -> memref<8x1024xf32, #tpu.memory_space<hbm>>
    tpu.enqueue_dma source(%dma_start3A_127 : memref<8x1024xf32, #tpu.memory_space<hbm>>) target(%dma_start3A_125 : memref<8x1024xf32, #tpu.memory_space<vmem>>) target_semaphore(%dma_start3A_121 : memref<!tpu.dma_semaphore, #tpu.memory_space<semaphore_mem>>)
    %scan3A = arith.constant 0 : i32
    %scan3A_128 = arith.constant 66 : i32
    %scan3A_129 = arith.addi %scan3A, %scan3A_128 : i32
    %scan3A_130 = arith.constant 1 : i32
    scf.for %scan3A_239 = %scan3A to %scan3A_129 step %scan3A_130  : i32 {
      %mul3A_240 = arith.constant 6 : i32
      %mul3A_241 = arith.muli %scan3A_239, %mul3A_240 : i32
      %add3A_242 = arith.constant 0 : i32
      %add3A_243 = arith.addi %add3A_242, %mul3A_241 : i32
      %add3A_244 = arith.constant 0 : i32
      %add3A_245 = arith.addi %add3A_243, %add3A_244 : i32
      %lt3A_246 = arith.cmpi slt, %add3A_245, %select_n3A : i32
      %convert_element_type3A = arith.extui %lt3A_246 : i1 to i32
      %cond3A = arith.constant 0 : i32
      %cond3A_247 = arith.cmpi ne, %convert_element_type3A, %cond3A : i32
      scf.if %cond3A_247 {
        %mul3A_278 = arith.constant 32 : i32
        %mul3A_279 = arith.muli %add3A_245, %mul3A_278 : i32
        %add3A_280 = arith.addi %add3A, %mul3A_279 : i32
        %mul3A_281 = arith.constant 8 : i32
        %mul3A_282 = arith.muli %add3A_280, %mul3A_281 : i32
        %dma_wait3A_283 = arith.constant 0 : i32
        %dma_wait3A_284 = arith.constant 0 : i32
        %dma_wait3A_285 = arith.constant 0 : i32
        %dma_wait3A_286 = arith.constant 0 : i32
        %dma_wait3A_287 = tpu.memref_slice %arg6[%dma_wait3A_283, %dma_wait3A_285, %dma_wait3A_286] : memref<6x8x1024xf32, #tpu.memory_space<vmem>> -> memref<1x8x1024xf32, #tpu.memory_space<vmem>>
        %dma_wait3A_288 = tpu.memref_squeeze %dma_wait3A_287 : memref<1x8x1024xf32, #tpu.memory_space<vmem>> -> memref<8x1024xf32, #tpu.memory_space<vmem>>
        %dma_wait3A_289 = arith.constant 0 : i32
        %dma_wait3A_290 = arith.constant 0 : i32
        %dma_wait3A_291 = tpu.memref_slice %arg2[%dma_wait3A_289, %dma_wait3A_290] : memref<100000x1024xf32, #tpu.memory_space<hbm>> -> memref<8x1024xf32, #tpu.memory_space<hbm>>
        %dma_wait3A_292 = tpu.memref_slice %arg8[%dma_wait3A_284] : memref<6x!tpu.dma_semaphore, #tpu.memory_space<semaphore_mem>> -> memref<1x!tpu.dma_semaphore, #tpu.memory_space<semaphore_mem>>
        %dma_wait3A_293 = tpu.memref_squeeze %dma_wait3A_292 : memref<1x!tpu.dma_semaphore, #tpu.memory_space<semaphore_mem>> -> memref<!tpu.dma_semaphore, #tpu.memory_space<semaphore_mem>>
        %dma_wait3A_294 = arith.constant 0 : i32
        %dma_wait3A_295 = arith.constant 0 : i32
        %dma_wait3A_296 = tpu.memref_slice %arg6[%dma_wait3A_283, %dma_wait3A_294, %dma_wait3A_295] : memref<6x8x1024xf32, #tpu.memory_space<vmem>> -> memref<1x8x1024xf32, #tpu.memory_space<vmem>>
        %dma_wait3A_297 = tpu.memref_squeeze %dma_wait3A_296 : memref<1x8x1024xf32, #tpu.memory_space<vmem>> -> memref<8x1024xf32, #tpu.memory_space<vmem>>
        %dma_wait3A_298 = arith.constant 0 : i32
        %dma_wait3A_299 = arith.constant 0 : i32
        %dma_wait3A_300 = tpu.memref_slice %arg2[%dma_wait3A_298, %dma_wait3A_299] : memref<100000x1024xf32, #tpu.memory_space<hbm>> -> memref<8x1024xf32, #tpu.memory_space<hbm>>
        tpu.wait_dma2 semaphore(%dma_wait3A_293 : memref<!tpu.dma_semaphore, #tpu.memory_space<semaphore_mem>>) src(%dma_wait3A_300 : memref<8x1024xf32, #tpu.memory_space<hbm>>) dst(%dma_wait3A_297 : memref<8x1024xf32, #tpu.memory_space<vmem>>)
        %ge3A = arith.constant 6 : i32
        %ge3A_301 = arith.cmpi sge, %add3A_245, %ge3A : i32
        %convert_element_type3A_302 = arith.extui %ge3A_301 : i1 to i32
        %cond3A_303 = arith.constant 0 : i32
        %cond3A_304 = arith.cmpi ne, %convert_element_type3A_302, %cond3A_303 : i32
        scf.if %cond3A_304 {
          %dma_wait3A_333 = arith.constant 0 : i32
          %dma_wait3A_334 = arith.constant 0 : i32
          %dma_wait3A_335 = arith.constant 0 : i32
          %dma_wait3A_336 = arith.constant 0 : i32
          %dma_wait3A_337 = tpu.memref_slice %arg7[%dma_wait3A_333, %dma_wait3A_335, %dma_wait3A_336] : memref<6x8x1024xf32, #tpu.memory_space<vmem>> -> memref<1x8x1024xf32, #tpu.memory_space<vmem>>
          %dma_wait3A_338 = tpu.memref_squeeze %dma_wait3A_337 : memref<1x8x1024xf32, #tpu.memory_space<vmem>> -> memref<8x1024xf32, #tpu.memory_space<vmem>>
          %dma_wait3A_339 = arith.constant 0 : i32
          %dma_wait3A_340 = arith.constant 0 : i32
          %dma_wait3A_341 = tpu.memref_slice %arg2[%dma_wait3A_339, %dma_wait3A_340] : memref<100000x1024xf32, #tpu.memory_space<hbm>> -> memref<8x1024xf32, #tpu.memory_space<hbm>>
          %dma_wait3A_342 = tpu.memref_slice %arg9[%dma_wait3A_334] : memref<6x!tpu.dma_semaphore, #tpu.memory_space<semaphore_mem>> -> memref<1x!tpu.dma_semaphore, #tpu.memory_space<semaphore_mem>>
          %dma_wait3A_343 = tpu.memref_squeeze %dma_wait3A_342 : memref<1x!tpu.dma_semaphore, #tpu.memory_space<semaphore_mem>> -> memref<!tpu.dma_semaphore, #tpu.memory_space<semaphore_mem>>
          %dma_wait3A_344 = arith.constant 0 : i32
          %dma_wait3A_345 = arith.constant 0 : i32
          %dma_wait3A_346 = tpu.memref_slice %arg7[%dma_wait3A_333, %dma_wait3A_344, %dma_wait3A_345] : memref<6x8x1024xf32, #tpu.memory_space<vmem>> -> memref<1x8x1024xf32, #tpu.memory_space<vmem>>
          %dma_wait3A_347 = tpu.memref_squeeze %dma_wait3A_346 : memref<1x8x1024xf32, #tpu.memory_space<vmem>> -> memref<8x1024xf32, #tpu.memory_space<vmem>>
          %dma_wait3A_348 = arith.constant 0 : i32
          %dma_wait3A_349 = arith.constant 0 : i32
          %dma_wait3A_350 = tpu.memref_slice %arg2[%dma_wait3A_348, %dma_wait3A_349] : memref<100000x1024xf32, #tpu.memory_space<hbm>> -> memref<8x1024xf32, #tpu.memory_space<hbm>>
          tpu.wait_dma2 semaphore(%dma_wait3A_343 : memref<!tpu.dma_semaphore, #tpu.memory_space<semaphore_mem>>) src(%dma_wait3A_350 : memref<8x1024xf32, #tpu.memory_space<hbm>>) dst(%dma_wait3A_347 : memref<8x1024xf32, #tpu.memory_space<vmem>>)
        } else {
        }
        %scan3A_305 = arith.constant 0 : i32
        %scan3A_306 = arith.constant 64 : i32
        %scan3A_307 = arith.addi %scan3A_305, %scan3A_306 : i32
        %scan3A_308 = arith.constant 1 : i32
        scf.for %scan3A_333 = %scan3A_305 to %scan3A_307 step %scan3A_308  : i32 {
          %mul3A_334 = arith.constant 1 : i32
          %mul3A_335 = arith.muli %scan3A_333, %mul3A_334 : i32
          %add3A_336 = arith.constant 0 : i32
          %add3A_337 = arith.addi %add3A_336, %mul3A_335 : i32
          %mul3A_338 = arith.constant 16 : i32
          %mul3A_339 = arith.muli %add3A_337, %mul3A_338 : i32
          %get3A = arith.index_cast %mul3A_339 : i32 to index
          %get3A_340 = tpu.vector_load %arg5[%get3A] {strides = array<i32>} : memref<1024xi32, #tpu.memory_space<vmem>>, vector<16xi32>,
          %get3A_341 = vector.shape_cast %get3A_340 : vector<16xi32> to vector<16xi32>
          %get3A_342 = arith.constant 0 : i32
          %get3A_343 = arith.constant 0 : i32
          %get3A_344 = arith.index_cast %get3A_342 : i32 to index
          %get3A_345 = arith.index_cast %get3A_343 : i32 to index
          %get3A_346 = arith.index_cast %mul3A_339 : i32 to index
          %get3A_347 = tpu.vector_load %arg6[%get3A_344, %get3A_345, %get3A_346] {strides = array<i32>} : memref<6x8x1024xf32, #tpu.memory_space<vmem>>, vector<1x1x16xf32>,
          %get3A_348 = vector.shape_cast %get3A_347 : vector<1x1x16xf32> to vector<16xf32>
          %mul3A_349 = arith.constant 6.400000e+01 : f32
          %mul3A_350 = vector.broadcast %mul3A_349 : f32 to vector<16xf32>
          %mul3A_351 = arith.mulf %get3A_348, %mul3A_350 : vector<16xf32>
          %add3A_352 = arith.constant 0 : i32
          %add3A_353 = arith.addi %mul3A_282, %add3A_352 : i32
          %eq3A = vector.broadcast %add3A_353 : i32 to vector<16xi32>
          %eq3A_354 = arith.cmpi eq, %get3A_341, %eq3A : vector<16xi32>
          %add3A_355 = arith.addf %mul3A_351, %broadcast_in_dim3A_1 : vector<16xf32>
          %select_n3A_356 = arith.select %eq3A_354, %add3A_355, %mul3A_351 : vector<16xi1>, vector<16xf32>
          %swap3A = arith.constant 0 : i32
          %swap3A_357 = arith.constant 0 : i32
          %swap3A_358 = arith.index_cast %swap3A : i32 to index
          %swap3A_359 = arith.index_cast %swap3A_357 : i32 to index
          %swap3A_360 = arith.index_cast %mul3A_339 : i32 to index
          %swap3A_361 = tpu.vector_load %arg7[%swap3A_358, %swap3A_359, %swap3A_360] {strides = array<i32>} : memref<6x8x1024xf32, #tpu.memory_space<vmem>>, vector<1x1x16xf32>,
          %swap3A_362 = vector.shape_cast %swap3A_361 : vector<1x1x16xf32> to vector<16xf32>
          %swap3A_363 = vector.shape_cast %select_n3A_356 : vector<16xf32> to vector<1x1x16xf32>
          tpu.vector_store %arg7[%swap3A_358, %swap3A_359, %swap3A_360], %swap3A_363 {strides = array<i32>} : memref<6x8x1024xf32, #tpu.memory_space<vmem>>, vector<1x1x16xf32>,
          %get3A_364 = arith.constant 0 : i32
          %get3A_365 = arith.constant 1 : i32
          %get3A_366 = arith.index_cast %get3A_364 : i32 to index
          %get3A_367 = arith.index_cast %get3A_365 : i32 to index
          %get3A_368 = arith.index_cast %mul3A_339 : i32 to index
          %get3A_369 = tpu.vector_load %arg6[%get3A_366, %get3A_367, %get3A_368] {strides = array<i32>} : memref<6x8x1024xf32, #tpu.memory_space<vmem>>, vector<1x1x16xf32>,
          %get3A_370 = vector.shape_cast %get3A_369 : vector<1x1x16xf32> to vector<16xf32>
          %mul3A_371 = arith.constant 6.400000e+01 : f32
          %mul3A_372 = vector.broadcast %mul3A_371 : f32 to vector<16xf32>
          %mul3A_373 = arith.mulf %get3A_370, %mul3A_372 : vector<16xf32>
          %add3A_374 = arith.constant 1 : i32
          %add3A_375 = arith.addi %mul3A_282, %add3A_374 : i32
          %eq3A_376 = vector.broadcast %add3A_375 : i32 to vector<16xi32>
          %eq3A_377 = arith.cmpi eq, %get3A_341, %eq3A_376 : vector<16xi32>
          %add3A_378 = arith.addf %mul3A_373, %broadcast_in_dim3A_1 : vector<16xf32>
          %select_n3A_379 = arith.select %eq3A_377, %add3A_378, %mul3A_373 : vector<16xi1>, vector<16xf32>
          %swap3A_380 = arith.constant 0 : i32
          %swap3A_381 = arith.constant 1 : i32
          %swap3A_382 = arith.index_cast %swap3A_380 : i32 to index
          %swap3A_383 = arith.index_cast %swap3A_381 : i32 to index
          %swap3A_384 = arith.index_cast %mul3A_339 : i32 to index
          %swap3A_385 = tpu.vector_load %arg7[%swap3A_382, %swap3A_383, %swap3A_384] {strides = array<i32>} : memref<6x8x1024xf32, #tpu.memory_space<vmem>>, vector<1x1x16xf32>,
          %swap3A_386 = vector.shape_cast %swap3A_385 : vector<1x1x16xf32> to vector<16xf32>
          %swap3A_387 = vector.shape_cast %select_n3A_379 : vector<16xf32> to vector<1x1x16xf32>
          tpu.vector_store %arg7[%swap3A_382, %swap3A_383, %swap3A_384], %swap3A_387 {strides = array<i32>} : memref<6x8x1024xf32, #tpu.memory_space<vmem>>, vector<1x1x16xf32>,
          %get3A_388 = arith.constant 0 : i32
          %get3A_389 = arith.constant 2 : i32
          %get3A_390 = arith.index_cast %get3A_388 : i32 to index
          %get3A_391 = arith.index_cast %get3A_389 : i32 to index
          %get3A_392 = arith.index_cast %mul3A_339 : i32 to index
          %get3A_393 = tpu.vector_load %arg6[%get3A_390, %get3A_391, %get3A_392] {strides = array<i32>} : memref<6x8x1024xf32, #tpu.memory_space<vmem>>, vector<1x1x16xf32>,
          %get3A_394 = vector.shape_cast %get3A_393 : vector<1x1x16xf32> to vector<16xf32>
          %mul3A_395 = arith.constant 6.400000e+01 : f32
          %mul3A_396 = vector.broadcast %mul3A_395 : f32 to vector<16xf32>
          %mul3A_397 = arith.mulf %get3A_394, %mul3A_396 : vector<16xf32>
          %add3A_398 = arith.constant 2 : i32
          %add3A_399 = arith.addi %mul3A_282, %add3A_398 : i32
          %eq3A_400 = vector.broadcast %add3A_399 : i32 to vector<16xi32>
          %eq3A_401 = arith.cmpi eq, %get3A_341, %eq3A_400 : vector<16xi32>
          %add3A_402 = arith.addf %mul3A_397, %broadcast_in_dim3A_1 : vector<16xf32>
          %select_n3A_403 = arith.select %eq3A_401, %add3A_402, %mul3A_397 : vector<16xi1>, vector<16xf32>
          %swap3A_404 = arith.constant 0 : i32
          %swap3A_405 = arith.constant 2 : i32
          %swap3A_406 = arith.index_cast %swap3A_404 : i32 to index
          %swap3A_407 = arith.index_cast %swap3A_405 : i32 to index
          %swap3A_408 = arith.index_cast %mul3A_339 : i32 to index
          %swap3A_409 = tpu.vector_load %arg7[%swap3A_406, %swap3A_407, %swap3A_408] {strides = array<i32>} : memref<6x8x1024xf32, #tpu.memory_space<vmem>>, vector<1x1x16xf32>,
          %swap3A_410 = vector.shape_cast %swap3A_409 : vector<1x1x16xf32> to vector<16xf32>
          %swap3A_411 = vector.shape_cast %select_n3A_403 : vector<16xf32> to vector<1x1x16xf32>
          tpu.vector_store %arg7[%swap3A_406, %swap3A_407, %swap3A_408], %swap3A_411 {strides = array<i32>} : memref<6x8x1024xf32, #tpu.memory_space<vmem>>, vector<1x1x16xf32>,
          %get3A_412 = arith.constant 0 : i32
          %get3A_413 = arith.constant 3 : i32
          %get3A_414 = arith.index_cast %get3A_412 : i32 to index
          %get3A_415 = arith.index_cast %get3A_413 : i32 to index
          %get3A_416 = arith.index_cast %mul3A_339 : i32 to index
          %get3A_417 = tpu.vector_load %arg6[%get3A_414, %get3A_415, %get3A_416] {strides = array<i32>} : memref<6x8x1024xf32, #tpu.memory_space<vmem>>, vector<1x1x16xf32>,
          %get3A_418 = vector.shape_cast %get3A_417 : vector<1x1x16xf32> to vector<16xf32>
          %mul3A_419 = arith.constant 6.400000e+01 : f32
          %mul3A_420 = vector.broadcast %mul3A_419 : f32 to vector<16xf32>
          %mul3A_421 = arith.mulf %get3A_418, %mul3A_420 : vector<16xf32>
          %add3A_422 = arith.constant 3 : i32
          %add3A_423 = arith.addi %mul3A_282, %add3A_422 : i32
          %eq3A_424 = vector.broadcast %add3A_423 : i32 to vector<16xi32>
          %eq3A_425 = arith.cmpi eq, %get3A_341, %eq3A_424 : vector<16xi32>
          %add3A_426 = arith.addf %mul3A_421, %broadcast_in_dim3A_1 : vector<16xf32>
          %select_n3A_427 = arith.select %eq3A_425, %add3A_426, %mul3A_421 : vector<16xi1>, vector<16xf32>
          %swap3A_428 = arith.constant 0 : i32
          %swap3A_429 = arith.constant 3 : i32
          %swap3A_430 = arith.index_cast %swap3A_428 : i32 to index
          %swap3A_431 = arith.index_cast %swap3A_429 : i32 to index
          %swap3A_432 = arith.index_cast %mul3A_339 : i32 to index
          %swap3A_433 = tpu.vector_load %arg7[%swap3A_430, %swap3A_431, %swap3A_432] {strides = array<i32>} : memref<6x8x1024xf32, #tpu.memory_space<vmem>>, vector<1x1x16xf32>,
          %swap3A_434 = vector.shape_cast %swap3A_433 : vector<1x1x16xf32> to vector<16xf32>
          %swap3A_435 = vector.shape_cast %select_n3A_427 : vector<16xf32> to vector<1x1x16xf32>
          tpu.vector_store %arg7[%swap3A_430, %swap3A_431, %swap3A_432], %swap3A_435 {strides = array<i32>} : memref<6x8x1024xf32, #tpu.memory_space<vmem>>, vector<1x1x16xf32>,
          %get3A_436 = arith.constant 0 : i32
          %get3A_437 = arith.constant 4 : i32
          %get3A_438 = arith.index_cast %get3A_436 : i32 to index
          %get3A_439 = arith.index_cast %get3A_437 : i32 to index
          %get3A_440 = arith.index_cast %mul3A_339 : i32 to index
          %get3A_441 = tpu.vector_load %arg6[%get3A_438, %get3A_439, %get3A_440] {strides = array<i32>} : memref<6x8x1024xf32, #tpu.memory_space<vmem>>, vector<1x1x16xf32>,
          %get3A_442 = vector.shape_cast %get3A_441 : vector<1x1x16xf32> to vector<16xf32>
          %mul3A_443 = arith.constant 6.400000e+01 : f32
          %mul3A_444 = vector.broadcast %mul3A_443 : f32 to vector<16xf32>
          %mul3A_445 = arith.mulf %get3A_442, %mul3A_444 : vector<16xf32>
          %add3A_446 = arith.constant 4 : i32
          %add3A_447 = arith.addi %mul3A_282, %add3A_446 : i32
          %eq3A_448 = vector.broadcast %add3A_447 : i32 to vector<16xi32>
          %eq3A_449 = arith.cmpi eq, %get3A_341, %eq3A_448 : vector<16xi32>
          %add3A_450 = arith.addf %mul3A_445, %broadcast_in_dim3A_1 : vector<16xf32>
          %select_n3A_451 = arith.select %eq3A_449, %add3A_450, %mul3A_445 : vector<16xi1>, vector<16xf32>
          %swap3A_452 = arith.constant 0 : i32
          %swap3A_453 = arith.constant 4 : i32
          %swap3A_454 = arith.index_cast %swap3A_452 : i32 to index
          %swap3A_455 = arith.index_cast %swap3A_453 : i32 to index
          %swap3A_456 = arith.index_cast %mul3A_339 : i32 to index
          %swap3A_457 = tpu.vector_load %arg7[%swap3A_454, %swap3A_455, %swap3A_456] {strides = array<i32>} : memref<6x8x1024xf32, #tpu.memory_space<vmem>>, vector<1x1x16xf32>,
          %swap3A_458 = vector.shape_cast %swap3A_457 : vector<1x1x16xf32> to vector<16xf32>
          %swap3A_459 = vector.shape_cast %select_n3A_451 : vector<16xf32> to vector<1x1x16xf32>
          tpu.vector_store %arg7[%swap3A_454, %swap3A_455, %swap3A_456], %swap3A_459 {strides = array<i32>} : memref<6x8x1024xf32, #tpu.memory_space<vmem>>, vector<1x1x16xf32>,
          %get3A_460 = arith.constant 0 : i32
          %get3A_461 = arith.constant 5 : i32
          %get3A_462 = arith.index_cast %get3A_460 : i32 to index
          %get3A_463 = arith.index_cast %get3A_461 : i32 to index
          %get3A_464 = arith.index_cast %mul3A_339 : i32 to index
          %get3A_465 = tpu.vector_load %arg6[%get3A_462, %get3A_463, %get3A_464] {strides = array<i32>} : memref<6x8x1024xf32, #tpu.memory_space<vmem>>, vector<1x1x16xf32>,
          %get3A_466 = vector.shape_cast %get3A_465 : vector<1x1x16xf32> to vector<16xf32>
          %mul3A_467 = arith.constant 6.400000e+01 : f32
          %mul3A_468 = vector.broadcast %mul3A_467 : f32 to vector<16xf32>
          %mul3A_469 = arith.mulf %get3A_466, %mul3A_468 : vector<16xf32>
          %add3A_470 = arith.constant 5 : i32
          %add3A_471 = arith.addi %mul3A_282, %add3A_470 : i32
          %eq3A_472 = vector.broadcast %add3A_471 : i32 to vector<16xi32>
          %eq3A_473 = arith.cmpi eq, %get3A_341, %eq3A_472 : vector<16xi32>
          %add3A_474 = arith.addf %mul3A_469, %broadcast_in_dim3A_1 : vector<16xf32>
          %select_n3A_475 = arith.select %eq3A_473, %add3A_474, %mul3A_469 : vector<16xi1>, vector<16xf32>
          %swap3A_476 = arith.constant 0 : i32
          %swap3A_477 = arith.constant 5 : i32
          %swap3A_478 = arith.index_cast %swap3A_476 : i32 to index
          %swap3A_479 = arith.index_cast %swap3A_477 : i32 to index
          %swap3A_480 = arith.index_cast %mul3A_339 : i32 to index
          %swap3A_481 = tpu.vector_load %arg7[%swap3A_478, %swap3A_479, %swap3A_480] {strides = array<i32>} : memref<6x8x1024xf32, #tpu.memory_space<vmem>>, vector<1x1x16xf32>,
          %swap3A_482 = vector.shape_cast %swap3A_481 : vector<1x1x16xf32> to vector<16xf32>
          %swap3A_483 = vector.shape_cast %select_n3A_475 : vector<16xf32> to vector<1x1x16xf32>
          tpu.vector_store %arg7[%swap3A_478, %swap3A_479, %swap3A_480], %swap3A_483 {strides = array<i32>} : memref<6x8x1024xf32, #tpu.memory_space<vmem>>, vector<1x1x16xf32>,
          %get3A_484 = arith.constant 0 : i32
          %get3A_485 = arith.constant 6 : i32
          %get3A_486 = arith.index_cast %get3A_484 : i32 to index
          %get3A_487 = arith.index_cast %get3A_485 : i32 to index
          %get3A_488 = arith.index_cast %mul3A_339 : i32 to index
          %get3A_489 = tpu.vector_load %arg6[%get3A_486, %get3A_487, %get3A_488] {strides = array<i32>} : memref<6x8x1024xf32, #tpu.memory_space<vmem>>, vector<1x1x16xf32>,
          %get3A_490 = vector.shape_cast %get3A_489 : vector<1x1x16xf32> to vector<16xf32>
          %mul3A_491 = arith.constant 6.400000e+01 : f32
          %mul3A_492 = vector.broadcast %mul3A_491 : f32 to vector<16xf32>
          %mul3A_493 = arith.mulf %get3A_490, %mul3A_492 : vector<16xf32>
          %add3A_494 = arith.constant 6 : i32
          %add3A_495 = arith.addi %mul3A_282, %add3A_494 : i32
          %eq3A_496 = vector.broadcast %add3A_495 : i32 to vector<16xi32>
          %eq3A_497 = arith.cmpi eq, %get3A_341, %eq3A_496 : vector<16xi32>
          %add3A_498 = arith.addf %mul3A_493, %broadcast_in_dim3A_1 : vector<16xf32>
          %select_n3A_499 = arith.select %eq3A_497, %add3A_498, %mul3A_493 : vector<16xi1>, vector<16xf32>
          %swap3A_500 = arith.constant 0 : i32
          %swap3A_501 = arith.constant 6 : i32
          %swap3A_502 = arith.index_cast %swap3A_500 : i32 to index
          %swap3A_503 = arith.index_cast %swap3A_501 : i32 to index
          %swap3A_504 = arith.index_cast %mul3A_339 : i32 to index
          %swap3A_505 = tpu.vector_load %arg7[%swap3A_502, %swap3A_503, %swap3A_504] {strides = array<i32>} : memref<6x8x1024xf32, #tpu.memory_space<vmem>>, vector<1x1x16xf32>,
          %swap3A_506 = vector.shape_cast %swap3A_505 : vector<1x1x16xf32> to vector<16xf32>
          %swap3A_507 = vector.shape_cast %select_n3A_499 : vector<16xf32> to vector<1x1x16xf32>
          tpu.vector_store %arg7[%swap3A_502, %swap3A_503, %swap3A_504], %swap3A_507 {strides = array<i32>} : memref<6x8x1024xf32, #tpu.memory_space<vmem>>, vector<1x1x16xf32>,
          %get3A_508 = arith.constant 0 : i32
          %get3A_509 = arith.constant 7 : i32
          %get3A_510 = arith.index_cast %get3A_508 : i32 to index
          %get3A_511 = arith.index_cast %get3A_509 : i32 to index
          %get3A_512 = arith.index_cast %mul3A_339 : i32 to index
          %get3A_513 = tpu.vector_load %arg6[%get3A_510, %get3A_511, %get3A_512] {strides = array<i32>} : memref<6x8x1024xf32, #tpu.memory_space<vmem>>, vector<1x1x16xf32>,
          %get3A_514 = vector.shape_cast %get3A_513 : vector<1x1x16xf32> to vector<16xf32>
          %mul3A_515 = arith.constant 6.400000e+01 : f32
          %mul3A_516 = vector.broadcast %mul3A_515 : f32 to vector<16xf32>
          %mul3A_517 = arith.mulf %get3A_514, %mul3A_516 : vector<16xf32>
          %add3A_518 = arith.constant 7 : i32
          %add3A_519 = arith.addi %mul3A_282, %add3A_518 : i32
          %eq3A_520 = vector.broadcast %add3A_519 : i32 to vector<16xi32>
          %eq3A_521 = arith.cmpi eq, %get3A_341, %eq3A_520 : vector<16xi32>
          %add3A_522 = arith.addf %mul3A_517, %broadcast_in_dim3A_1 : vector<16xf32>
          %select_n3A_523 = arith.select %eq3A_521, %add3A_522, %mul3A_517 : vector<16xi1>, vector<16xf32>
          %swap3A_524 = arith.constant 0 : i32
          %swap3A_525 = arith.constant 7 : i32
          %swap3A_526 = arith.index_cast %swap3A_524 : i32 to index
          %swap3A_527 = arith.index_cast %swap3A_525 : i32 to index
          %swap3A_528 = arith.index_cast %mul3A_339 : i32 to index
          %swap3A_529 = tpu.vector_load %arg7[%swap3A_526, %swap3A_527, %swap3A_528] {strides = array<i32>} : memref<6x8x1024xf32, #tpu.memory_space<vmem>>, vector<1x1x16xf32>,
          %swap3A_530 = vector.shape_cast %swap3A_529 : vector<1x1x16xf32> to vector<16xf32>
          %swap3A_531 = vector.shape_cast %select_n3A_523 : vector<16xf32> to vector<1x1x16xf32>
          tpu.vector_store %arg7[%swap3A_526, %swap3A_527, %swap3A_528], %swap3A_531 {strides = array<i32>} : memref<6x8x1024xf32, #tpu.memory_space<vmem>>, vector<1x1x16xf32>,
        }
        %scan3A_309 = arith.constant 64 : i32
        %multiple_of3A_310 = tpu.assume_multiple %mul3A_282, 8 : i32
        %dma_start3A_311 = arith.constant 0 : i32
        %dma_start3A_312 = arith.constant 0 : i32
        %dma_start3A_313 = arith.constant 0 : i32
        %dma_start3A_314 = arith.constant 0 : i32
        %dma_start3A_315 = tpu.memref_slice %arg7[%dma_start3A_311, %dma_start3A_313, %dma_start3A_314] : memref<6x8x1024xf32, #tpu.memory_space<vmem>> -> memref<1x8x1024xf32, #tpu.memory_space<vmem>>
        %dma_start3A_316 = tpu.memref_squeeze %dma_start3A_315 : memref<1x8x1024xf32, #tpu.memory_space<vmem>> -> memref<8x1024xf32, #tpu.memory_space<vmem>>
        %dma_start3A_317 = arith.constant 0 : i32
        %dma_start3A_318 = tpu.memref_slice %arg4[%multiple_of3A_310, %dma_start3A_317] : memref<100000x1024xf32, #tpu.memory_space<hbm>> -> memref<8x1024xf32, #tpu.memory_space<hbm>>
        %dma_start3A_319 = tpu.memref_slice %arg9[%dma_start3A_312] : memref<6x!tpu.dma_semaphore, #tpu.memory_space<semaphore_mem>> -> memref<1x!tpu.dma_semaphore, #tpu.memory_space<semaphore_mem>>
        %dma_start3A_320 = tpu.memref_squeeze %dma_start3A_319 : memref<1x!tpu.dma_semaphore, #tpu.memory_space<semaphore_mem>> -> memref<!tpu.dma_semaphore, #tpu.memory_space<semaphore_mem>>
        %dma_start3A_321 = arith.constant 0 : i32
        %dma_start3A_322 = tpu.memref_slice %arg4[%multiple_of3A_310, %dma_start3A_321] : memref<100000x1024xf32, #tpu.memory_space<hbm>> -> memref<8x1024xf32, #tpu.memory_space<hbm>>
        %dma_start3A_323 = arith.constant 0 : i32
        %dma_start3A_324 = arith.constant 0 : i32
        %dma_start3A_325 = tpu.memref_slice %arg7[%dma_start3A_311, %dma_start3A_323, %dma_start3A_324] : memref<6x8x1024xf32, #tpu.memory_space<vmem>> -> memref<1x8x1024xf32, #tpu.memory_space<vmem>>
        %dma_start3A_326 = tpu.memref_squeeze %dma_start3A_325 : memref<1x8x1024xf32, #tpu.memory_space<vmem>> -> memref<8x1024xf32, #tpu.memory_space<vmem>>
        tpu.enqueue_dma source(%dma_start3A_326 : memref<8x1024xf32, #tpu.memory_space<vmem>>) target(%dma_start3A_322 : memref<8x1024xf32, #tpu.memory_space<hbm>>) target_semaphore(%dma_start3A_320 : memref<!tpu.dma_semaphore, #tpu.memory_space<semaphore_mem>>)
        %add3A_327 = arith.constant 6 : i32
        %add3A_328 = arith.addi %add3A_245, %add3A_327 : i32
        %lt3A_329 = arith.cmpi slt, %add3A_328, %select_n3A : i32
        %convert_element_type3A_330 = arith.extui %lt3A_329 : i1 to i32
        %cond3A_331 = arith.constant 0 : i32
        %cond3A_332 = arith.cmpi ne, %convert_element_type3A_330, %cond3A_331 : i32
        scf.if %cond3A_332 {
          %add3A_333 = arith.constant 6 : i32
          %add3A_334 = arith.addi %add3A_245, %add3A_333 : i32
          %mul3A_335 = arith.constant 32 : i32
          %mul3A_336 = arith.muli %add3A_334, %mul3A_335 : i32
          %add3A_337 = arith.addi %add3A, %mul3A_336 : i32
          %mul3A_338 = arith.constant 8 : i32
          %mul3A_339 = arith.muli %add3A_337, %mul3A_338 : i32
          %multiple_of3A_340 = tpu.assume_multiple %mul3A_339, 8 : i32
          %dma_start3A_341 = arith.constant 0 : i32
          %dma_start3A_342 = arith.constant 0 : i32
          %dma_start3A_343 = arith.constant 0 : i32
          %dma_start3A_344 = arith.constant 0 : i32
          %dma_start3A_345 = tpu.memref_slice %arg6[%dma_start3A_341, %dma_start3A_343, %dma_start3A_344] : memref<6x8x1024xf32, #tpu.memory_space<vmem>> -> memref<1x8x1024xf32, #tpu.memory_space<vmem>>
          %dma_start3A_346 = tpu.memref_squeeze %dma_start3A_345 : memref<1x8x1024xf32, #tpu.memory_space<vmem>> -> memref<8x1024xf32, #tpu.memory_space<vmem>>
          %dma_start3A_347 = arith.constant 0 : i32
          %dma_start3A_348 = tpu.memref_slice %arg2[%multiple_of3A_340, %dma_start3A_347] : memref<100000x1024xf32, #tpu.memory_space<hbm>> -> memref<8x1024xf32, #tpu.memory_space<hbm>>
          %dma_start3A_349 = tpu.memref_slice %arg8[%dma_start3A_342] : memref<6x!tpu.dma_semaphore, #tpu.memory_space<semaphore_mem>> -> memref<1x!tpu.dma_semaphore, #tpu.memory_space<semaphore_mem>>
          %dma_start3A_350 = tpu.memref_squeeze %dma_start3A_349 : memref<1x!tpu.dma_semaphore, #tpu.memory_space<semaphore_mem>> -> memref<!tpu.dma_semaphore, #tpu.memory_space<semaphore_mem>>
          %dma_start3A_351 = arith.constant 0 : i32
          %dma_start3A_352 = arith.constant 0 : i32
          %dma_start3A_353 = tpu.memref_slice %arg6[%dma_start3A_341, %dma_start3A_351, %dma_start3A_352] : memref<6x8x1024xf32, #tpu.memory_space<vmem>> -> memref<1x8x1024xf32, #tpu.memory_space<vmem>>
          %dma_start3A_354 = tpu.memref_squeeze %dma_start3A_353 : memref<1x8x1024xf32, #tpu.memory_space<vmem>> -> memref<8x1024xf32, #tpu.memory_space<vmem>>
          %dma_start3A_355 = arith.constant 0 : i32
          %dma_start3A_356 = tpu.memref_slice %arg2[%multiple_of3A_340, %dma_start3A_355] : memref<100000x1024xf32, #tpu.memory_space<hbm>> -> memref<8x1024xf32, #tpu.memory_space<hbm>>
          tpu.enqueue_dma source(%dma_start3A_356 : memref<8x1024xf32, #tpu.memory_space<hbm>>) target(%dma_start3A_354 : memref<8x1024xf32, #tpu.memory_space<vmem>>) target_semaphore(%dma_start3A_350 : memref<!tpu.dma_semaphore, #tpu.memory_space<semaphore_mem>>)
        } else {
        }
      } else {
      }
      %add3A_248 = arith.constant 1 : i32
      %add3A_249 = arith.addi %add3A_243, %add3A_248 : i32
      %lt3A_250 = arith.cmpi slt, %add3A_249, %select_n3A : i32
      %convert_element_type3A_251 = arith.extui %lt3A_250 : i1 to i32
      %cond3A_252 = arith.constant 0 : i32
      %cond3A_253 = arith.cmpi ne, %convert_element_type3A_251, %cond3A_252 : i32
      scf.if %cond3A_253 {
        %mul3A_278 = arith.constant 32 : i32
        %mul3A_279 = arith.muli %add3A_249, %mul3A_278 : i32
        %add3A_280 = arith.addi %add3A, %mul3A_279 : i32
        %mul3A_281 = arith.constant 8 : i32
        %mul3A_282 = arith.muli %add3A_280, %mul3A_281 : i32
        %dma_wait3A_283 = arith.constant 1 : i32
        %dma_wait3A_284 = arith.constant 1 : i32
        %dma_wait3A_285 = arith.constant 0 : i32
        %dma_wait3A_286 = arith.constant 0 : i32
        %dma_wait3A_287 = tpu.memref_slice %arg6[%dma_wait3A_283, %dma_wait3A_285, %dma_wait3A_286] : memref<6x8x1024xf32, #tpu.memory_space<vmem>> -> memref<1x8x1024xf32, #tpu.memory_space<vmem>>
        %dma_wait3A_288 = tpu.memref_squeeze %dma_wait3A_287 : memref<1x8x1024xf32, #tpu.memory_space<vmem>> -> memref<8x1024xf32, #tpu.memory_space<vmem>>
        %dma_wait3A_289 = arith.constant 0 : i32
        %dma_wait3A_290 = arith.constant 0 : i32
        %dma_wait3A_291 = tpu.memref_slice %arg2[%dma_wait3A_289, %dma_wait3A_290] : memref<100000x1024xf32, #tpu.memory_space<hbm>> -> memref<8x1024xf32, #tpu.memory_space<hbm>>
        %dma_wait3A_292 = tpu.memref_slice %arg8[%dma_wait3A_284] : memref<6x!tpu.dma_semaphore, #tpu.memory_space<semaphore_mem>> -> memref<1x!tpu.dma_semaphore, #tpu.memory_space<semaphore_mem>>
        %dma_wait3A_293 = tpu.memref_squeeze %dma_wait3A_292 : memref<1x!tpu.dma_semaphore, #tpu.memory_space<semaphore_mem>> -> memref<!tpu.dma_semaphore, #tpu.memory_space<semaphore_mem>>
        %dma_wait3A_294 = arith.constant 0 : i32
        %dma_wait3A_295 = arith.constant 0 : i32
        %dma_wait3A_296 = tpu.memref_slice %arg6[%dma_wait3A_283, %dma_wait3A_294, %dma_wait3A_295] : memref<6x8x1024xf32, #tpu.memory_space<vmem>> -> memref<1x8x1024xf32, #tpu.memory_space<vmem>>
        %dma_wait3A_297 = tpu.memref_squeeze %dma_wait3A_296 : memref<1x8x1024xf32, #tpu.memory_space<vmem>> -> memref<8x1024xf32, #tpu.memory_space<vmem>>
        %dma_wait3A_298 = arith.constant 0 : i32
        %dma_wait3A_299 = arith.constant 0 : i32
        %dma_wait3A_300 = tpu.memref_slice %arg2[%dma_wait3A_298, %dma_wait3A_299] : memref<100000x1024xf32, #tpu.memory_space<hbm>> -> memref<8x1024xf32, #tpu.memory_space<hbm>>
        tpu.wait_dma2 semaphore(%dma_wait3A_293 : memref<!tpu.dma_semaphore, #tpu.memory_space<semaphore_mem>>) src(%dma_wait3A_300 : memref<8x1024xf32, #tpu.memory_space<hbm>>) dst(%dma_wait3A_297 : memref<8x1024xf32, #tpu.memory_space<vmem>>)
        %ge3A = arith.constant 6 : i32
        %ge3A_301 = arith.cmpi sge, %add3A_249, %ge3A : i32
        %convert_element_type3A_302 = arith.extui %ge3A_301 : i1 to i32
        %cond3A_303 = arith.constant 0 : i32
        %cond3A_304 = arith.cmpi ne, %convert_element_type3A_302, %cond3A_303 : i32
        scf.if %cond3A_304 {
          %dma_wait3A_333 = arith.constant 1 : i32
          %dma_wait3A_334 = arith.constant 1 : i32
          %dma_wait3A_335 = arith.constant 0 : i32
          %dma_wait3A_336 = arith.constant 0 : i32
          %dma_wait3A_337 = tpu.memref_slice %arg7[%dma_wait3A_333, %dma_wait3A_335, %dma_wait3A_336] : memref<6x8x1024xf32, #tpu.memory_space<vmem>> -> memref<1x8x1024xf32, #tpu.memory_space<vmem>>
          %dma_wait3A_338 = tpu.memref_squeeze %dma_wait3A_337 : memref<1x8x1024xf32, #tpu.memory_space<vmem>> -> memref<8x1024xf32, #tpu.memory_space<vmem>>
          %dma_wait3A_339 = arith.constant 0 : i32
          %dma_wait3A_340 = arith.constant 0 : i32
          %dma_wait3A_341 = tpu.memref_slice %arg2[%dma_wait3A_339, %dma_wait3A_340] : memref<100000x1024xf32, #tpu.memory_space<hbm>> -> memref<8x1024xf32, #tpu.memory_space<hbm>>
          %dma_wait3A_342 = tpu.memref_slice %arg9[%dma_wait3A_334] : memref<6x!tpu.dma_semaphore, #tpu.memory_space<semaphore_mem>> -> memref<1x!tpu.dma_semaphore, #tpu.memory_space<semaphore_mem>>
          %dma_wait3A_343 = tpu.memref_squeeze %dma_wait3A_342 : memref<1x!tpu.dma_semaphore, #tpu.memory_space<semaphore_mem>> -> memref<!tpu.dma_semaphore, #tpu.memory_space<semaphore_mem>>
          %dma_wait3A_344 = arith.constant 0 : i32
          %dma_wait3A_345 = arith.constant 0 : i32
          %dma_wait3A_346 = tpu.memref_slice %arg7[%dma_wait3A_333, %dma_wait3A_344, %dma_wait3A_345] : memref<6x8x1024xf32, #tpu.memory_space<vmem>> -> memref<1x8x1024xf32, #tpu.memory_space<vmem>>
          %dma_wait3A_347 = tpu.memref_squeeze %dma_wait3A_346 : memref<1x8x1024xf32, #tpu.memory_space<vmem>> -> memref<8x1024xf32, #tpu.memory_space<vmem>>
          %dma_wait3A_348 = arith.constant 0 : i32
          %dma_wait3A_349 = arith.constant 0 : i32
          %dma_wait3A_350 = tpu.memref_slice %arg2[%dma_wait3A_348, %dma_wait3A_349] : memref<100000x1024xf32, #tpu.memory_space<hbm>> -> memref<8x1024xf32, #tpu.memory_space<hbm>>
          tpu.wait_dma2 semaphore(%dma_wait3A_343 : memref<!tpu.dma_semaphore, #tpu.memory_space<semaphore_mem>>) src(%dma_wait3A_350 : memref<8x1024xf32, #tpu.memory_space<hbm>>) dst(%dma_wait3A_347 : memref<8x1024xf32, #tpu.memory_space<vmem>>)
        } else {
        }
        %scan3A_305 = arith.constant 0 : i32
        %scan3A_306 = arith.constant 64 : i32
        %scan3A_307 = arith.addi %scan3A_305, %scan3A_306 : i32
        %scan3A_308 = arith.constant 1 : i32
        scf.for %scan3A_333 = %scan3A_305 to %scan3A_307 step %scan3A_308  : i32 {
          %mul3A_334 = arith.constant 1 : i32
          %mul3A_335 = arith.muli %scan3A_333, %mul3A_334 : i32
          %add3A_336 = arith.constant 0 : i32
          %add3A_337 = arith.addi %add3A_336, %mul3A_335 : i32
          %mul3A_338 = arith.constant 16 : i32
          %mul3A_339 = arith.muli %add3A_337, %mul3A_338 : i32
          %get3A = arith.index_cast %mul3A_339 : i32 to index
          %get3A_340 = tpu.vector_load %arg5[%get3A] {strides = array<i32>} : memref<1024xi32, #tpu.memory_space<vmem>>, vector<16xi32>,
          %get3A_341 = vector.shape_cast %get3A_340 : vector<16xi32> to vector<16xi32>
          %get3A_342 = arith.constant 1 : i32
          %get3A_343 = arith.constant 0 : i32
          %get3A_344 = arith.index_cast %get3A_342 : i32 to index
          %get3A_345 = arith.index_cast %get3A_343 : i32 to index
          %get3A_346 = arith.index_cast %mul3A_339 : i32 to index
          %get3A_347 = tpu.vector_load %arg6[%get3A_344, %get3A_345, %get3A_346] {strides = array<i32>} : memref<6x8x1024xf32, #tpu.memory_space<vmem>>, vector<1x1x16xf32>,
          %get3A_348 = vector.shape_cast %get3A_347 : vector<1x1x16xf32> to vector<16xf32>
          %mul3A_349 = arith.constant 6.400000e+01 : f32
          %mul3A_350 = vector.broadcast %mul3A_349 : f32 to vector<16xf32>
          %mul3A_351 = arith.mulf %get3A_348, %mul3A_350 : vector<16xf32>
          %add3A_352 = arith.constant 0 : i32
          %add3A_353 = arith.addi %mul3A_282, %add3A_352 : i32
          %eq3A = vector.broadcast %add3A_353 : i32 to vector<16xi32>
          %eq3A_354 = arith.cmpi eq, %get3A_341, %eq3A : vector<16xi32>
          %add3A_355 = arith.addf %mul3A_351, %broadcast_in_dim3A_1 : vector<16xf32>
          %select_n3A_356 = arith.select %eq3A_354, %add3A_355, %mul3A_351 : vector<16xi1>, vector<16xf32>
          %swap3A = arith.constant 1 : i32
          %swap3A_357 = arith.constant 0 : i32
          %swap3A_358 = arith.index_cast %swap3A : i32 to index
          %swap3A_359 = arith.index_cast %swap3A_357 : i32 to index
          %swap3A_360 = arith.index_cast %mul3A_339 : i32 to index
          %swap3A_361 = tpu.vector_load %arg7[%swap3A_358, %swap3A_359, %swap3A_360] {strides = array<i32>} : memref<6x8x1024xf32, #tpu.memory_space<vmem>>, vector<1x1x16xf32>,
          %swap3A_362 = vector.shape_cast %swap3A_361 : vector<1x1x16xf32> to vector<16xf32>
          %swap3A_363 = vector.shape_cast %select_n3A_356 : vector<16xf32> to vector<1x1x16xf32>
          tpu.vector_store %arg7[%swap3A_358, %swap3A_359, %swap3A_360], %swap3A_363 {strides = array<i32>} : memref<6x8x1024xf32, #tpu.memory_space<vmem>>, vector<1x1x16xf32>,
          %get3A_364 = arith.constant 1 : i32
          %get3A_365 = arith.constant 1 : i32
          %get3A_366 = arith.index_cast %get3A_364 : i32 to index
          %get3A_367 = arith.index_cast %get3A_365 : i32 to index
          %get3A_368 = arith.index_cast %mul3A_339 : i32 to index
          %get3A_369 = tpu.vector_load %arg6[%get3A_366, %get3A_367, %get3A_368] {strides = array<i32>} : memref<6x8x1024xf32, #tpu.memory_space<vmem>>, vector<1x1x16xf32>,
          %get3A_370 = vector.shape_cast %get3A_369 : vector<1x1x16xf32> to vector<16xf32>
          %mul3A_371 = arith.constant 6.400000e+01 : f32
          %mul3A_372 = vector.broadcast %mul3A_371 : f32 to vector<16xf32>
          %mul3A_373 = arith.mulf %get3A_370, %mul3A_372 : vector<16xf32>
          %add3A_374 = arith.constant 1 : i32
          %add3A_375 = arith.addi %mul3A_282, %add3A_374 : i32
          %eq3A_376 = vector.broadcast %add3A_375 : i32 to vector<16xi32>
          %eq3A_377 = arith.cmpi eq, %get3A_341, %eq3A_376 : vector<16xi32>
          %add3A_378 = arith.addf %mul3A_373, %broadcast_in_dim3A_1 : vector<16xf32>
          %select_n3A_379 = arith.select %eq3A_377, %add3A_378, %mul3A_373 : vector<16xi1>, vector<16xf32>
          %swap3A_380 = arith.constant 1 : i32
          %swap3A_381 = arith.constant 1 : i32
          %swap3A_382 = arith.index_cast %swap3A_380 : i32 to index
          %swap3A_383 = arith.index_cast %swap3A_381 : i32 to index
          %swap3A_384 = arith.index_cast %mul3A_339 : i32 to index
          %swap3A_385 = tpu.vector_load %arg7[%swap3A_382, %swap3A_383, %swap3A_384] {strides = array<i32>} : memref<6x8x1024xf32, #tpu.memory_space<vmem>>, vector<1x1x16xf32>,
          %swap3A_386 = vector.shape_cast %swap3A_385 : vector<1x1x16xf32> to vector<16xf32>
          %swap3A_387 = vector.shape_cast %select_n3A_379 : vector<16xf32> to vector<1x1x16xf32>
          tpu.vector_store %arg7[%swap3A_382, %swap3A_383, %swap3A_384], %swap3A_387 {strides = array<i32>} : memref<6x8x1024xf32, #tpu.memory_space<vmem>>, vector<1x1x16xf32>,
          %get3A_388 = arith.constant 1 : i32
          %get3A_389 = arith.constant 2 : i32
          %get3A_390 = arith.index_cast %get3A_388 : i32 to index
          %get3A_391 = arith.index_cast %get3A_389 : i32 to index
          %get3A_392 = arith.index_cast %mul3A_339 : i32 to index
          %get3A_393 = tpu.vector_load %arg6[%get3A_390, %get3A_391, %get3A_392] {strides = array<i32>} : memref<6x8x1024xf32, #tpu.memory_space<vmem>>, vector<1x1x16xf32>,
          %get3A_394 = vector.shape_cast %get3A_393 : vector<1x1x16xf32> to vector<16xf32>
          %mul3A_395 = arith.constant 6.400000e+01 : f32
          %mul3A_396 = vector.broadcast %mul3A_395 : f32 to vector<16xf32>
          %mul3A_397 = arith.mulf %get3A_394, %mul3A_396 : vector<16xf32>
          %add3A_398 = arith.constant 2 : i32
          %add3A_399 = arith.addi %mul3A_282, %add3A_398 : i32
          %eq3A_400 = vector.broadcast %add3A_399 : i32 to vector<16xi32>
          %eq3A_401 = arith.cmpi eq, %get3A_341, %eq3A_400 : vector<16xi32>
          %add3A_402 = arith.addf %mul3A_397, %broadcast_in_dim3A_1 : vector<16xf32>
          %select_n3A_403 = arith.select %eq3A_401, %add3A_402, %mul3A_397 : vector<16xi1>, vector<16xf32>
          %swap3A_404 = arith.constant 1 : i32
          %swap3A_405 = arith.constant 2 : i32
          %swap3A_406 = arith.index_cast %swap3A_404 : i32 to index
          %swap3A_407 = arith.index_cast %swap3A_405 : i32 to index
          %swap3A_408 = arith.index_cast %mul3A_339 : i32 to index
          %swap3A_409 = tpu.vector_load %arg7[%swap3A_406, %swap3A_407, %swap3A_408] {strides = array<i32>} : memref<6x8x1024xf32, #tpu.memory_space<vmem>>, vector<1x1x16xf32>,
          %swap3A_410 = vector.shape_cast %swap3A_409 : vector<1x1x16xf32> to vector<16xf32>
          %swap3A_411 = vector.shape_cast %select_n3A_403 : vector<16xf32> to vector<1x1x16xf32>
          tpu.vector_store %arg7[%swap3A_406, %swap3A_407, %swap3A_408], %swap3A_411 {strides = array<i32>} : memref<6x8x1024xf32, #tpu.memory_space<vmem>>, vector<1x1x16xf32>,
          %get3A_412 = arith.constant 1 : i32
          %get3A_413 = arith.constant 3 : i32
          %get3A_414 = arith.index_cast %get3A_412 : i32 to index
          %get3A_415 = arith.index_cast %get3A_413 : i32 to index
          %get3A_416 = arith.index_cast %mul3A_339 : i32 to index
          %get3A_417 = tpu.vector_load %arg6[%get3A_414, %get3A_415, %get3A_416] {strides = array<i32>} : memref<6x8x1024xf32, #tpu.memory_space<vmem>>, vector<1x1x16xf32>,
          %get3A_418 = vector.shape_cast %get3A_417 : vector<1x1x16xf32> to vector<16xf32>
          %mul3A_419 = arith.constant 6.400000e+01 : f32
          %mul3A_420 = vector.broadcast %mul3A_419 : f32 to vector<16xf32>
          %mul3A_421 = arith.mulf %get3A_418, %mul3A_420 : vector<16xf32>
          %add3A_422 = arith.constant 3 : i32
          %add3A_423 = arith.addi %mul3A_282, %add3A_422 : i32
          %eq3A_424 = vector.broadcast %add3A_423 : i32 to vector<16xi32>
          %eq3A_425 = arith.cmpi eq, %get3A_341, %eq3A_424 : vector<16xi32>
          %add3A_426 = arith.addf %mul3A_421, %broadcast_in_dim3A_1 : vector<16xf32>
          %select_n3A_427 = arith.select %eq3A_425, %add3A_426, %mul3A_421 : vector<16xi1>, vector<16xf32>
          %swap3A_428 = arith.constant 1 : i32
          %swap3A_429 = arith.constant 3 : i32
          %swap3A_430 = arith.index_cast %swap3A_428 : i32 to index
          %swap3A_431 = arith.index_cast %swap3A_429 : i32 to index
          %swap3A_432 = arith.index_cast %mul3A_339 : i32 to index
          %swap3A_433 = tpu.vector_load %arg7[%swap3A_430, %swap3A_431, %swap3A_432] {strides = array<i32>} : memref<6x8x1024xf32, #tpu.memory_space<vmem>>, vector<1x1x16xf32>,
          %swap3A_434 = vector.shape_cast %swap3A_433 : vector<1x1x16xf32> to vector<16xf32>
          %swap3A_435 = vector.shape_cast %select_n3A_427 : vector<16xf32> to vector<1x1x16xf32>
          tpu.vector_store %arg7[%swap3A_430, %swap3A_431, %swap3A_432], %swap3A_435 {strides = array<i32>} : memref<6x8x1024xf32, #tpu.memory_space<vmem>>, vector<1x1x16xf32>,
          %get3A_436 = arith.constant 1 : i32
          %get3A_437 = arith.constant 4 : i32
          %get3A_438 = arith.index_cast %get3A_436 : i32 to index
          %get3A_439 = arith.index_cast %get3A_437 : i32 to index
          %get3A_440 = arith.index_cast %mul3A_339 : i32 to index
          %get3A_441 = tpu.vector_load %arg6[%get3A_438, %get3A_439, %get3A_440] {strides = array<i32>} : memref<6x8x1024xf32, #tpu.memory_space<vmem>>, vector<1x1x16xf32>,
          %get3A_442 = vector.shape_cast %get3A_441 : vector<1x1x16xf32> to vector<16xf32>
          %mul3A_443 = arith.constant 6.400000e+01 : f32
          %mul3A_444 = vector.broadcast %mul3A_443 : f32 to vector<16xf32>
          %mul3A_445 = arith.mulf %get3A_442, %mul3A_444 : vector<16xf32>
          %add3A_446 = arith.constant 4 : i32
          %add3A_447 = arith.addi %mul3A_282, %add3A_446 : i32
          %eq3A_448 = vector.broadcast %add3A_447 : i32 to vector<16xi32>
          %eq3A_449 = arith.cmpi eq, %get3A_341, %eq3A_448 : vector<16xi32>
          %add3A_450 = arith.addf %mul3A_445, %broadcast_in_dim3A_1 : vector<16xf32>
          %select_n3A_451 = arith.select %eq3A_449, %add3A_450, %mul3A_445 : vector<16xi1>, vector<16xf32>
          %swap3A_452 = arith.constant 1 : i32
          %swap3A_453 = arith.constant 4 : i32
          %swap3A_454 = arith.index_cast %swap3A_452 : i32 to index
          %swap3A_455 = arith.index_cast %swap3A_453 : i32 to index
          %swap3A_456 = arith.index_cast %mul3A_339 : i32 to index
          %swap3A_457 = tpu.vector_load %arg7[%swap3A_454, %swap3A_455, %swap3A_456] {strides = array<i32>} : memref<6x8x1024xf32, #tpu.memory_space<vmem>>, vector<1x1x16xf32>,
          %swap3A_458 = vector.shape_cast %swap3A_457 : vector<1x1x16xf32> to vector<16xf32>
          %swap3A_459 = vector.shape_cast %select_n3A_451 : vector<16xf32> to vector<1x1x16xf32>
          tpu.vector_store %arg7[%swap3A_454, %swap3A_455, %swap3A_456], %swap3A_459 {strides = array<i32>} : memref<6x8x1024xf32, #tpu.memory_space<vmem>>, vector<1x1x16xf32>,
          %get3A_460 = arith.constant 1 : i32
          %get3A_461 = arith.constant 5 : i32
          %get3A_462 = arith.index_cast %get3A_460 : i32 to index
          %get3A_463 = arith.index_cast %get3A_461 : i32 to index
          %get3A_464 = arith.index_cast %mul3A_339 : i32 to index
          %get3A_465 = tpu.vector_load %arg6[%get3A_462, %get3A_463, %get3A_464] {strides = array<i32>} : memref<6x8x1024xf32, #tpu.memory_space<vmem>>, vector<1x1x16xf32>,
          %get3A_466 = vector.shape_cast %get3A_465 : vector<1x1x16xf32> to vector<16xf32>
          %mul3A_467 = arith.constant 6.400000e+01 : f32
          %mul3A_468 = vector.broadcast %mul3A_467 : f32 to vector<16xf32>
          %mul3A_469 = arith.mulf %get3A_466, %mul3A_468 : vector<16xf32>
          %add3A_470 = arith.constant 5 : i32
          %add3A_471 = arith.addi %mul3A_282, %add3A_470 : i32
          %eq3A_472 = vector.broadcast %add3A_471 : i32 to vector<16xi32>
          %eq3A_473 = arith.cmpi eq, %get3A_341, %eq3A_472 : vector<16xi32>
          %add3A_474 = arith.addf %mul3A_469, %broadcast_in_dim3A_1 : vector<16xf32>
          %select_n3A_475 = arith.select %eq3A_473, %add3A_474, %mul3A_469 : vector<16xi1>, vector<16xf32>
          %swap3A_476 = arith.constant 1 : i32
          %swap3A_477 = arith.constant 5 : i32
          %swap3A_478 = arith.index_cast %swap3A_476 : i32 to index
          %swap3A_479 = arith.index_cast %swap3A_477 : i32 to index
          %swap3A_480 = arith.index_cast %mul3A_339 : i32 to index
          %swap3A_481 = tpu.vector_load %arg7[%swap3A_478, %swap3A_479, %swap3A_480] {strides = array<i32>} : memref<6x8x1024xf32, #tpu.memory_space<vmem>>, vector<1x1x16xf32>,
          %swap3A_482 = vector.shape_cast %swap3A_481 : vector<1x1x16xf32> to vector<16xf32>
          %swap3A_483 = vector.shape_cast %select_n3A_475 : vector<16xf32> to vector<1x1x16xf32>
          tpu.vector_store %arg7[%swap3A_478, %swap3A_479, %swap3A_480], %swap3A_483 {strides = array<i32>} : memref<6x8x1024xf32, #tpu.memory_space<vmem>>, vector<1x1x16xf32>,
          %get3A_484 = arith.constant 1 : i32
          %get3A_485 = arith.constant 6 : i32
          %get3A_486 = arith.index_cast %get3A_484 : i32 to index
          %get3A_487 = arith.index_cast %get3A_485 : i32 to index
          %get3A_488 = arith.index_cast %mul3A_339 : i32 to index
          %get3A_489 = tpu.vector_load %arg6[%get3A_486, %get3A_487, %get3A_488] {strides = array<i32>} : memref<6x8x1024xf32, #tpu.memory_space<vmem>>, vector<1x1x16xf32>,
          %get3A_490 = vector.shape_cast %get3A_489 : vector<1x1x16xf32> to vector<16xf32>
          %mul3A_491 = arith.constant 6.400000e+01 : f32
          %mul3A_492 = vector.broadcast %mul3A_491 : f32 to vector<16xf32>
          %mul3A_493 = arith.mulf %get3A_490, %mul3A_492 : vector<16xf32>
          %add3A_494 = arith.constant 6 : i32
          %add3A_495 = arith.addi %mul3A_282, %add3A_494 : i32
          %eq3A_496 = vector.broadcast %add3A_495 : i32 to vector<16xi32>
          %eq3A_497 = arith.cmpi eq, %get3A_341, %eq3A_496 : vector<16xi32>
          %add3A_498 = arith.addf %mul3A_493, %broadcast_in_dim3A_1 : vector<16xf32>
          %select_n3A_499 = arith.select %eq3A_497, %add3A_498, %mul3A_493 : vector<16xi1>, vector<16xf32>
          %swap3A_500 = arith.constant 1 : i32
          %swap3A_501 = arith.constant 6 : i32
          %swap3A_502 = arith.index_cast %swap3A_500 : i32 to index
          %swap3A_503 = arith.index_cast %swap3A_501 : i32 to index
          %swap3A_504 = arith.index_cast %mul3A_339 : i32 to index
          %swap3A_505 = tpu.vector_load %arg7[%swap3A_502, %swap3A_503, %swap3A_504] {strides = array<i32>} : memref<6x8x1024xf32, #tpu.memory_space<vmem>>, vector<1x1x16xf32>,
          %swap3A_506 = vector.shape_cast %swap3A_505 : vector<1x1x16xf32> to vector<16xf32>
          %swap3A_507 = vector.shape_cast %select_n3A_499 : vector<16xf32> to vector<1x1x16xf32>
          tpu.vector_store %arg7[%swap3A_502, %swap3A_503, %swap3A_504], %swap3A_507 {strides = array<i32>} : memref<6x8x1024xf32, #tpu.memory_space<vmem>>, vector<1x1x16xf32>,
          %get3A_508 = arith.constant 1 : i32
          %get3A_509 = arith.constant 7 : i32
          %get3A_510 = arith.index_cast %get3A_508 : i32 to index
          %get3A_511 = arith.index_cast %get3A_509 : i32 to index
          %get3A_512 = arith.index_cast %mul3A_339 : i32 to index
          %get3A_513 = tpu.vector_load %arg6[%get3A_510, %get3A_511, %get3A_512] {strides = array<i32>} : memref<6x8x1024xf32, #tpu.memory_space<vmem>>, vector<1x1x16xf32>,
          %get3A_514 = vector.shape_cast %get3A_513 : vector<1x1x16xf32> to vector<16xf32>
          %mul3A_515 = arith.constant 6.400000e+01 : f32
          %mul3A_516 = vector.broadcast %mul3A_515 : f32 to vector<16xf32>
          %mul3A_517 = arith.mulf %get3A_514, %mul3A_516 : vector<16xf32>
          %add3A_518 = arith.constant 7 : i32
          %add3A_519 = arith.addi %mul3A_282, %add3A_518 : i32
          %eq3A_520 = vector.broadcast %add3A_519 : i32 to vector<16xi32>
          %eq3A_521 = arith.cmpi eq, %get3A_341, %eq3A_520 : vector<16xi32>
          %add3A_522 = arith.addf %mul3A_517, %broadcast_in_dim3A_1 : vector<16xf32>
          %select_n3A_523 = arith.select %eq3A_521, %add3A_522, %mul3A_517 : vector<16xi1>, vector<16xf32>
          %swap3A_524 = arith.constant 1 : i32
          %swap3A_525 = arith.constant 7 : i32
          %swap3A_526 = arith.index_cast %swap3A_524 : i32 to index
          %swap3A_527 = arith.index_cast %swap3A_525 : i32 to index
          %swap3A_528 = arith.index_cast %mul3A_339 : i32 to index
          %swap3A_529 = tpu.vector_load %arg7[%swap3A_526, %swap3A_527, %swap3A_528] {strides = array<i32>} : memref<6x8x1024xf32, #tpu.memory_space<vmem>>, vector<1x1x16xf32>,
          %swap3A_530 = vector.shape_cast %swap3A_529 : vector<1x1x16xf32> to vector<16xf32>
          %swap3A_531 = vector.shape_cast %select_n3A_523 : vector<16xf32> to vector<1x1x16xf32>
          tpu.vector_store %arg7[%swap3A_526, %swap3A_527, %swap3A_528], %swap3A_531 {strides = array<i32>} : memref<6x8x1024xf32, #tpu.memory_space<vmem>>, vector<1x1x16xf32>,
        }
        %scan3A_309 = arith.constant 64 : i32
        %multiple_of3A_310 = tpu.assume_multiple %mul3A_282, 8 : i32
        %dma_start3A_311 = arith.constant 1 : i32
        %dma_start3A_312 = arith.constant 1 : i32
        %dma_start3A_313 = arith.constant 0 : i32
        %dma_start3A_314 = arith.constant 0 : i32
        %dma_start3A_315 = tpu.memref_slice %arg7[%dma_start3A_311, %dma_start3A_313, %dma_start3A_314] : memref<6x8x1024xf32, #tpu.memory_space<vmem>> -> memref<1x8x1024xf32, #tpu.memory_space<vmem>>
        %dma_start3A_316 = tpu.memref_squeeze %dma_start3A_315 : memref<1x8x1024xf32, #tpu.memory_space<vmem>> -> memref<8x1024xf32, #tpu.memory_space<vmem>>
        %dma_start3A_317 = arith.constant 0 : i32
        %dma_start3A_318 = tpu.memref_slice %arg4[%multiple_of3A_310, %dma_start3A_317] : memref<100000x1024xf32, #tpu.memory_space<hbm>> -> memref<8x1024xf32, #tpu.memory_space<hbm>>
        %dma_start3A_319 = tpu.memref_slice %arg9[%dma_start3A_312] : memref<6x!tpu.dma_semaphore, #tpu.memory_space<semaphore_mem>> -> memref<1x!tpu.dma_semaphore, #tpu.memory_space<semaphore_mem>>
        %dma_start3A_320 = tpu.memref_squeeze %dma_start3A_319 : memref<1x!tpu.dma_semaphore, #tpu.memory_space<semaphore_mem>> -> memref<!tpu.dma_semaphore, #tpu.memory_space<semaphore_mem>>
        %dma_start3A_321 = arith.constant 0 : i32
        %dma_start3A_322 = tpu.memref_slice %arg4[%multiple_of3A_310, %dma_start3A_321] : memref<100000x1024xf32, #tpu.memory_space<hbm>> -> memref<8x1024xf32, #tpu.memory_space<hbm>>
        %dma_start3A_323 = arith.constant 0 : i32
        %dma_start3A_324 = arith.constant 0 : i32
        %dma_start3A_325 = tpu.memref_slice %arg7[%dma_start3A_311, %dma_start3A_323, %dma_start3A_324] : memref<6x8x1024xf32, #tpu.memory_space<vmem>> -> memref<1x8x1024xf32, #tpu.memory_space<vmem>>
        %dma_start3A_326 = tpu.memref_squeeze %dma_start3A_325 : memref<1x8x1024xf32, #tpu.memory_space<vmem>> -> memref<8x1024xf32, #tpu.memory_space<vmem>>
        tpu.enqueue_dma source(%dma_start3A_326 : memref<8x1024xf32, #tpu.memory_space<vmem>>) target(%dma_start3A_322 : memref<8x1024xf32, #tpu.memory_space<hbm>>) target_semaphore(%dma_start3A_320 : memref<!tpu.dma_semaphore, #tpu.memory_space<semaphore_mem>>)
        %add3A_327 = arith.constant 6 : i32
        %add3A_328 = arith.addi %add3A_249, %add3A_327 : i32
        %lt3A_329 = arith.cmpi slt, %add3A_328, %select_n3A : i32
        %convert_element_type3A_330 = arith.extui %lt3A_329 : i1 to i32
        %cond3A_331 = arith.constant 0 : i32
        %cond3A_332 = arith.cmpi ne, %convert_element_type3A_330, %cond3A_331 : i32
        scf.if %cond3A_332 {
          %add3A_333 = arith.constant 6 : i32
          %add3A_334 = arith.addi %add3A_249, %add3A_333 : i32
          %mul3A_335 = arith.constant 32 : i32
          %mul3A_336 = arith.muli %add3A_334, %mul3A_335 : i32
          %add3A_337 = arith.addi %add3A, %mul3A_336 : i32
          %mul3A_338 = arith.constant 8 : i32
          %mul3A_339 = arith.muli %add3A_337, %mul3A_338 : i32
          %multiple_of3A_340 = tpu.assume_multiple %mul3A_339, 8 : i32
          %dma_start3A_341 = arith.constant 1 : i32
          %dma_start3A_342 = arith.constant 1 : i32
          %dma_start3A_343 = arith.constant 0 : i32
          %dma_start3A_344 = arith.constant 0 : i32
          %dma_start3A_345 = tpu.memref_slice %arg6[%dma_start3A_341, %dma_start3A_343, %dma_start3A_344] : memref<6x8x1024xf32, #tpu.memory_space<vmem>> -> memref<1x8x1024xf32, #tpu.memory_space<vmem>>
          %dma_start3A_346 = tpu.memref_squeeze %dma_start3A_345 : memref<1x8x1024xf32, #tpu.memory_space<vmem>> -> memref<8x1024xf32, #tpu.memory_space<vmem>>
          %dma_start3A_347 = arith.constant 0 : i32
          %dma_start3A_348 = tpu.memref_slice %arg2[%multiple_of3A_340, %dma_start3A_347] : memref<100000x1024xf32, #tpu.memory_space<hbm>> -> memref<8x1024xf32, #tpu.memory_space<hbm>>
          %dma_start3A_349 = tpu.memref_slice %arg8[%dma_start3A_342] : memref<6x!tpu.dma_semaphore, #tpu.memory_space<semaphore_mem>> -> memref<1x!tpu.dma_semaphore, #tpu.memory_space<semaphore_mem>>
          %dma_start3A_350 = tpu.memref_squeeze %dma_start3A_349 : memref<1x!tpu.dma_semaphore, #tpu.memory_space<semaphore_mem>> -> memref<!tpu.dma_semaphore, #tpu.memory_space<semaphore_mem>>
          %dma_start3A_351 = arith.constant 0 : i32
          %dma_start3A_352 = arith.constant 0 : i32
          %dma_start3A_353 = tpu.memref_slice %arg6[%dma_start3A_341, %dma_start3A_351, %dma_start3A_352] : memref<6x8x1024xf32, #tpu.memory_space<vmem>> -> memref<1x8x1024xf32, #tpu.memory_space<vmem>>
          %dma_start3A_354 = tpu.memref_squeeze %dma_start3A_353 : memref<1x8x1024xf32, #tpu.memory_space<vmem>> -> memref<8x1024xf32, #tpu.memory_space<vmem>>
          %dma_start3A_355 = arith.constant 0 : i32
          %dma_start3A_356 = tpu.memref_slice %arg2[%multiple_of3A_340, %dma_start3A_355] : memref<100000x1024xf32, #tpu.memory_space<hbm>> -> memref<8x1024xf32, #tpu.memory_space<hbm>>
          tpu.enqueue_dma source(%dma_start3A_356 : memref<8x1024xf32, #tpu.memory_space<hbm>>) target(%dma_start3A_354 : memref<8x1024xf32, #tpu.memory_space<vmem>>) target_semaphore(%dma_start3A_350 : memref<!tpu.dma_semaphore, #tpu.memory_space<semaphore_mem>>)
        } else {
        }
      } else {
      }
      %add3A_254 = arith.constant 2 : i32
      %add3A_255 = arith.addi %add3A_243, %add3A_254 : i32
      %lt3A_256 = arith.cmpi slt, %add3A_255, %select_n3A : i32
      %convert_element_type3A_257 = arith.extui %lt3A_256 : i1 to i32
      %cond3A_258 = arith.constant 0 : i32
      %cond3A_259 = arith.cmpi ne, %convert_element_type3A_257, %cond3A_258 : i32
      scf.if %cond3A_259 {
        %mul3A_278 = arith.constant 32 : i32
        %mul3A_279 = arith.muli %add3A_255, %mul3A_278 : i32
        %add3A_280 = arith.addi %add3A, %mul3A_279 : i32
        %mul3A_281 = arith.constant 8 : i32
        %mul3A_282 = arith.muli %add3A_280, %mul3A_281 : i32
        %dma_wait3A_283 = arith.constant 2 : i32
        %dma_wait3A_284 = arith.constant 2 : i32
        %dma_wait3A_285 = arith.constant 0 : i32
        %dma_wait3A_286 = arith.constant 0 : i32
        %dma_wait3A_287 = tpu.memref_slice %arg6[%dma_wait3A_283, %dma_wait3A_285, %dma_wait3A_286] : memref<6x8x1024xf32, #tpu.memory_space<vmem>> -> memref<1x8x1024xf32, #tpu.memory_space<vmem>>
        %dma_wait3A_288 = tpu.memref_squeeze %dma_wait3A_287 : memref<1x8x1024xf32, #tpu.memory_space<vmem>> -> memref<8x1024xf32, #tpu.memory_space<vmem>>
        %dma_wait3A_289 = arith.constant 0 : i32
        %dma_wait3A_290 = arith.constant 0 : i32
        %dma_wait3A_291 = tpu.memref_slice %arg2[%dma_wait3A_289, %dma_wait3A_290] : memref<100000x1024xf32, #tpu.memory_space<hbm>> -> memref<8x1024xf32, #tpu.memory_space<hbm>>
        %dma_wait3A_292 = tpu.memref_slice %arg8[%dma_wait3A_284] : memref<6x!tpu.dma_semaphore, #tpu.memory_space<semaphore_mem>> -> memref<1x!tpu.dma_semaphore, #tpu.memory_space<semaphore_mem>>
        %dma_wait3A_293 = tpu.memref_squeeze %dma_wait3A_292 : memref<1x!tpu.dma_semaphore, #tpu.memory_space<semaphore_mem>> -> memref<!tpu.dma_semaphore, #tpu.memory_space<semaphore_mem>>
        %dma_wait3A_294 = arith.constant 0 : i32
        %dma_wait3A_295 = arith.constant 0 : i32
        %dma_wait3A_296 = tpu.memref_slice %arg6[%dma_wait3A_283, %dma_wait3A_294, %dma_wait3A_295] : memref<6x8x1024xf32, #tpu.memory_space<vmem>> -> memref<1x8x1024xf32, #tpu.memory_space<vmem>>
        %dma_wait3A_297 = tpu.memref_squeeze %dma_wait3A_296 : memref<1x8x1024xf32, #tpu.memory_space<vmem>> -> memref<8x1024xf32, #tpu.memory_space<vmem>>
        %dma_wait3A_298 = arith.constant 0 : i32
        %dma_wait3A_299 = arith.constant 0 : i32
        %dma_wait3A_300 = tpu.memref_slice %arg2[%dma_wait3A_298, %dma_wait3A_299] : memref<100000x1024xf32, #tpu.memory_space<hbm>> -> memref<8x1024xf32, #tpu.memory_space<hbm>>
        tpu.wait_dma2 semaphore(%dma_wait3A_293 : memref<!tpu.dma_semaphore, #tpu.memory_space<semaphore_mem>>) src(%dma_wait3A_300 : memref<8x1024xf32, #tpu.memory_space<hbm>>) dst(%dma_wait3A_297 : memref<8x1024xf32, #tpu.memory_space<vmem>>)
        %ge3A = arith.constant 6 : i32
        %ge3A_301 = arith.cmpi sge, %add3A_255, %ge3A : i32
        %convert_element_type3A_302 = arith.extui %ge3A_301 : i1 to i32
        %cond3A_303 = arith.constant 0 : i32
        %cond3A_304 = arith.cmpi ne, %convert_element_type3A_302, %cond3A_303 : i32
        scf.if %cond3A_304 {
          %dma_wait3A_333 = arith.constant 2 : i32
          %dma_wait3A_334 = arith.constant 2 : i32
          %dma_wait3A_335 = arith.constant 0 : i32
          %dma_wait3A_336 = arith.constant 0 : i32
          %dma_wait3A_337 = tpu.memref_slice %arg7[%dma_wait3A_333, %dma_wait3A_335, %dma_wait3A_336] : memref<6x8x1024xf32, #tpu.memory_space<vmem>> -> memref<1x8x1024xf32, #tpu.memory_space<vmem>>
          %dma_wait3A_338 = tpu.memref_squeeze %dma_wait3A_337 : memref<1x8x1024xf32, #tpu.memory_space<vmem>> -> memref<8x1024xf32, #tpu.memory_space<vmem>>
          %dma_wait3A_339 = arith.constant 0 : i32
          %dma_wait3A_340 = arith.constant 0 : i32
          %dma_wait3A_341 = tpu.memref_slice %arg2[%dma_wait3A_339, %dma_wait3A_340] : memref<100000x1024xf32, #tpu.memory_space<hbm>> -> memref<8x1024xf32, #tpu.memory_space<hbm>>
          %dma_wait3A_342 = tpu.memref_slice %arg9[%dma_wait3A_334] : memref<6x!tpu.dma_semaphore, #tpu.memory_space<semaphore_mem>> -> memref<1x!tpu.dma_semaphore, #tpu.memory_space<semaphore_mem>>
          %dma_wait3A_343 = tpu.memref_squeeze %dma_wait3A_342 : memref<1x!tpu.dma_semaphore, #tpu.memory_space<semaphore_mem>> -> memref<!tpu.dma_semaphore, #tpu.memory_space<semaphore_mem>>
          %dma_wait3A_344 = arith.constant 0 : i32
          %dma_wait3A_345 = arith.constant 0 : i32
          %dma_wait3A_346 = tpu.memref_slice %arg7[%dma_wait3A_333, %dma_wait3A_344, %dma_wait3A_345] : memref<6x8x1024xf32, #tpu.memory_space<vmem>> -> memref<1x8x1024xf32, #tpu.memory_space<vmem>>
          %dma_wait3A_347 = tpu.memref_squeeze %dma_wait3A_346 : memref<1x8x1024xf32, #tpu.memory_space<vmem>> -> memref<8x1024xf32, #tpu.memory_space<vmem>>
          %dma_wait3A_348 = arith.constant 0 : i32
          %dma_wait3A_349 = arith.constant 0 : i32
          %dma_wait3A_350 = tpu.memref_slice %arg2[%dma_wait3A_348, %dma_wait3A_349] : memref<100000x1024xf32, #tpu.memory_space<hbm>> -> memref<8x1024xf32, #tpu.memory_space<hbm>>
          tpu.wait_dma2 semaphore(%dma_wait3A_343 : memref<!tpu.dma_semaphore, #tpu.memory_space<semaphore_mem>>) src(%dma_wait3A_350 : memref<8x1024xf32, #tpu.memory_space<hbm>>) dst(%dma_wait3A_347 : memref<8x1024xf32, #tpu.memory_space<vmem>>)
        } else {
        }
        %scan3A_305 = arith.constant 0 : i32
        %scan3A_306 = arith.constant 64 : i32
        %scan3A_307 = arith.addi %scan3A_305, %scan3A_306 : i32
        %scan3A_308 = arith.constant 1 : i32
        scf.for %scan3A_333 = %scan3A_305 to %scan3A_307 step %scan3A_308  : i32 {
          %mul3A_334 = arith.constant 1 : i32
          %mul3A_335 = arith.muli %scan3A_333, %mul3A_334 : i32
          %add3A_336 = arith.constant 0 : i32
          %add3A_337 = arith.addi %add3A_336, %mul3A_335 : i32
          %mul3A_338 = arith.constant 16 : i32
          %mul3A_339 = arith.muli %add3A_337, %mul3A_338 : i32
          %get3A = arith.index_cast %mul3A_339 : i32 to index
          %get3A_340 = tpu.vector_load %arg5[%get3A] {strides = array<i32>} : memref<1024xi32, #tpu.memory_space<vmem>>, vector<16xi32>,
          %get3A_341 = vector.shape_cast %get3A_340 : vector<16xi32> to vector<16xi32>
          %get3A_342 = arith.constant 2 : i32
          %get3A_343 = arith.constant 0 : i32
          %get3A_344 = arith.index_cast %get3A_342 : i32 to index
          %get3A_345 = arith.index_cast %get3A_343 : i32 to index
          %get3A_346 = arith.index_cast %mul3A_339 : i32 to index
          %get3A_347 = tpu.vector_load %arg6[%get3A_344, %get3A_345, %get3A_346] {strides = array<i32>} : memref<6x8x1024xf32, #tpu.memory_space<vmem>>, vector<1x1x16xf32>,
          %get3A_348 = vector.shape_cast %get3A_347 : vector<1x1x16xf32> to vector<16xf32>
          %mul3A_349 = arith.constant 6.400000e+01 : f32
          %mul3A_350 = vector.broadcast %mul3A_349 : f32 to vector<16xf32>
          %mul3A_351 = arith.mulf %get3A_348, %mul3A_350 : vector<16xf32>
          %add3A_352 = arith.constant 0 : i32
          %add3A_353 = arith.addi %mul3A_282, %add3A_352 : i32
          %eq3A = vector.broadcast %add3A_353 : i32 to vector<16xi32>
          %eq3A_354 = arith.cmpi eq, %get3A_341, %eq3A : vector<16xi32>
          %add3A_355 = arith.addf %mul3A_351, %broadcast_in_dim3A_1 : vector<16xf32>
          %select_n3A_356 = arith.select %eq3A_354, %add3A_355, %mul3A_351 : vector<16xi1>, vector<16xf32>
          %swap3A = arith.constant 2 : i32
          %swap3A_357 = arith.constant 0 : i32
          %swap3A_358 = arith.index_cast %swap3A : i32 to index
          %swap3A_359 = arith.index_cast %swap3A_357 : i32 to index
          %swap3A_360 = arith.index_cast %mul3A_339 : i32 to index
          %swap3A_361 = tpu.vector_load %arg7[%swap3A_358, %swap3A_359, %swap3A_360] {strides = array<i32>} : memref<6x8x1024xf32, #tpu.memory_space<vmem>>, vector<1x1x16xf32>,
          %swap3A_362 = vector.shape_cast %swap3A_361 : vector<1x1x16xf32> to vector<16xf32>
          %swap3A_363 = vector.shape_cast %select_n3A_356 : vector<16xf32> to vector<1x1x16xf32>
          tpu.vector_store %arg7[%swap3A_358, %swap3A_359, %swap3A_360], %swap3A_363 {strides = array<i32>} : memref<6x8x1024xf32, #tpu.memory_space<vmem>>, vector<1x1x16xf32>,
          %get3A_364 = arith.constant 2 : i32
          %get3A_365 = arith.constant 1 : i32
          %get3A_366 = arith.index_cast %get3A_364 : i32 to index
          %get3A_367 = arith.index_cast %get3A_365 : i32 to index
          %get3A_368 = arith.index_cast %mul3A_339 : i32 to index
          %get3A_369 = tpu.vector_load %arg6[%get3A_366, %get3A_367, %get3A_368] {strides = array<i32>} : memref<6x8x1024xf32, #tpu.memory_space<vmem>>, vector<1x1x16xf32>,
          %get3A_370 = vector.shape_cast %get3A_369 : vector<1x1x16xf32> to vector<16xf32>
          %mul3A_371 = arith.constant 6.400000e+01 : f32
          %mul3A_372 = vector.broadcast %mul3A_371 : f32 to vector<16xf32>
          %mul3A_373 = arith.mulf %get3A_370, %mul3A_372 : vector<16xf32>
          %add3A_374 = arith.constant 1 : i32
          %add3A_375 = arith.addi %mul3A_282, %add3A_374 : i32
          %eq3A_376 = vector.broadcast %add3A_375 : i32 to vector<16xi32>
          %eq3A_377 = arith.cmpi eq, %get3A_341, %eq3A_376 : vector<16xi32>
          %add3A_378 = arith.addf %mul3A_373, %broadcast_in_dim3A_1 : vector<16xf32>
          %select_n3A_379 = arith.select %eq3A_377, %add3A_378, %mul3A_373 : vector<16xi1>, vector<16xf32>
          %swap3A_380 = arith.constant 2 : i32
          %swap3A_381 = arith.constant 1 : i32
          %swap3A_382 = arith.index_cast %swap3A_380 : i32 to index
          %swap3A_383 = arith.index_cast %swap3A_381 : i32 to index
          %swap3A_384 = arith.index_cast %mul3A_339 : i32 to index
          %swap3A_385 = tpu.vector_load %arg7[%swap3A_382, %swap3A_383, %swap3A_384] {strides = array<i32>} : memref<6x8x1024xf32, #tpu.memory_space<vmem>>, vector<1x1x16xf32>,
          %swap3A_386 = vector.shape_cast %swap3A_385 : vector<1x1x16xf32> to vector<16xf32>
          %swap3A_387 = vector.shape_cast %select_n3A_379 : vector<16xf32> to vector<1x1x16xf32>
          tpu.vector_store %arg7[%swap3A_382, %swap3A_383, %swap3A_384], %swap3A_387 {strides = array<i32>} : memref<6x8x1024xf32, #tpu.memory_space<vmem>>, vector<1x1x16xf32>,
          %get3A_388 = arith.constant 2 : i32
          %get3A_389 = arith.constant 2 : i32
          %get3A_390 = arith.index_cast %get3A_388 : i32 to index
          %get3A_391 = arith.index_cast %get3A_389 : i32 to index
          %get3A_392 = arith.index_cast %mul3A_339 : i32 to index
          %get3A_393 = tpu.vector_load %arg6[%get3A_390, %get3A_391, %get3A_392] {strides = array<i32>} : memref<6x8x1024xf32, #tpu.memory_space<vmem>>, vector<1x1x16xf32>,
          %get3A_394 = vector.shape_cast %get3A_393 : vector<1x1x16xf32> to vector<16xf32>
          %mul3A_395 = arith.constant 6.400000e+01 : f32
          %mul3A_396 = vector.broadcast %mul3A_395 : f32 to vector<16xf32>
          %mul3A_397 = arith.mulf %get3A_394, %mul3A_396 : vector<16xf32>
          %add3A_398 = arith.constant 2 : i32
          %add3A_399 = arith.addi %mul3A_282, %add3A_398 : i32
          %eq3A_400 = vector.broadcast %add3A_399 : i32 to vector<16xi32>
          %eq3A_401 = arith.cmpi eq, %get3A_341, %eq3A_400 : vector<16xi32>
          %add3A_402 = arith.addf %mul3A_397, %broadcast_in_dim3A_1 : vector<16xf32>
          %select_n3A_403 = arith.select %eq3A_401, %add3A_402, %mul3A_397 : vector<16xi1>, vector<16xf32>
          %swap3A_404 = arith.constant 2 : i32
          %swap3A_405 = arith.constant 2 : i32
          %swap3A_406 = arith.index_cast %swap3A_404 : i32 to index
          %swap3A_407 = arith.index_cast %swap3A_405 : i32 to index
          %swap3A_408 = arith.index_cast %mul3A_339 : i32 to index
          %swap3A_409 = tpu.vector_load %arg7[%swap3A_406, %swap3A_407, %swap3A_408] {strides = array<i32>} : memref<6x8x1024xf32, #tpu.memory_space<vmem>>, vector<1x1x16xf32>,
          %swap3A_410 = vector.shape_cast %swap3A_409 : vector<1x1x16xf32> to vector<16xf32>
          %swap3A_411 = vector.shape_cast %select_n3A_403 : vector<16xf32> to vector<1x1x16xf32>
          tpu.vector_store %arg7[%swap3A_406, %swap3A_407, %swap3A_408], %swap3A_411 {strides = array<i32>} : memref<6x8x1024xf32, #tpu.memory_space<vmem>>, vector<1x1x16xf32>,
          %get3A_412 = arith.constant 2 : i32
          %get3A_413 = arith.constant 3 : i32
          %get3A_414 = arith.index_cast %get3A_412 : i32 to index
          %get3A_415 = arith.index_cast %get3A_413 : i32 to index
          %get3A_416 = arith.index_cast %mul3A_339 : i32 to index
          %get3A_417 = tpu.vector_load %arg6[%get3A_414, %get3A_415, %get3A_416] {strides = array<i32>} : memref<6x8x1024xf32, #tpu.memory_space<vmem>>, vector<1x1x16xf32>,
          %get3A_418 = vector.shape_cast %get3A_417 : vector<1x1x16xf32> to vector<16xf32>
          %mul3A_419 = arith.constant 6.400000e+01 : f32
          %mul3A_420 = vector.broadcast %mul3A_419 : f32 to vector<16xf32>
          %mul3A_421 = arith.mulf %get3A_418, %mul3A_420 : vector<16xf32>
          %add3A_422 = arith.constant 3 : i32
          %add3A_423 = arith.addi %mul3A_282, %add3A_422 : i32
          %eq3A_424 = vector.broadcast %add3A_423 : i32 to vector<16xi32>
          %eq3A_425 = arith.cmpi eq, %get3A_341, %eq3A_424 : vector<16xi32>
          %add3A_426 = arith.addf %mul3A_421, %broadcast_in_dim3A_1 : vector<16xf32>
          %select_n3A_427 = arith.select %eq3A_425, %add3A_426, %mul3A_421 : vector<16xi1>, vector<16xf32>
          %swap3A_428 = arith.constant 2 : i32
          %swap3A_429 = arith.constant 3 : i32
          %swap3A_430 = arith.index_cast %swap3A_428 : i32 to index
          %swap3A_431 = arith.index_cast %swap3A_429 : i32 to index
          %swap3A_432 = arith.index_cast %mul3A_339 : i32 to index
          %swap3A_433 = tpu.vector_load %arg7[%swap3A_430, %swap3A_431, %swap3A_432] {strides = array<i32>} : memref<6x8x1024xf32, #tpu.memory_space<vmem>>, vector<1x1x16xf32>,
          %swap3A_434 = vector.shape_cast %swap3A_433 : vector<1x1x16xf32> to vector<16xf32>
          %swap3A_435 = vector.shape_cast %select_n3A_427 : vector<16xf32> to vector<1x1x16xf32>
          tpu.vector_store %arg7[%swap3A_430, %swap3A_431, %swap3A_432], %swap3A_435 {strides = array<i32>} : memref<6x8x1024xf32, #tpu.memory_space<vmem>>, vector<1x1x16xf32>,
          %get3A_436 = arith.constant 2 : i32
          %get3A_437 = arith.constant 4 : i32
          %get3A_438 = arith.index_cast %get3A_436 : i32 to index
          %get3A_439 = arith.index_cast %get3A_437 : i32 to index
          %get3A_440 = arith.index_cast %mul3A_339 : i32 to index
          %get3A_441 = tpu.vector_load %arg6[%get3A_438, %get3A_439, %get3A_440] {strides = array<i32>} : memref<6x8x1024xf32, #tpu.memory_space<vmem>>, vector<1x1x16xf32>,
          %get3A_442 = vector.shape_cast %get3A_441 : vector<1x1x16xf32> to vector<16xf32>
          %mul3A_443 = arith.constant 6.400000e+01 : f32
          %mul3A_444 = vector.broadcast %mul3A_443 : f32 to vector<16xf32>
          %mul3A_445 = arith.mulf %get3A_442, %mul3A_444 : vector<16xf32>
          %add3A_446 = arith.constant 4 : i32
          %add3A_447 = arith.addi %mul3A_282, %add3A_446 : i32
          %eq3A_448 = vector.broadcast %add3A_447 : i32 to vector<16xi32>
          %eq3A_449 = arith.cmpi eq, %get3A_341, %eq3A_448 : vector<16xi32>
          %add3A_450 = arith.addf %mul3A_445, %broadcast_in_dim3A_1 : vector<16xf32>
          %select_n3A_451 = arith.select %eq3A_449, %add3A_450, %mul3A_445 : vector<16xi1>, vector<16xf32>
          %swap3A_452 = arith.constant 2 : i32
          %swap3A_453 = arith.constant 4 : i32
          %swap3A_454 = arith.index_cast %swap3A_452 : i32 to index
          %swap3A_455 = arith.index_cast %swap3A_453 : i32 to index
          %swap3A_456 = arith.index_cast %mul3A_339 : i32 to index
          %swap3A_457 = tpu.vector_load %arg7[%swap3A_454, %swap3A_455, %swap3A_456] {strides = array<i32>} : memref<6x8x1024xf32, #tpu.memory_space<vmem>>, vector<1x1x16xf32>,
          %swap3A_458 = vector.shape_cast %swap3A_457 : vector<1x1x16xf32> to vector<16xf32>
          %swap3A_459 = vector.shape_cast %select_n3A_451 : vector<16xf32> to vector<1x1x16xf32>
          tpu.vector_store %arg7[%swap3A_454, %swap3A_455, %swap3A_456], %swap3A_459 {strides = array<i32>} : memref<6x8x1024xf32, #tpu.memory_space<vmem>>, vector<1x1x16xf32>,
          %get3A_460 = arith.constant 2 : i32
          %get3A_461 = arith.constant 5 : i32
          %get3A_462 = arith.index_cast %get3A_460 : i32 to index
          %get3A_463 = arith.index_cast %get3A_461 : i32 to index
          %get3A_464 = arith.index_cast %mul3A_339 : i32 to index
          %get3A_465 = tpu.vector_load %arg6[%get3A_462, %get3A_463, %get3A_464] {strides = array<i32>} : memref<6x8x1024xf32, #tpu.memory_space<vmem>>, vector<1x1x16xf32>,
          %get3A_466 = vector.shape_cast %get3A_465 : vector<1x1x16xf32> to vector<16xf32>
          %mul3A_467 = arith.constant 6.400000e+01 : f32
          %mul3A_468 = vector.broadcast %mul3A_467 : f32 to vector<16xf32>
          %mul3A_469 = arith.mulf %get3A_466, %mul3A_468 : vector<16xf32>
          %add3A_470 = arith.constant 5 : i32
          %add3A_471 = arith.addi %mul3A_282, %add3A_470 : i32
          %eq3A_472 = vector.broadcast %add3A_471 : i32 to vector<16xi32>
          %eq3A_473 = arith.cmpi eq, %get3A_341, %eq3A_472 : vector<16xi32>
          %add3A_474 = arith.addf %mul3A_469, %broadcast_in_dim3A_1 : vector<16xf32>
          %select_n3A_475 = arith.select %eq3A_473, %add3A_474, %mul3A_469 : vector<16xi1>, vector<16xf32>
          %swap3A_476 = arith.constant 2 : i32
          %swap3A_477 = arith.constant 5 : i32
          %swap3A_478 = arith.index_cast %swap3A_476 : i32 to index
          %swap3A_479 = arith.index_cast %swap3A_477 : i32 to index
          %swap3A_480 = arith.index_cast %mul3A_339 : i32 to index
          %swap3A_481 = tpu.vector_load %arg7[%swap3A_478, %swap3A_479, %swap3A_480] {strides = array<i32>} : memref<6x8x1024xf32, #tpu.memory_space<vmem>>, vector<1x1x16xf32>,
          %swap3A_482 = vector.shape_cast %swap3A_481 : vector<1x1x16xf32> to vector<16xf32>
          %swap3A_483 = vector.shape_cast %select_n3A_475 : vector<16xf32> to vector<1x1x16xf32>
          tpu.vector_store %arg7[%swap3A_478, %swap3A_479, %swap3A_480], %swap3A_483 {strides = array<i32>} : memref<6x8x1024xf32, #tpu.memory_space<vmem>>, vector<1x1x16xf32>,
          %get3A_484 = arith.constant 2 : i32
          %get3A_485 = arith.constant 6 : i32
          %get3A_486 = arith.index_cast %get3A_484 : i32 to index
          %get3A_487 = arith.index_cast %get3A_485 : i32 to index
          %get3A_488 = arith.index_cast %mul3A_339 : i32 to index
          %get3A_489 = tpu.vector_load %arg6[%get3A_486, %get3A_487, %get3A_488] {strides = array<i32>} : memref<6x8x1024xf32, #tpu.memory_space<vmem>>, vector<1x1x16xf32>,
          %get3A_490 = vector.shape_cast %get3A_489 : vector<1x1x16xf32> to vector<16xf32>
          %mul3A_491 = arith.constant 6.400000e+01 : f32
          %mul3A_492 = vector.broadcast %mul3A_491 : f32 to vector<16xf32>
          %mul3A_493 = arith.mulf %get3A_490, %mul3A_492 : vector<16xf32>
          %add3A_494 = arith.constant 6 : i32
          %add3A_495 = arith.addi %mul3A_282, %add3A_494 : i32
          %eq3A_496 = vector.broadcast %add3A_495 : i32 to vector<16xi32>
          %eq3A_497 = arith.cmpi eq, %get3A_341, %eq3A_496 : vector<16xi32>
          %add3A_498 = arith.addf %mul3A_493, %broadcast_in_dim3A_1 : vector<16xf32>
          %select_n3A_499 = arith.select %eq3A_497, %add3A_498, %mul3A_493 : vector<16xi1>, vector<16xf32>
          %swap3A_500 = arith.constant 2 : i32
          %swap3A_501 = arith.constant 6 : i32
          %swap3A_502 = arith.index_cast %swap3A_500 : i32 to index
          %swap3A_503 = arith.index_cast %swap3A_501 : i32 to index
          %swap3A_504 = arith.index_cast %mul3A_339 : i32 to index
          %swap3A_505 = tpu.vector_load %arg7[%swap3A_502, %swap3A_503, %swap3A_504] {strides = array<i32>} : memref<6x8x1024xf32, #tpu.memory_space<vmem>>, vector<1x1x16xf32>,
          %swap3A_506 = vector.shape_cast %swap3A_505 : vector<1x1x16xf32> to vector<16xf32>
          %swap3A_507 = vector.shape_cast %select_n3A_499 : vector<16xf32> to vector<1x1x16xf32>
          tpu.vector_store %arg7[%swap3A_502, %swap3A_503, %swap3A_504], %swap3A_507 {strides = array<i32>} : memref<6x8x1024xf32, #tpu.memory_space<vmem>>, vector<1x1x16xf32>,
          %get3A_508 = arith.constant 2 : i32
          %get3A_509 = arith.constant 7 : i32
          %get3A_510 = arith.index_cast %get3A_508 : i32 to index
          %get3A_511 = arith.index_cast %get3A_509 : i32 to index
          %get3A_512 = arith.index_cast %mul3A_339 : i32 to index
          %get3A_513 = tpu.vector_load %arg6[%get3A_510, %get3A_511, %get3A_512] {strides = array<i32>} : memref<6x8x1024xf32, #tpu.memory_space<vmem>>, vector<1x1x16xf32>,
          %get3A_514 = vector.shape_cast %get3A_513 : vector<1x1x16xf32> to vector<16xf32>
          %mul3A_515 = arith.constant 6.400000e+01 : f32
          %mul3A_516 = vector.broadcast %mul3A_515 : f32 to vector<16xf32>
          %mul3A_517 = arith.mulf %get3A_514, %mul3A_516 : vector<16xf32>
          %add3A_518 = arith.constant 7 : i32
          %add3A_519 = arith.addi %mul3A_282, %add3A_518 : i32
          %eq3A_520 = vector.broadcast %add3A_519 : i32 to vector<16xi32>
          %eq3A_521 = arith.cmpi eq, %get3A_341, %eq3A_520 : vector<16xi32>
          %add3A_522 = arith.addf %mul3A_517, %broadcast_in_dim3A_1 : vector<16xf32>
          %select_n3A_523 = arith.select %eq3A_521, %add3A_522, %mul3A_517 : vector<16xi1>, vector<16xf32>
          %swap3A_524 = arith.constant 2 : i32
          %swap3A_525 = arith.constant 7 : i32
          %swap3A_526 = arith.index_cast %swap3A_524 : i32 to index
          %swap3A_527 = arith.index_cast %swap3A_525 : i32 to index
          %swap3A_528 = arith.index_cast %mul3A_339 : i32 to index
          %swap3A_529 = tpu.vector_load %arg7[%swap3A_526, %swap3A_527, %swap3A_528] {strides = array<i32>} : memref<6x8x1024xf32, #tpu.memory_space<vmem>>, vector<1x1x16xf32>,
          %swap3A_530 = vector.shape_cast %swap3A_529 : vector<1x1x16xf32> to vector<16xf32>
          %swap3A_531 = vector.shape_cast %select_n3A_523 : vector<16xf32> to vector<1x1x16xf32>
          tpu.vector_store %arg7[%swap3A_526, %swap3A_527, %swap3A_528], %swap3A_531 {strides = array<i32>} : memref<6x8x1024xf32, #tpu.memory_space<vmem>>, vector<1x1x16xf32>,
        }
        %scan3A_309 = arith.constant 64 : i32
        %multiple_of3A_310 = tpu.assume_multiple %mul3A_282, 8 : i32
        %dma_start3A_311 = arith.constant 2 : i32
        %dma_start3A_312 = arith.constant 2 : i32
        %dma_start3A_313 = arith.constant 0 : i32
        %dma_start3A_314 = arith.constant 0 : i32
        %dma_start3A_315 = tpu.memref_slice %arg7[%dma_start3A_311, %dma_start3A_313, %dma_start3A_314] : memref<6x8x1024xf32, #tpu.memory_space<vmem>> -> memref<1x8x1024xf32, #tpu.memory_space<vmem>>
        %dma_start3A_316 = tpu.memref_squeeze %dma_start3A_315 : memref<1x8x1024xf32, #tpu.memory_space<vmem>> -> memref<8x1024xf32, #tpu.memory_space<vmem>>
        %dma_start3A_317 = arith.constant 0 : i32
        %dma_start3A_318 = tpu.memref_slice %arg4[%multiple_of3A_310, %dma_start3A_317] : memref<100000x1024xf32, #tpu.memory_space<hbm>> -> memref<8x1024xf32, #tpu.memory_space<hbm>>
        %dma_start3A_319 = tpu.memref_slice %arg9[%dma_start3A_312] : memref<6x!tpu.dma_semaphore, #tpu.memory_space<semaphore_mem>> -> memref<1x!tpu.dma_semaphore, #tpu.memory_space<semaphore_mem>>
        %dma_start3A_320 = tpu.memref_squeeze %dma_start3A_319 : memref<1x!tpu.dma_semaphore, #tpu.memory_space<semaphore_mem>> -> memref<!tpu.dma_semaphore, #tpu.memory_space<semaphore_mem>>
        %dma_start3A_321 = arith.constant 0 : i32
        %dma_start3A_322 = tpu.memref_slice %arg4[%multiple_of3A_310, %dma_start3A_321] : memref<100000x1024xf32, #tpu.memory_space<hbm>> -> memref<8x1024xf32, #tpu.memory_space<hbm>>
        %dma_start3A_323 = arith.constant 0 : i32
        %dma_start3A_324 = arith.constant 0 : i32
        %dma_start3A_325 = tpu.memref_slice %arg7[%dma_start3A_311, %dma_start3A_323, %dma_start3A_324] : memref<6x8x1024xf32, #tpu.memory_space<vmem>> -> memref<1x8x1024xf32, #tpu.memory_space<vmem>>
        %dma_start3A_326 = tpu.memref_squeeze %dma_start3A_325 : memref<1x8x1024xf32, #tpu.memory_space<vmem>> -> memref<8x1024xf32, #tpu.memory_space<vmem>>
        tpu.enqueue_dma source(%dma_start3A_326 : memref<8x1024xf32, #tpu.memory_space<vmem>>) target(%dma_start3A_322 : memref<8x1024xf32, #tpu.memory_space<hbm>>) target_semaphore(%dma_start3A_320 : memref<!tpu.dma_semaphore, #tpu.memory_space<semaphore_mem>>)
        %add3A_327 = arith.constant 6 : i32
        %add3A_328 = arith.addi %add3A_255, %add3A_327 : i32
        %lt3A_329 = arith.cmpi slt, %add3A_328, %select_n3A : i32
        %convert_element_type3A_330 = arith.extui %lt3A_329 : i1 to i32
        %cond3A_331 = arith.constant 0 : i32
        %cond3A_332 = arith.cmpi ne, %convert_element_type3A_330, %cond3A_331 : i32
        scf.if %cond3A_332 {
          %add3A_333 = arith.constant 6 : i32
          %add3A_334 = arith.addi %add3A_255, %add3A_333 : i32
          %mul3A_335 = arith.constant 32 : i32
          %mul3A_336 = arith.muli %add3A_334, %mul3A_335 : i32
          %add3A_337 = arith.addi %add3A, %mul3A_336 : i32
          %mul3A_338 = arith.constant 8 : i32
          %mul3A_339 = arith.muli %add3A_337, %mul3A_338 : i32
          %multiple_of3A_340 = tpu.assume_multiple %mul3A_339, 8 : i32
          %dma_start3A_341 = arith.constant 2 : i32
          %dma_start3A_342 = arith.constant 2 : i32
          %dma_start3A_343 = arith.constant 0 : i32
          %dma_start3A_344 = arith.constant 0 : i32
          %dma_start3A_345 = tpu.memref_slice %arg6[%dma_start3A_341, %dma_start3A_343, %dma_start3A_344] : memref<6x8x1024xf32, #tpu.memory_space<vmem>> -> memref<1x8x1024xf32, #tpu.memory_space<vmem>>
          %dma_start3A_346 = tpu.memref_squeeze %dma_start3A_345 : memref<1x8x1024xf32, #tpu.memory_space<vmem>> -> memref<8x1024xf32, #tpu.memory_space<vmem>>
          %dma_start3A_347 = arith.constant 0 : i32
          %dma_start3A_348 = tpu.memref_slice %arg2[%multiple_of3A_340, %dma_start3A_347] : memref<100000x1024xf32, #tpu.memory_space<hbm>> -> memref<8x1024xf32, #tpu.memory_space<hbm>>
          %dma_start3A_349 = tpu.memref_slice %arg8[%dma_start3A_342] : memref<6x!tpu.dma_semaphore, #tpu.memory_space<semaphore_mem>> -> memref<1x!tpu.dma_semaphore, #tpu.memory_space<semaphore_mem>>
          %dma_start3A_350 = tpu.memref_squeeze %dma_start3A_349 : memref<1x!tpu.dma_semaphore, #tpu.memory_space<semaphore_mem>> -> memref<!tpu.dma_semaphore, #tpu.memory_space<semaphore_mem>>
          %dma_start3A_351 = arith.constant 0 : i32
          %dma_start3A_352 = arith.constant 0 : i32
          %dma_start3A_353 = tpu.memref_slice %arg6[%dma_start3A_341, %dma_start3A_351, %dma_start3A_352] : memref<6x8x1024xf32, #tpu.memory_space<vmem>> -> memref<1x8x1024xf32, #tpu.memory_space<vmem>>
          %dma_start3A_354 = tpu.memref_squeeze %dma_start3A_353 : memref<1x8x1024xf32, #tpu.memory_space<vmem>> -> memref<8x1024xf32, #tpu.memory_space<vmem>>
          %dma_start3A_355 = arith.constant 0 : i32
          %dma_start3A_356 = tpu.memref_slice %arg2[%multiple_of3A_340, %dma_start3A_355] : memref<100000x1024xf32, #tpu.memory_space<hbm>> -> memref<8x1024xf32, #tpu.memory_space<hbm>>
          tpu.enqueue_dma source(%dma_start3A_356 : memref<8x1024xf32, #tpu.memory_space<hbm>>) target(%dma_start3A_354 : memref<8x1024xf32, #tpu.memory_space<vmem>>) target_semaphore(%dma_start3A_350 : memref<!tpu.dma_semaphore, #tpu.memory_space<semaphore_mem>>)
        } else {
        }
      } else {
      }
      %add3A_260 = arith.constant 3 : i32
      %add3A_261 = arith.addi %add3A_243, %add3A_260 : i32
      %lt3A_262 = arith.cmpi slt, %add3A_261, %select_n3A : i32
      %convert_element_type3A_263 = arith.extui %lt3A_262 : i1 to i32
      %cond3A_264 = arith.constant 0 : i32
      %cond3A_265 = arith.cmpi ne, %convert_element_type3A_263, %cond3A_264 : i32
      scf.if %cond3A_265 {
        %mul3A_278 = arith.constant 32 : i32
        %mul3A_279 = arith.muli %add3A_261, %mul3A_278 : i32
        %add3A_280 = arith.addi %add3A, %mul3A_279 : i32
        %mul3A_281 = arith.constant 8 : i32
        %mul3A_282 = arith.muli %add3A_280, %mul3A_281 : i32
        %dma_wait3A_283 = arith.constant 3 : i32
        %dma_wait3A_284 = arith.constant 3 : i32
        %dma_wait3A_285 = arith.constant 0 : i32
        %dma_wait3A_286 = arith.constant 0 : i32
        %dma_wait3A_287 = tpu.memref_slice %arg6[%dma_wait3A_283, %dma_wait3A_285, %dma_wait3A_286] : memref<6x8x1024xf32, #tpu.memory_space<vmem>> -> memref<1x8x1024xf32, #tpu.memory_space<vmem>>
        %dma_wait3A_288 = tpu.memref_squeeze %dma_wait3A_287 : memref<1x8x1024xf32, #tpu.memory_space<vmem>> -> memref<8x1024xf32, #tpu.memory_space<vmem>>
        %dma_wait3A_289 = arith.constant 0 : i32
        %dma_wait3A_290 = arith.constant 0 : i32
        %dma_wait3A_291 = tpu.memref_slice %arg2[%dma_wait3A_289, %dma_wait3A_290] : memref<100000x1024xf32, #tpu.memory_space<hbm>> -> memref<8x1024xf32, #tpu.memory_space<hbm>>
        %dma_wait3A_292 = tpu.memref_slice %arg8[%dma_wait3A_284] : memref<6x!tpu.dma_semaphore, #tpu.memory_space<semaphore_mem>> -> memref<1x!tpu.dma_semaphore, #tpu.memory_space<semaphore_mem>>
        %dma_wait3A_293 = tpu.memref_squeeze %dma_wait3A_292 : memref<1x!tpu.dma_semaphore, #tpu.memory_space<semaphore_mem>> -> memref<!tpu.dma_semaphore, #tpu.memory_space<semaphore_mem>>
        %dma_wait3A_294 = arith.constant 0 : i32
        %dma_wait3A_295 = arith.constant 0 : i32
        %dma_wait3A_296 = tpu.memref_slice %arg6[%dma_wait3A_283, %dma_wait3A_294, %dma_wait3A_295] : memref<6x8x1024xf32, #tpu.memory_space<vmem>> -> memref<1x8x1024xf32, #tpu.memory_space<vmem>>
        %dma_wait3A_297 = tpu.memref_squeeze %dma_wait3A_296 : memref<1x8x1024xf32, #tpu.memory_space<vmem>> -> memref<8x1024xf32, #tpu.memory_space<vmem>>
        %dma_wait3A_298 = arith.constant 0 : i32
        %dma_wait3A_299 = arith.constant 0 : i32
        %dma_wait3A_300 = tpu.memref_slice %arg2[%dma_wait3A_298, %dma_wait3A_299] : memref<100000x1024xf32, #tpu.memory_space<hbm>> -> memref<8x1024xf32, #tpu.memory_space<hbm>>
        tpu.wait_dma2 semaphore(%dma_wait3A_293 : memref<!tpu.dma_semaphore, #tpu.memory_space<semaphore_mem>>) src(%dma_wait3A_300 : memref<8x1024xf32, #tpu.memory_space<hbm>>) dst(%dma_wait3A_297 : memref<8x1024xf32, #tpu.memory_space<vmem>>)
        %ge3A = arith.constant 6 : i32
        %ge3A_301 = arith.cmpi sge, %add3A_261, %ge3A : i32
        %convert_element_type3A_302 = arith.extui %ge3A_301 : i1 to i32
        %cond3A_303 = arith.constant 0 : i32
        %cond3A_304 = arith.cmpi ne, %convert_element_type3A_302, %cond3A_303 : i32
        scf.if %cond3A_304 {
          %dma_wait3A_333 = arith.constant 3 : i32
          %dma_wait3A_334 = arith.constant 3 : i32
          %dma_wait3A_335 = arith.constant 0 : i32
          %dma_wait3A_336 = arith.constant 0 : i32
          %dma_wait3A_337 = tpu.memref_slice %arg7[%dma_wait3A_333, %dma_wait3A_335, %dma_wait3A_336] : memref<6x8x1024xf32, #tpu.memory_space<vmem>> -> memref<1x8x1024xf32, #tpu.memory_space<vmem>>
          %dma_wait3A_338 = tpu.memref_squeeze %dma_wait3A_337 : memref<1x8x1024xf32, #tpu.memory_space<vmem>> -> memref<8x1024xf32, #tpu.memory_space<vmem>>
          %dma_wait3A_339 = arith.constant 0 : i32
          %dma_wait3A_340 = arith.constant 0 : i32
          %dma_wait3A_341 = tpu.memref_slice %arg2[%dma_wait3A_339, %dma_wait3A_340] : memref<100000x1024xf32, #tpu.memory_space<hbm>> -> memref<8x1024xf32, #tpu.memory_space<hbm>>
          %dma_wait3A_342 = tpu.memref_slice %arg9[%dma_wait3A_334] : memref<6x!tpu.dma_semaphore, #tpu.memory_space<semaphore_mem>> -> memref<1x!tpu.dma_semaphore, #tpu.memory_space<semaphore_mem>>
          %dma_wait3A_343 = tpu.memref_squeeze %dma_wait3A_342 : memref<1x!tpu.dma_semaphore, #tpu.memory_space<semaphore_mem>> -> memref<!tpu.dma_semaphore, #tpu.memory_space<semaphore_mem>>
          %dma_wait3A_344 = arith.constant 0 : i32
          %dma_wait3A_345 = arith.constant 0 : i32
          %dma_wait3A_346 = tpu.memref_slice %arg7[%dma_wait3A_333, %dma_wait3A_344, %dma_wait3A_345] : memref<6x8x1024xf32, #tpu.memory_space<vmem>> -> memref<1x8x1024xf32, #tpu.memory_space<vmem>>
          %dma_wait3A_347 = tpu.memref_squeeze %dma_wait3A_346 : memref<1x8x1024xf32, #tpu.memory_space<vmem>> -> memref<8x1024xf32, #tpu.memory_space<vmem>>
          %dma_wait3A_348 = arith.constant 0 : i32
          %dma_wait3A_349 = arith.constant 0 : i32
          %dma_wait3A_350 = tpu.memref_slice %arg2[%dma_wait3A_348, %dma_wait3A_349] : memref<100000x1024xf32, #tpu.memory_space<hbm>> -> memref<8x1024xf32, #tpu.memory_space<hbm>>
          tpu.wait_dma2 semaphore(%dma_wait3A_343 : memref<!tpu.dma_semaphore, #tpu.memory_space<semaphore_mem>>) src(%dma_wait3A_350 : memref<8x1024xf32, #tpu.memory_space<hbm>>) dst(%dma_wait3A_347 : memref<8x1024xf32, #tpu.memory_space<vmem>>)
        } else {
        }
        %scan3A_305 = arith.constant 0 : i32
        %scan3A_306 = arith.constant 64 : i32
        %scan3A_307 = arith.addi %scan3A_305, %scan3A_306 : i32
        %scan3A_308 = arith.constant 1 : i32
        scf.for %scan3A_333 = %scan3A_305 to %scan3A_307 step %scan3A_308  : i32 {
          %mul3A_334 = arith.constant 1 : i32
          %mul3A_335 = arith.muli %scan3A_333, %mul3A_334 : i32
          %add3A_336 = arith.constant 0 : i32
          %add3A_337 = arith.addi %add3A_336, %mul3A_335 : i32
          %mul3A_338 = arith.constant 16 : i32
          %mul3A_339 = arith.muli %add3A_337, %mul3A_338 : i32
          %get3A = arith.index_cast %mul3A_339 : i32 to index
          %get3A_340 = tpu.vector_load %arg5[%get3A] {strides = array<i32>} : memref<1024xi32, #tpu.memory_space<vmem>>, vector<16xi32>,
          %get3A_341 = vector.shape_cast %get3A_340 : vector<16xi32> to vector<16xi32>
          %get3A_342 = arith.constant 3 : i32
          %get3A_343 = arith.constant 0 : i32
          %get3A_344 = arith.index_cast %get3A_342 : i32 to index
          %get3A_345 = arith.index_cast %get3A_343 : i32 to index
          %get3A_346 = arith.index_cast %mul3A_339 : i32 to index
          %get3A_347 = tpu.vector_load %arg6[%get3A_344, %get3A_345, %get3A_346] {strides = array<i32>} : memref<6x8x1024xf32, #tpu.memory_space<vmem>>, vector<1x1x16xf32>,
          %get3A_348 = vector.shape_cast %get3A_347 : vector<1x1x16xf32> to vector<16xf32>
          %mul3A_349 = arith.constant 6.400000e+01 : f32
          %mul3A_350 = vector.broadcast %mul3A_349 : f32 to vector<16xf32>
          %mul3A_351 = arith.mulf %get3A_348, %mul3A_350 : vector<16xf32>
          %add3A_352 = arith.constant 0 : i32
          %add3A_353 = arith.addi %mul3A_282, %add3A_352 : i32
          %eq3A = vector.broadcast %add3A_353 : i32 to vector<16xi32>
          %eq3A_354 = arith.cmpi eq, %get3A_341, %eq3A : vector<16xi32>
          %add3A_355 = arith.addf %mul3A_351, %broadcast_in_dim3A_1 : vector<16xf32>
          %select_n3A_356 = arith.select %eq3A_354, %add3A_355, %mul3A_351 : vector<16xi1>, vector<16xf32>
          %swap3A = arith.constant 3 : i32
          %swap3A_357 = arith.constant 0 : i32
          %swap3A_358 = arith.index_cast %swap3A : i32 to index
          %swap3A_359 = arith.index_cast %swap3A_357 : i32 to index
          %swap3A_360 = arith.index_cast %mul3A_339 : i32 to index
          %swap3A_361 = tpu.vector_load %arg7[%swap3A_358, %swap3A_359, %swap3A_360] {strides = array<i32>} : memref<6x8x1024xf32, #tpu.memory_space<vmem>>, vector<1x1x16xf32>,
          %swap3A_362 = vector.shape_cast %swap3A_361 : vector<1x1x16xf32> to vector<16xf32>
          %swap3A_363 = vector.shape_cast %select_n3A_356 : vector<16xf32> to vector<1x1x16xf32>
          tpu.vector_store %arg7[%swap3A_358, %swap3A_359, %swap3A_360], %swap3A_363 {strides = array<i32>} : memref<6x8x1024xf32, #tpu.memory_space<vmem>>, vector<1x1x16xf32>,
          %get3A_364 = arith.constant 3 : i32
          %get3A_365 = arith.constant 1 : i32
          %get3A_366 = arith.index_cast %get3A_364 : i32 to index
          %get3A_367 = arith.index_cast %get3A_365 : i32 to index
          %get3A_368 = arith.index_cast %mul3A_339 : i32 to index
          %get3A_369 = tpu.vector_load %arg6[%get3A_366, %get3A_367, %get3A_368] {strides = array<i32>} : memref<6x8x1024xf32, #tpu.memory_space<vmem>>, vector<1x1x16xf32>,
          %get3A_370 = vector.shape_cast %get3A_369 : vector<1x1x16xf32> to vector<16xf32>
          %mul3A_371 = arith.constant 6.400000e+01 : f32
          %mul3A_372 = vector.broadcast %mul3A_371 : f32 to vector<16xf32>
          %mul3A_373 = arith.mulf %get3A_370, %mul3A_372 : vector<16xf32>
          %add3A_374 = arith.constant 1 : i32
          %add3A_375 = arith.addi %mul3A_282, %add3A_374 : i32
          %eq3A_376 = vector.broadcast %add3A_375 : i32 to vector<16xi32>
          %eq3A_377 = arith.cmpi eq, %get3A_341, %eq3A_376 : vector<16xi32>
          %add3A_378 = arith.addf %mul3A_373, %broadcast_in_dim3A_1 : vector<16xf32>
          %select_n3A_379 = arith.select %eq3A_377, %add3A_378, %mul3A_373 : vector<16xi1>, vector<16xf32>
          %swap3A_380 = arith.constant 3 : i32
          %swap3A_381 = arith.constant 1 : i32
          %swap3A_382 = arith.index_cast %swap3A_380 : i32 to index
          %swap3A_383 = arith.index_cast %swap3A_381 : i32 to index
          %swap3A_384 = arith.index_cast %mul3A_339 : i32 to index
          %swap3A_385 = tpu.vector_load %arg7[%swap3A_382, %swap3A_383, %swap3A_384] {strides = array<i32>} : memref<6x8x1024xf32, #tpu.memory_space<vmem>>, vector<1x1x16xf32>,
          %swap3A_386 = vector.shape_cast %swap3A_385 : vector<1x1x16xf32> to vector<16xf32>
          %swap3A_387 = vector.shape_cast %select_n3A_379 : vector<16xf32> to vector<1x1x16xf32>
          tpu.vector_store %arg7[%swap3A_382, %swap3A_383, %swap3A_384], %swap3A_387 {strides = array<i32>} : memref<6x8x1024xf32, #tpu.memory_space<vmem>>, vector<1x1x16xf32>,
          %get3A_388 = arith.constant 3 : i32
          %get3A_389 = arith.constant 2 : i32
          %get3A_390 = arith.index_cast %get3A_388 : i32 to index
          %get3A_391 = arith.index_cast %get3A_389 : i32 to index
          %get3A_392 = arith.index_cast %mul3A_339 : i32 to index
          %get3A_393 = tpu.vector_load %arg6[%get3A_390, %get3A_391, %get3A_392] {strides = array<i32>} : memref<6x8x1024xf32, #tpu.memory_space<vmem>>, vector<1x1x16xf32>,
          %get3A_394 = vector.shape_cast %get3A_393 : vector<1x1x16xf32> to vector<16xf32>
          %mul3A_395 = arith.constant 6.400000e+01 : f32
          %mul3A_396 = vector.broadcast %mul3A_395 : f32 to vector<16xf32>
          %mul3A_397 = arith.mulf %get3A_394, %mul3A_396 : vector<16xf32>
          %add3A_398 = arith.constant 2 : i32
          %add3A_399 = arith.addi %mul3A_282, %add3A_398 : i32
          %eq3A_400 = vector.broadcast %add3A_399 : i32 to vector<16xi32>
          %eq3A_401 = arith.cmpi eq, %get3A_341, %eq3A_400 : vector<16xi32>
          %add3A_402 = arith.addf %mul3A_397, %broadcast_in_dim3A_1 : vector<16xf32>
          %select_n3A_403 = arith.select %eq3A_401, %add3A_402, %mul3A_397 : vector<16xi1>, vector<16xf32>
          %swap3A_404 = arith.constant 3 : i32
          %swap3A_405 = arith.constant 2 : i32
          %swap3A_406 = arith.index_cast %swap3A_404 : i32 to index
          %swap3A_407 = arith.index_cast %swap3A_405 : i32 to index
          %swap3A_408 = arith.index_cast %mul3A_339 : i32 to index
          %swap3A_409 = tpu.vector_load %arg7[%swap3A_406, %swap3A_407, %swap3A_408] {strides = array<i32>} : memref<6x8x1024xf32, #tpu.memory_space<vmem>>, vector<1x1x16xf32>,
          %swap3A_410 = vector.shape_cast %swap3A_409 : vector<1x1x16xf32> to vector<16xf32>
          %swap3A_411 = vector.shape_cast %select_n3A_403 : vector<16xf32> to vector<1x1x16xf32>
          tpu.vector_store %arg7[%swap3A_406, %swap3A_407, %swap3A_408], %swap3A_411 {strides = array<i32>} : memref<6x8x1024xf32, #tpu.memory_space<vmem>>, vector<1x1x16xf32>,
          %get3A_412 = arith.constant 3 : i32
          %get3A_413 = arith.constant 3 : i32
          %get3A_414 = arith.index_cast %get3A_412 : i32 to index
          %get3A_415 = arith.index_cast %get3A_413 : i32 to index
          %get3A_416 = arith.index_cast %mul3A_339 : i32 to index
          %get3A_417 = tpu.vector_load %arg6[%get3A_414, %get3A_415, %get3A_416] {strides = array<i32>} : memref<6x8x1024xf32, #tpu.memory_space<vmem>>, vector<1x1x16xf32>,
          %get3A_418 = vector.shape_cast %get3A_417 : vector<1x1x16xf32> to vector<16xf32>
          %mul3A_419 = arith.constant 6.400000e+01 : f32
          %mul3A_420 = vector.broadcast %mul3A_419 : f32 to vector<16xf32>
          %mul3A_421 = arith.mulf %get3A_418, %mul3A_420 : vector<16xf32>
          %add3A_422 = arith.constant 3 : i32
          %add3A_423 = arith.addi %mul3A_282, %add3A_422 : i32
          %eq3A_424 = vector.broadcast %add3A_423 : i32 to vector<16xi32>
          %eq3A_425 = arith.cmpi eq, %get3A_341, %eq3A_424 : vector<16xi32>
          %add3A_426 = arith.addf %mul3A_421, %broadcast_in_dim3A_1 : vector<16xf32>
          %select_n3A_427 = arith.select %eq3A_425, %add3A_426, %mul3A_421 : vector<16xi1>, vector<16xf32>
          %swap3A_428 = arith.constant 3 : i32
          %swap3A_429 = arith.constant 3 : i32
          %swap3A_430 = arith.index_cast %swap3A_428 : i32 to index
          %swap3A_431 = arith.index_cast %swap3A_429 : i32 to index
          %swap3A_432 = arith.index_cast %mul3A_339 : i32 to index
          %swap3A_433 = tpu.vector_load %arg7[%swap3A_430, %swap3A_431, %swap3A_432] {strides = array<i32>} : memref<6x8x1024xf32, #tpu.memory_space<vmem>>, vector<1x1x16xf32>,
          %swap3A_434 = vector.shape_cast %swap3A_433 : vector<1x1x16xf32> to vector<16xf32>
          %swap3A_435 = vector.shape_cast %select_n3A_427 : vector<16xf32> to vector<1x1x16xf32>
          tpu.vector_store %arg7[%swap3A_430, %swap3A_431, %swap3A_432], %swap3A_435 {strides = array<i32>} : memref<6x8x1024xf32, #tpu.memory_space<vmem>>, vector<1x1x16xf32>,
          %get3A_436 = arith.constant 3 : i32
          %get3A_437 = arith.constant 4 : i32
          %get3A_438 = arith.index_cast %get3A_436 : i32 to index
          %get3A_439 = arith.index_cast %get3A_437 : i32 to index
          %get3A_440 = arith.index_cast %mul3A_339 : i32 to index
          %get3A_441 = tpu.vector_load %arg6[%get3A_438, %get3A_439, %get3A_440] {strides = array<i32>} : memref<6x8x1024xf32, #tpu.memory_space<vmem>>, vector<1x1x16xf32>,
          %get3A_442 = vector.shape_cast %get3A_441 : vector<1x1x16xf32> to vector<16xf32>
          %mul3A_443 = arith.constant 6.400000e+01 : f32
          %mul3A_444 = vector.broadcast %mul3A_443 : f32 to vector<16xf32>
          %mul3A_445 = arith.mulf %get3A_442, %mul3A_444 : vector<16xf32>
          %add3A_446 = arith.constant 4 : i32
          %add3A_447 = arith.addi %mul3A_282, %add3A_446 : i32
          %eq3A_448 = vector.broadcast %add3A_447 : i32 to vector<16xi32>
          %eq3A_449 = arith.cmpi eq, %get3A_341, %eq3A_448 : vector<16xi32>
          %add3A_450 = arith.addf %mul3A_445, %broadcast_in_dim3A_1 : vector<16xf32>
          %select_n3A_451 = arith.select %eq3A_449, %add3A_450, %mul3A_445 : vector<16xi1>, vector<16xf32>
          %swap3A_452 = arith.constant 3 : i32
          %swap3A_453 = arith.constant 4 : i32
          %swap3A_454 = arith.index_cast %swap3A_452 : i32 to index
          %swap3A_455 = arith.index_cast %swap3A_453 : i32 to index
          %swap3A_456 = arith.index_cast %mul3A_339 : i32 to index
          %swap3A_457 = tpu.vector_load %arg7[%swap3A_454, %swap3A_455, %swap3A_456] {strides = array<i32>} : memref<6x8x1024xf32, #tpu.memory_space<vmem>>, vector<1x1x16xf32>,
          %swap3A_458 = vector.shape_cast %swap3A_457 : vector<1x1x16xf32> to vector<16xf32>
          %swap3A_459 = vector.shape_cast %select_n3A_451 : vector<16xf32> to vector<1x1x16xf32>
          tpu.vector_store %arg7[%swap3A_454, %swap3A_455, %swap3A_456], %swap3A_459 {strides = array<i32>} : memref<6x8x1024xf32, #tpu.memory_space<vmem>>, vector<1x1x16xf32>,
          %get3A_460 = arith.constant 3 : i32
          %get3A_461 = arith.constant 5 : i32
          %get3A_462 = arith.index_cast %get3A_460 : i32 to index
          %get3A_463 = arith.index_cast %get3A_461 : i32 to index
          %get3A_464 = arith.index_cast %mul3A_339 : i32 to index
          %get3A_465 = tpu.vector_load %arg6[%get3A_462, %get3A_463, %get3A_464] {strides = array<i32>} : memref<6x8x1024xf32, #tpu.memory_space<vmem>>, vector<1x1x16xf32>,
          %get3A_466 = vector.shape_cast %get3A_465 : vector<1x1x16xf32> to vector<16xf32>
          %mul3A_467 = arith.constant 6.400000e+01 : f32
          %mul3A_468 = vector.broadcast %mul3A_467 : f32 to vector<16xf32>
          %mul3A_469 = arith.mulf %get3A_466, %mul3A_468 : vector<16xf32>
          %add3A_470 = arith.constant 5 : i32
          %add3A_471 = arith.addi %mul3A_282, %add3A_470 : i32
          %eq3A_472 = vector.broadcast %add3A_471 : i32 to vector<16xi32>
          %eq3A_473 = arith.cmpi eq, %get3A_341, %eq3A_472 : vector<16xi32>
          %add3A_474 = arith.addf %mul3A_469, %broadcast_in_dim3A_1 : vector<16xf32>
          %select_n3A_475 = arith.select %eq3A_473, %add3A_474, %mul3A_469 : vector<16xi1>, vector<16xf32>
          %swap3A_476 = arith.constant 3 : i32
          %swap3A_477 = arith.constant 5 : i32
          %swap3A_478 = arith.index_cast %swap3A_476 : i32 to index
          %swap3A_479 = arith.index_cast %swap3A_477 : i32 to index
          %swap3A_480 = arith.index_cast %mul3A_339 : i32 to index
          %swap3A_481 = tpu.vector_load %arg7[%swap3A_478, %swap3A_479, %swap3A_480] {strides = array<i32>} : memref<6x8x1024xf32, #tpu.memory_space<vmem>>, vector<1x1x16xf32>,
          %swap3A_482 = vector.shape_cast %swap3A_481 : vector<1x1x16xf32> to vector<16xf32>
          %swap3A_483 = vector.shape_cast %select_n3A_475 : vector<16xf32> to vector<1x1x16xf32>
          tpu.vector_store %arg7[%swap3A_478, %swap3A_479, %swap3A_480], %swap3A_483 {strides = array<i32>} : memref<6x8x1024xf32, #tpu.memory_space<vmem>>, vector<1x1x16xf32>,
          %get3A_484 = arith.constant 3 : i32
          %get3A_485 = arith.constant 6 : i32
          %get3A_486 = arith.index_cast %get3A_484 : i32 to index
          %get3A_487 = arith.index_cast %get3A_485 : i32 to index
          %get3A_488 = arith.index_cast %mul3A_339 : i32 to index
          %get3A_489 = tpu.vector_load %arg6[%get3A_486, %get3A_487, %get3A_488] {strides = array<i32>} : memref<6x8x1024xf32, #tpu.memory_space<vmem>>, vector<1x1x16xf32>,
          %get3A_490 = vector.shape_cast %get3A_489 : vector<1x1x16xf32> to vector<16xf32>
          %mul3A_491 = arith.constant 6.400000e+01 : f32
          %mul3A_492 = vector.broadcast %mul3A_491 : f32 to vector<16xf32>
          %mul3A_493 = arith.mulf %get3A_490, %mul3A_492 : vector<16xf32>
          %add3A_494 = arith.constant 6 : i32
          %add3A_495 = arith.addi %mul3A_282, %add3A_494 : i32
          %eq3A_496 = vector.broadcast %add3A_495 : i32 to vector<16xi32>
          %eq3A_497 = arith.cmpi eq, %get3A_341, %eq3A_496 : vector<16xi32>
          %add3A_498 = arith.addf %mul3A_493, %broadcast_in_dim3A_1 : vector<16xf32>
          %select_n3A_499 = arith.select %eq3A_497, %add3A_498, %mul3A_493 : vector<16xi1>, vector<16xf32>
          %swap3A_500 = arith.constant 3 : i32
          %swap3A_501 = arith.constant 6 : i32
          %swap3A_502 = arith.index_cast %swap3A_500 : i32 to index
          %swap3A_503 = arith.index_cast %swap3A_501 : i32 to index
          %swap3A_504 = arith.index_cast %mul3A_339 : i32 to index
          %swap3A_505 = tpu.vector_load %arg7[%swap3A_502, %swap3A_503, %swap3A_504] {strides = array<i32>} : memref<6x8x1024xf32, #tpu.memory_space<vmem>>, vector<1x1x16xf32>,
          %swap3A_506 = vector.shape_cast %swap3A_505 : vector<1x1x16xf32> to vector<16xf32>
          %swap3A_507 = vector.shape_cast %select_n3A_499 : vector<16xf32> to vector<1x1x16xf32>
          tpu.vector_store %arg7[%swap3A_502, %swap3A_503, %swap3A_504], %swap3A_507 {strides = array<i32>} : memref<6x8x1024xf32, #tpu.memory_space<vmem>>, vector<1x1x16xf32>,
          %get3A_508 = arith.constant 3 : i32
          %get3A_509 = arith.constant 7 : i32
          %get3A_510 = arith.index_cast %get3A_508 : i32 to index
          %get3A_511 = arith.index_cast %get3A_509 : i32 to index
          %get3A_512 = arith.index_cast %mul3A_339 : i32 to index
          %get3A_513 = tpu.vector_load %arg6[%get3A_510, %get3A_511, %get3A_512] {strides = array<i32>} : memref<6x8x1024xf32, #tpu.memory_space<vmem>>, vector<1x1x16xf32>,
          %get3A_514 = vector.shape_cast %get3A_513 : vector<1x1x16xf32> to vector<16xf32>
          %mul3A_515 = arith.constant 6.400000e+01 : f32
          %mul3A_516 = vector.broadcast %mul3A_515 : f32 to vector<16xf32>
          %mul3A_517 = arith.mulf %get3A_514, %mul3A_516 : vector<16xf32>
          %add3A_518 = arith.constant 7 : i32
          %add3A_519 = arith.addi %mul3A_282, %add3A_518 : i32
          %eq3A_520 = vector.broadcast %add3A_519 : i32 to vector<16xi32>
          %eq3A_521 = arith.cmpi eq, %get3A_341, %eq3A_520 : vector<16xi32>
          %add3A_522 = arith.addf %mul3A_517, %broadcast_in_dim3A_1 : vector<16xf32>
          %select_n3A_523 = arith.select %eq3A_521, %add3A_522, %mul3A_517 : vector<16xi1>, vector<16xf32>
          %swap3A_524 = arith.constant 3 : i32
          %swap3A_525 = arith.constant 7 : i32
          %swap3A_526 = arith.index_cast %swap3A_524 : i32 to index
          %swap3A_527 = arith.index_cast %swap3A_525 : i32 to index
          %swap3A_528 = arith.index_cast %mul3A_339 : i32 to index
          %swap3A_529 = tpu.vector_load %arg7[%swap3A_526, %swap3A_527, %swap3A_528] {strides = array<i32>} : memref<6x8x1024xf32, #tpu.memory_space<vmem>>, vector<1x1x16xf32>,
          %swap3A_530 = vector.shape_cast %swap3A_529 : vector<1x1x16xf32> to vector<16xf32>
          %swap3A_531 = vector.shape_cast %select_n3A_523 : vector<16xf32> to vector<1x1x16xf32>
          tpu.vector_store %arg7[%swap3A_526, %swap3A_527, %swap3A_528], %swap3A_531 {strides = array<i32>} : memref<6x8x1024xf32, #tpu.memory_space<vmem>>, vector<1x1x16xf32>,
        }
        %scan3A_309 = arith.constant 64 : i32
        %multiple_of3A_310 = tpu.assume_multiple %mul3A_282, 8 : i32
        %dma_start3A_311 = arith.constant 3 : i32
        %dma_start3A_312 = arith.constant 3 : i32
        %dma_start3A_313 = arith.constant 0 : i32
        %dma_start3A_314 = arith.constant 0 : i32
        %dma_start3A_315 = tpu.memref_slice %arg7[%dma_start3A_311, %dma_start3A_313, %dma_start3A_314] : memref<6x8x1024xf32, #tpu.memory_space<vmem>> -> memref<1x8x1024xf32, #tpu.memory_space<vmem>>
        %dma_start3A_316 = tpu.memref_squeeze %dma_start3A_315 : memref<1x8x1024xf32, #tpu.memory_space<vmem>> -> memref<8x1024xf32, #tpu.memory_space<vmem>>
        %dma_start3A_317 = arith.constant 0 : i32
        %dma_start3A_318 = tpu.memref_slice %arg4[%multiple_of3A_310, %dma_start3A_317] : memref<100000x1024xf32, #tpu.memory_space<hbm>> -> memref<8x1024xf32, #tpu.memory_space<hbm>>
        %dma_start3A_319 = tpu.memref_slice %arg9[%dma_start3A_312] : memref<6x!tpu.dma_semaphore, #tpu.memory_space<semaphore_mem>> -> memref<1x!tpu.dma_semaphore, #tpu.memory_space<semaphore_mem>>
        %dma_start3A_320 = tpu.memref_squeeze %dma_start3A_319 : memref<1x!tpu.dma_semaphore, #tpu.memory_space<semaphore_mem>> -> memref<!tpu.dma_semaphore, #tpu.memory_space<semaphore_mem>>
        %dma_start3A_321 = arith.constant 0 : i32
        %dma_start3A_322 = tpu.memref_slice %arg4[%multiple_of3A_310, %dma_start3A_321] : memref<100000x1024xf32, #tpu.memory_space<hbm>> -> memref<8x1024xf32, #tpu.memory_space<hbm>>
        %dma_start3A_323 = arith.constant 0 : i32
        %dma_start3A_324 = arith.constant 0 : i32
        %dma_start3A_325 = tpu.memref_slice %arg7[%dma_start3A_311, %dma_start3A_323, %dma_start3A_324] : memref<6x8x1024xf32, #tpu.memory_space<vmem>> -> memref<1x8x1024xf32, #tpu.memory_space<vmem>>
        %dma_start3A_326 = tpu.memref_squeeze %dma_start3A_325 : memref<1x8x1024xf32, #tpu.memory_space<vmem>> -> memref<8x1024xf32, #tpu.memory_space<vmem>>
        tpu.enqueue_dma source(%dma_start3A_326 : memref<8x1024xf32, #tpu.memory_space<vmem>>) target(%dma_start3A_322 : memref<8x1024xf32, #tpu.memory_space<hbm>>) target_semaphore(%dma_start3A_320 : memref<!tpu.dma_semaphore, #tpu.memory_space<semaphore_mem>>)
        %add3A_327 = arith.constant 6 : i32
        %add3A_328 = arith.addi %add3A_261, %add3A_327 : i32
        %lt3A_329 = arith.cmpi slt, %add3A_328, %select_n3A : i32
        %convert_element_type3A_330 = arith.extui %lt3A_329 : i1 to i32
        %cond3A_331 = arith.constant 0 : i32
        %cond3A_332 = arith.cmpi ne, %convert_element_type3A_330, %cond3A_331 : i32
        scf.if %cond3A_332 {
          %add3A_333 = arith.constant 6 : i32
          %add3A_334 = arith.addi %add3A_261, %add3A_333 : i32
          %mul3A_335 = arith.constant 32 : i32
          %mul3A_336 = arith.muli %add3A_334, %mul3A_335 : i32
          %add3A_337 = arith.addi %add3A, %mul3A_336 : i32
          %mul3A_338 = arith.constant 8 : i32
          %mul3A_339 = arith.muli %add3A_337, %mul3A_338 : i32
          %multiple_of3A_340 = tpu.assume_multiple %mul3A_339, 8 : i32
          %dma_start3A_341 = arith.constant 3 : i32
          %dma_start3A_342 = arith.constant 3 : i32
          %dma_start3A_343 = arith.constant 0 : i32
          %dma_start3A_344 = arith.constant 0 : i32
          %dma_start3A_345 = tpu.memref_slice %arg6[%dma_start3A_341, %dma_start3A_343, %dma_start3A_344] : memref<6x8x1024xf32, #tpu.memory_space<vmem>> -> memref<1x8x1024xf32, #tpu.memory_space<vmem>>
          %dma_start3A_346 = tpu.memref_squeeze %dma_start3A_345 : memref<1x8x1024xf32, #tpu.memory_space<vmem>> -> memref<8x1024xf32, #tpu.memory_space<vmem>>
          %dma_start3A_347 = arith.constant 0 : i32
          %dma_start3A_348 = tpu.memref_slice %arg2[%multiple_of3A_340, %dma_start3A_347] : memref<100000x1024xf32, #tpu.memory_space<hbm>> -> memref<8x1024xf32, #tpu.memory_space<hbm>>
          %dma_start3A_349 = tpu.memref_slice %arg8[%dma_start3A_342] : memref<6x!tpu.dma_semaphore, #tpu.memory_space<semaphore_mem>> -> memref<1x!tpu.dma_semaphore, #tpu.memory_space<semaphore_mem>>
          %dma_start3A_350 = tpu.memref_squeeze %dma_start3A_349 : memref<1x!tpu.dma_semaphore, #tpu.memory_space<semaphore_mem>> -> memref<!tpu.dma_semaphore, #tpu.memory_space<semaphore_mem>>
          %dma_start3A_351 = arith.constant 0 : i32
          %dma_start3A_352 = arith.constant 0 : i32
          %dma_start3A_353 = tpu.memref_slice %arg6[%dma_start3A_341, %dma_start3A_351, %dma_start3A_352] : memref<6x8x1024xf32, #tpu.memory_space<vmem>> -> memref<1x8x1024xf32, #tpu.memory_space<vmem>>
          %dma_start3A_354 = tpu.memref_squeeze %dma_start3A_353 : memref<1x8x1024xf32, #tpu.memory_space<vmem>> -> memref<8x1024xf32, #tpu.memory_space<vmem>>
          %dma_start3A_355 = arith.constant 0 : i32
          %dma_start3A_356 = tpu.memref_slice %arg2[%multiple_of3A_340, %dma_start3A_355] : memref<100000x1024xf32, #tpu.memory_space<hbm>> -> memref<8x1024xf32, #tpu.memory_space<hbm>>
          tpu.enqueue_dma source(%dma_start3A_356 : memref<8x1024xf32, #tpu.memory_space<hbm>>) target(%dma_start3A_354 : memref<8x1024xf32, #tpu.memory_space<vmem>>) target_semaphore(%dma_start3A_350 : memref<!tpu.dma_semaphore, #tpu.memory_space<semaphore_mem>>)
        } else {
        }
      } else {
      }
      %add3A_266 = arith.constant 4 : i32
      %add3A_267 = arith.addi %add3A_243, %add3A_266 : i32
      %lt3A_268 = arith.cmpi slt, %add3A_267, %select_n3A : i32
      %convert_element_type3A_269 = arith.extui %lt3A_268 : i1 to i32
      %cond3A_270 = arith.constant 0 : i32
      %cond3A_271 = arith.cmpi ne, %convert_element_type3A_269, %cond3A_270 : i32
      scf.if %cond3A_271 {
        %mul3A_278 = arith.constant 32 : i32
        %mul3A_279 = arith.muli %add3A_267, %mul3A_278 : i32
        %add3A_280 = arith.addi %add3A, %mul3A_279 : i32
        %mul3A_281 = arith.constant 8 : i32
        %mul3A_282 = arith.muli %add3A_280, %mul3A_281 : i32
        %dma_wait3A_283 = arith.constant 4 : i32
        %dma_wait3A_284 = arith.constant 4 : i32
        %dma_wait3A_285 = arith.constant 0 : i32
        %dma_wait3A_286 = arith.constant 0 : i32
        %dma_wait3A_287 = tpu.memref_slice %arg6[%dma_wait3A_283, %dma_wait3A_285, %dma_wait3A_286] : memref<6x8x1024xf32, #tpu.memory_space<vmem>> -> memref<1x8x1024xf32, #tpu.memory_space<vmem>>
        %dma_wait3A_288 = tpu.memref_squeeze %dma_wait3A_287 : memref<1x8x1024xf32, #tpu.memory_space<vmem>> -> memref<8x1024xf32, #tpu.memory_space<vmem>>
        %dma_wait3A_289 = arith.constant 0 : i32
        %dma_wait3A_290 = arith.constant 0 : i32
        %dma_wait3A_291 = tpu.memref_slice %arg2[%dma_wait3A_289, %dma_wait3A_290] : memref<100000x1024xf32, #tpu.memory_space<hbm>> -> memref<8x1024xf32, #tpu.memory_space<hbm>>
        %dma_wait3A_292 = tpu.memref_slice %arg8[%dma_wait3A_284] : memref<6x!tpu.dma_semaphore, #tpu.memory_space<semaphore_mem>> -> memref<1x!tpu.dma_semaphore, #tpu.memory_space<semaphore_mem>>
        %dma_wait3A_293 = tpu.memref_squeeze %dma_wait3A_292 : memref<1x!tpu.dma_semaphore, #tpu.memory_space<semaphore_mem>> -> memref<!tpu.dma_semaphore, #tpu.memory_space<semaphore_mem>>
        %dma_wait3A_294 = arith.constant 0 : i32
        %dma_wait3A_295 = arith.constant 0 : i32
        %dma_wait3A_296 = tpu.memref_slice %arg6[%dma_wait3A_283, %dma_wait3A_294, %dma_wait3A_295] : memref<6x8x1024xf32, #tpu.memory_space<vmem>> -> memref<1x8x1024xf32, #tpu.memory_space<vmem>>
        %dma_wait3A_297 = tpu.memref_squeeze %dma_wait3A_296 : memref<1x8x1024xf32, #tpu.memory_space<vmem>> -> memref<8x1024xf32, #tpu.memory_space<vmem>>
        %dma_wait3A_298 = arith.constant 0 : i32
        %dma_wait3A_299 = arith.constant 0 : i32
        %dma_wait3A_300 = tpu.memref_slice %arg2[%dma_wait3A_298, %dma_wait3A_299] : memref<100000x1024xf32, #tpu.memory_space<hbm>> -> memref<8x1024xf32, #tpu.memory_space<hbm>>
        tpu.wait_dma2 semaphore(%dma_wait3A_293 : memref<!tpu.dma_semaphore, #tpu.memory_space<semaphore_mem>>) src(%dma_wait3A_300 : memref<8x1024xf32, #tpu.memory_space<hbm>>) dst(%dma_wait3A_297 : memref<8x1024xf32, #tpu.memory_space<vmem>>)
        %ge3A = arith.constant 6 : i32
        %ge3A_301 = arith.cmpi sge, %add3A_267, %ge3A : i32
        %convert_element_type3A_302 = arith.extui %ge3A_301 : i1 to i32
        %cond3A_303 = arith.constant 0 : i32
        %cond3A_304 = arith.cmpi ne, %convert_element_type3A_302, %cond3A_303 : i32
        scf.if %cond3A_304 {
          %dma_wait3A_333 = arith.constant 4 : i32
          %dma_wait3A_334 = arith.constant 4 : i32
          %dma_wait3A_335 = arith.constant 0 : i32
          %dma_wait3A_336 = arith.constant 0 : i32
          %dma_wait3A_337 = tpu.memref_slice %arg7[%dma_wait3A_333, %dma_wait3A_335, %dma_wait3A_336] : memref<6x8x1024xf32, #tpu.memory_space<vmem>> -> memref<1x8x1024xf32, #tpu.memory_space<vmem>>
          %dma_wait3A_338 = tpu.memref_squeeze %dma_wait3A_337 : memref<1x8x1024xf32, #tpu.memory_space<vmem>> -> memref<8x1024xf32, #tpu.memory_space<vmem>>
          %dma_wait3A_339 = arith.constant 0 : i32
          %dma_wait3A_340 = arith.constant 0 : i32
          %dma_wait3A_341 = tpu.memref_slice %arg2[%dma_wait3A_339, %dma_wait3A_340] : memref<100000x1024xf32, #tpu.memory_space<hbm>> -> memref<8x1024xf32, #tpu.memory_space<hbm>>
          %dma_wait3A_342 = tpu.memref_slice %arg9[%dma_wait3A_334] : memref<6x!tpu.dma_semaphore, #tpu.memory_space<semaphore_mem>> -> memref<1x!tpu.dma_semaphore, #tpu.memory_space<semaphore_mem>>
          %dma_wait3A_343 = tpu.memref_squeeze %dma_wait3A_342 : memref<1x!tpu.dma_semaphore, #tpu.memory_space<semaphore_mem>> -> memref<!tpu.dma_semaphore, #tpu.memory_space<semaphore_mem>>
          %dma_wait3A_344 = arith.constant 0 : i32
          %dma_wait3A_345 = arith.constant 0 : i32
          %dma_wait3A_346 = tpu.memref_slice %arg7[%dma_wait3A_333, %dma_wait3A_344, %dma_wait3A_345] : memref<6x8x1024xf32, #tpu.memory_space<vmem>> -> memref<1x8x1024xf32, #tpu.memory_space<vmem>>
          %dma_wait3A_347 = tpu.memref_squeeze %dma_wait3A_346 : memref<1x8x1024xf32, #tpu.memory_space<vmem>> -> memref<8x1024xf32, #tpu.memory_space<vmem>>
          %dma_wait3A_348 = arith.constant 0 : i32
          %dma_wait3A_349 = arith.constant 0 : i32
          %dma_wait3A_350 = tpu.memref_slice %arg2[%dma_wait3A_348, %dma_wait3A_349] : memref<100000x1024xf32, #tpu.memory_space<hbm>> -> memref<8x1024xf32, #tpu.memory_space<hbm>>
          tpu.wait_dma2 semaphore(%dma_wait3A_343 : memref<!tpu.dma_semaphore, #tpu.memory_space<semaphore_mem>>) src(%dma_wait3A_350 : memref<8x1024xf32, #tpu.memory_space<hbm>>) dst(%dma_wait3A_347 : memref<8x1024xf32, #tpu.memory_space<vmem>>)
        } else {
        }
        %scan3A_305 = arith.constant 0 : i32
        %scan3A_306 = arith.constant 64 : i32
        %scan3A_307 = arith.addi %scan3A_305, %scan3A_306 : i32
        %scan3A_308 = arith.constant 1 : i32
        scf.for %scan3A_333 = %scan3A_305 to %scan3A_307 step %scan3A_308  : i32 {
          %mul3A_334 = arith.constant 1 : i32
          %mul3A_335 = arith.muli %scan3A_333, %mul3A_334 : i32
          %add3A_336 = arith.constant 0 : i32
          %add3A_337 = arith.addi %add3A_336, %mul3A_335 : i32
          %mul3A_338 = arith.constant 16 : i32
          %mul3A_339 = arith.muli %add3A_337, %mul3A_338 : i32
          %get3A = arith.index_cast %mul3A_339 : i32 to index
          %get3A_340 = tpu.vector_load %arg5[%get3A] {strides = array<i32>} : memref<1024xi32, #tpu.memory_space<vmem>>, vector<16xi32>,
          %get3A_341 = vector.shape_cast %get3A_340 : vector<16xi32> to vector<16xi32>
          %get3A_342 = arith.constant 4 : i32
          %get3A_343 = arith.constant 0 : i32
          %get3A_344 = arith.index_cast %get3A_342 : i32 to index
          %get3A_345 = arith.index_cast %get3A_343 : i32 to index
          %get3A_346 = arith.index_cast %mul3A_339 : i32 to index
          %get3A_347 = tpu.vector_load %arg6[%get3A_344, %get3A_345, %get3A_346] {strides = array<i32>} : memref<6x8x1024xf32, #tpu.memory_space<vmem>>, vector<1x1x16xf32>,
          %get3A_348 = vector.shape_cast %get3A_347 : vector<1x1x16xf32> to vector<16xf32>
          %mul3A_349 = arith.constant 6.400000e+01 : f32
          %mul3A_350 = vector.broadcast %mul3A_349 : f32 to vector<16xf32>
          %mul3A_351 = arith.mulf %get3A_348, %mul3A_350 : vector<16xf32>
          %add3A_352 = arith.constant 0 : i32
          %add3A_353 = arith.addi %mul3A_282, %add3A_352 : i32
          %eq3A = vector.broadcast %add3A_353 : i32 to vector<16xi32>
          %eq3A_354 = arith.cmpi eq, %get3A_341, %eq3A : vector<16xi32>
          %add3A_355 = arith.addf %mul3A_351, %broadcast_in_dim3A_1 : vector<16xf32>
          %select_n3A_356 = arith.select %eq3A_354, %add3A_355, %mul3A_351 : vector<16xi1>, vector<16xf32>
          %swap3A = arith.constant 4 : i32
          %swap3A_357 = arith.constant 0 : i32
          %swap3A_358 = arith.index_cast %swap3A : i32 to index
          %swap3A_359 = arith.index_cast %swap3A_357 : i32 to index
          %swap3A_360 = arith.index_cast %mul3A_339 : i32 to index
          %swap3A_361 = tpu.vector_load %arg7[%swap3A_358, %swap3A_359, %swap3A_360] {strides = array<i32>} : memref<6x8x1024xf32, #tpu.memory_space<vmem>>, vector<1x1x16xf32>,
          %swap3A_362 = vector.shape_cast %swap3A_361 : vector<1x1x16xf32> to vector<16xf32>
          %swap3A_363 = vector.shape_cast %select_n3A_356 : vector<16xf32> to vector<1x1x16xf32>
          tpu.vector_store %arg7[%swap3A_358, %swap3A_359, %swap3A_360], %swap3A_363 {strides = array<i32>} : memref<6x8x1024xf32, #tpu.memory_space<vmem>>, vector<1x1x16xf32>,
          %get3A_364 = arith.constant 4 : i32
          %get3A_365 = arith.constant 1 : i32
          %get3A_366 = arith.index_cast %get3A_364 : i32 to index
          %get3A_367 = arith.index_cast %get3A_365 : i32 to index
          %get3A_368 = arith.index_cast %mul3A_339 : i32 to index
          %get3A_369 = tpu.vector_load %arg6[%get3A_366, %get3A_367, %get3A_368] {strides = array<i32>} : memref<6x8x1024xf32, #tpu.memory_space<vmem>>, vector<1x1x16xf32>,
          %get3A_370 = vector.shape_cast %get3A_369 : vector<1x1x16xf32> to vector<16xf32>
          %mul3A_371 = arith.constant 6.400000e+01 : f32
          %mul3A_372 = vector.broadcast %mul3A_371 : f32 to vector<16xf32>
          %mul3A_373 = arith.mulf %get3A_370, %mul3A_372 : vector<16xf32>
          %add3A_374 = arith.constant 1 : i32
          %add3A_375 = arith.addi %mul3A_282, %add3A_374 : i32
          %eq3A_376 = vector.broadcast %add3A_375 : i32 to vector<16xi32>
          %eq3A_377 = arith.cmpi eq, %get3A_341, %eq3A_376 : vector<16xi32>
          %add3A_378 = arith.addf %mul3A_373, %broadcast_in_dim3A_1 : vector<16xf32>
          %select_n3A_379 = arith.select %eq3A_377, %add3A_378, %mul3A_373 : vector<16xi1>, vector<16xf32>
          %swap3A_380 = arith.constant 4 : i32
          %swap3A_381 = arith.constant 1 : i32
          %swap3A_382 = arith.index_cast %swap3A_380 : i32 to index
          %swap3A_383 = arith.index_cast %swap3A_381 : i32 to index
          %swap3A_384 = arith.index_cast %mul3A_339 : i32 to index
          %swap3A_385 = tpu.vector_load %arg7[%swap3A_382, %swap3A_383, %swap3A_384] {strides = array<i32>} : memref<6x8x1024xf32, #tpu.memory_space<vmem>>, vector<1x1x16xf32>,
          %swap3A_386 = vector.shape_cast %swap3A_385 : vector<1x1x16xf32> to vector<16xf32>
          %swap3A_387 = vector.shape_cast %select_n3A_379 : vector<16xf32> to vector<1x1x16xf32>
          tpu.vector_store %arg7[%swap3A_382, %swap3A_383, %swap3A_384], %swap3A_387 {strides = array<i32>} : memref<6x8x1024xf32, #tpu.memory_space<vmem>>, vector<1x1x16xf32>,
          %get3A_388 = arith.constant 4 : i32
          %get3A_389 = arith.constant 2 : i32
          %get3A_390 = arith.index_cast %get3A_388 : i32 to index
          %get3A_391 = arith.index_cast %get3A_389 : i32 to index
          %get3A_392 = arith.index_cast %mul3A_339 : i32 to index
          %get3A_393 = tpu.vector_load %arg6[%get3A_390, %get3A_391, %get3A_392] {strides = array<i32>} : memref<6x8x1024xf32, #tpu.memory_space<vmem>>, vector<1x1x16xf32>,
          %get3A_394 = vector.shape_cast %get3A_393 : vector<1x1x16xf32> to vector<16xf32>
          %mul3A_395 = arith.constant 6.400000e+01 : f32
          %mul3A_396 = vector.broadcast %mul3A_395 : f32 to vector<16xf32>
          %mul3A_397 = arith.mulf %get3A_394, %mul3A_396 : vector<16xf32>
          %add3A_398 = arith.constant 2 : i32
          %add3A_399 = arith.addi %mul3A_282, %add3A_398 : i32
          %eq3A_400 = vector.broadcast %add3A_399 : i32 to vector<16xi32>
          %eq3A_401 = arith.cmpi eq, %get3A_341, %eq3A_400 : vector<16xi32>
          %add3A_402 = arith.addf %mul3A_397, %broadcast_in_dim3A_1 : vector<16xf32>
          %select_n3A_403 = arith.select %eq3A_401, %add3A_402, %mul3A_397 : vector<16xi1>, vector<16xf32>
          %swap3A_404 = arith.constant 4 : i32
          %swap3A_405 = arith.constant 2 : i32
          %swap3A_406 = arith.index_cast %swap3A_404 : i32 to index
          %swap3A_407 = arith.index_cast %swap3A_405 : i32 to index
          %swap3A_408 = arith.index_cast %mul3A_339 : i32 to index
          %swap3A_409 = tpu.vector_load %arg7[%swap3A_406, %swap3A_407, %swap3A_408] {strides = array<i32>} : memref<6x8x1024xf32, #tpu.memory_space<vmem>>, vector<1x1x16xf32>,
          %swap3A_410 = vector.shape_cast %swap3A_409 : vector<1x1x16xf32> to vector<16xf32>
          %swap3A_411 = vector.shape_cast %select_n3A_403 : vector<16xf32> to vector<1x1x16xf32>
          tpu.vector_store %arg7[%swap3A_406, %swap3A_407, %swap3A_408], %swap3A_411 {strides = array<i32>} : memref<6x8x1024xf32, #tpu.memory_space<vmem>>, vector<1x1x16xf32>,
          %get3A_412 = arith.constant 4 : i32
          %get3A_413 = arith.constant 3 : i32
          %get3A_414 = arith.index_cast %get3A_412 : i32 to index
          %get3A_415 = arith.index_cast %get3A_413 : i32 to index
          %get3A_416 = arith.index_cast %mul3A_339 : i32 to index
          %get3A_417 = tpu.vector_load %arg6[%get3A_414, %get3A_415, %get3A_416] {strides = array<i32>} : memref<6x8x1024xf32, #tpu.memory_space<vmem>>, vector<1x1x16xf32>,
          %get3A_418 = vector.shape_cast %get3A_417 : vector<1x1x16xf32> to vector<16xf32>
          %mul3A_419 = arith.constant 6.400000e+01 : f32
          %mul3A_420 = vector.broadcast %mul3A_419 : f32 to vector<16xf32>
          %mul3A_421 = arith.mulf %get3A_418, %mul3A_420 : vector<16xf32>
          %add3A_422 = arith.constant 3 : i32
          %add3A_423 = arith.addi %mul3A_282, %add3A_422 : i32
          %eq3A_424 = vector.broadcast %add3A_423 : i32 to vector<16xi32>
          %eq3A_425 = arith.cmpi eq, %get3A_341, %eq3A_424 : vector<16xi32>
          %add3A_426 = arith.addf %mul3A_421, %broadcast_in_dim3A_1 : vector<16xf32>
          %select_n3A_427 = arith.select %eq3A_425, %add3A_426, %mul3A_421 : vector<16xi1>, vector<16xf32>
          %swap3A_428 = arith.constant 4 : i32
          %swap3A_429 = arith.constant 3 : i32
          %swap3A_430 = arith.index_cast %swap3A_428 : i32 to index
          %swap3A_431 = arith.index_cast %swap3A_429 : i32 to index
          %swap3A_432 = arith.index_cast %mul3A_339 : i32 to index
          %swap3A_433 = tpu.vector_load %arg7[%swap3A_430, %swap3A_431, %swap3A_432] {strides = array<i32>} : memref<6x8x1024xf32, #tpu.memory_space<vmem>>, vector<1x1x16xf32>,
          %swap3A_434 = vector.shape_cast %swap3A_433 : vector<1x1x16xf32> to vector<16xf32>
          %swap3A_435 = vector.shape_cast %select_n3A_427 : vector<16xf32> to vector<1x1x16xf32>
          tpu.vector_store %arg7[%swap3A_430, %swap3A_431, %swap3A_432], %swap3A_435 {strides = array<i32>} : memref<6x8x1024xf32, #tpu.memory_space<vmem>>, vector<1x1x16xf32>,
          %get3A_436 = arith.constant 4 : i32
          %get3A_437 = arith.constant 4 : i32
          %get3A_438 = arith.index_cast %get3A_436 : i32 to index
          %get3A_439 = arith.index_cast %get3A_437 : i32 to index
          %get3A_440 = arith.index_cast %mul3A_339 : i32 to index
          %get3A_441 = tpu.vector_load %arg6[%get3A_438, %get3A_439, %get3A_440] {strides = array<i32>} : memref<6x8x1024xf32, #tpu.memory_space<vmem>>, vector<1x1x16xf32>,
          %get3A_442 = vector.shape_cast %get3A_441 : vector<1x1x16xf32> to vector<16xf32>
          %mul3A_443 = arith.constant 6.400000e+01 : f32
          %mul3A_444 = vector.broadcast %mul3A_443 : f32 to vector<16xf32>
          %mul3A_445 = arith.mulf %get3A_442, %mul3A_444 : vector<16xf32>
          %add3A_446 = arith.constant 4 : i32
          %add3A_447 = arith.addi %mul3A_282, %add3A_446 : i32
          %eq3A_448 = vector.broadcast %add3A_447 : i32 to vector<16xi32>
          %eq3A_449 = arith.cmpi eq, %get3A_341, %eq3A_448 : vector<16xi32>
          %add3A_450 = arith.addf %mul3A_445, %broadcast_in_dim3A_1 : vector<16xf32>
          %select_n3A_451 = arith.select %eq3A_449, %add3A_450, %mul3A_445 : vector<16xi1>, vector<16xf32>
          %swap3A_452 = arith.constant 4 : i32
          %swap3A_453 = arith.constant 4 : i32
          %swap3A_454 = arith.index_cast %swap3A_452 : i32 to index
          %swap3A_455 = arith.index_cast %swap3A_453 : i32 to index
          %swap3A_456 = arith.index_cast %mul3A_339 : i32 to index
          %swap3A_457 = tpu.vector_load %arg7[%swap3A_454, %swap3A_455, %swap3A_456] {strides = array<i32>} : memref<6x8x1024xf32, #tpu.memory_space<vmem>>, vector<1x1x16xf32>,
          %swap3A_458 = vector.shape_cast %swap3A_457 : vector<1x1x16xf32> to vector<16xf32>
          %swap3A_459 = vector.shape_cast %select_n3A_451 : vector<16xf32> to vector<1x1x16xf32>
          tpu.vector_store %arg7[%swap3A_454, %swap3A_455, %swap3A_456], %swap3A_459 {strides = array<i32>} : memref<6x8x1024xf32, #tpu.memory_space<vmem>>, vector<1x1x16xf32>,
          %get3A_460 = arith.constant 4 : i32
          %get3A_461 = arith.constant 5 : i32
          %get3A_462 = arith.index_cast %get3A_460 : i32 to index
          %get3A_463 = arith.index_cast %get3A_461 : i32 to index
          %get3A_464 = arith.index_cast %mul3A_339 : i32 to index
          %get3A_465 = tpu.vector_load %arg6[%get3A_462, %get3A_463, %get3A_464] {strides = array<i32>} : memref<6x8x1024xf32, #tpu.memory_space<vmem>>, vector<1x1x16xf32>,
          %get3A_466 = vector.shape_cast %get3A_465 : vector<1x1x16xf32> to vector<16xf32>
          %mul3A_467 = arith.constant 6.400000e+01 : f32
          %mul3A_468 = vector.broadcast %mul3A_467 : f32 to vector<16xf32>
          %mul3A_469 = arith.mulf %get3A_466, %mul3A_468 : vector<16xf32>
          %add3A_470 = arith.constant 5 : i32
          %add3A_471 = arith.addi %mul3A_282, %add3A_470 : i32
          %eq3A_472 = vector.broadcast %add3A_471 : i32 to vector<16xi32>
          %eq3A_473 = arith.cmpi eq, %get3A_341, %eq3A_472 : vector<16xi32>
          %add3A_474 = arith.addf %mul3A_469, %broadcast_in_dim3A_1 : vector<16xf32>
          %select_n3A_475 = arith.select %eq3A_473, %add3A_474, %mul3A_469 : vector<16xi1>, vector<16xf32>
          %swap3A_476 = arith.constant 4 : i32
          %swap3A_477 = arith.constant 5 : i32
          %swap3A_478 = arith.index_cast %swap3A_476 : i32 to index
          %swap3A_479 = arith.index_cast %swap3A_477 : i32 to index
          %swap3A_480 = arith.index_cast %mul3A_339 : i32 to index
          %swap3A_481 = tpu.vector_load %arg7[%swap3A_478, %swap3A_479, %swap3A_480] {strides = array<i32>} : memref<6x8x1024xf32, #tpu.memory_space<vmem>>, vector<1x1x16xf32>,
          %swap3A_482 = vector.shape_cast %swap3A_481 : vector<1x1x16xf32> to vector<16xf32>
          %swap3A_483 = vector.shape_cast %select_n3A_475 : vector<16xf32> to vector<1x1x16xf32>
          tpu.vector_store %arg7[%swap3A_478, %swap3A_479, %swap3A_480], %swap3A_483 {strides = array<i32>} : memref<6x8x1024xf32, #tpu.memory_space<vmem>>, vector<1x1x16xf32>,
          %get3A_484 = arith.constant 4 : i32
          %get3A_485 = arith.constant 6 : i32
          %get3A_486 = arith.index_cast %get3A_484 : i32 to index
          %get3A_487 = arith.index_cast %get3A_485 : i32 to index
          %get3A_488 = arith.index_cast %mul3A_339 : i32 to index
          %get3A_489 = tpu.vector_load %arg6[%get3A_486, %get3A_487, %get3A_488] {strides = array<i32>} : memref<6x8x1024xf32, #tpu.memory_space<vmem>>, vector<1x1x16xf32>,
          %get3A_490 = vector.shape_cast %get3A_489 : vector<1x1x16xf32> to vector<16xf32>
          %mul3A_491 = arith.constant 6.400000e+01 : f32
          %mul3A_492 = vector.broadcast %mul3A_491 : f32 to vector<16xf32>
          %mul3A_493 = arith.mulf %get3A_490, %mul3A_492 : vector<16xf32>
          %add3A_494 = arith.constant 6 : i32
          %add3A_495 = arith.addi %mul3A_282, %add3A_494 : i32
          %eq3A_496 = vector.broadcast %add3A_495 : i32 to vector<16xi32>
          %eq3A_497 = arith.cmpi eq, %get3A_341, %eq3A_496 : vector<16xi32>
          %add3A_498 = arith.addf %mul3A_493, %broadcast_in_dim3A_1 : vector<16xf32>
          %select_n3A_499 = arith.select %eq3A_497, %add3A_498, %mul3A_493 : vector<16xi1>, vector<16xf32>
          %swap3A_500 = arith.constant 4 : i32
          %swap3A_501 = arith.constant 6 : i32
          %swap3A_502 = arith.index_cast %swap3A_500 : i32 to index
          %swap3A_503 = arith.index_cast %swap3A_501 : i32 to index
          %swap3A_504 = arith.index_cast %mul3A_339 : i32 to index
          %swap3A_505 = tpu.vector_load %arg7[%swap3A_502, %swap3A_503, %swap3A_504] {strides = array<i32>} : memref<6x8x1024xf32, #tpu.memory_space<vmem>>, vector<1x1x16xf32>,
          %swap3A_506 = vector.shape_cast %swap3A_505 : vector<1x1x16xf32> to vector<16xf32>
          %swap3A_507 = vector.shape_cast %select_n3A_499 : vector<16xf32> to vector<1x1x16xf32>
          tpu.vector_store %arg7[%swap3A_502, %swap3A_503, %swap3A_504], %swap3A_507 {strides = array<i32>} : memref<6x8x1024xf32, #tpu.memory_space<vmem>>, vector<1x1x16xf32>,
          %get3A_508 = arith.constant 4 : i32
          %get3A_509 = arith.constant 7 : i32
          %get3A_510 = arith.index_cast %get3A_508 : i32 to index
          %get3A_511 = arith.index_cast %get3A_509 : i32 to index
          %get3A_512 = arith.index_cast %mul3A_339 : i32 to index
          %get3A_513 = tpu.vector_load %arg6[%get3A_510, %get3A_511, %get3A_512] {strides = array<i32>} : memref<6x8x1024xf32, #tpu.memory_space<vmem>>, vector<1x1x16xf32>,
          %get3A_514 = vector.shape_cast %get3A_513 : vector<1x1x16xf32> to vector<16xf32>
          %mul3A_515 = arith.constant 6.400000e+01 : f32
          %mul3A_516 = vector.broadcast %mul3A_515 : f32 to vector<16xf32>
          %mul3A_517 = arith.mulf %get3A_514, %mul3A_516 : vector<16xf32>
          %add3A_518 = arith.constant 7 : i32
          %add3A_519 = arith.addi %mul3A_282, %add3A_518 : i32
          %eq3A_520 = vector.broadcast %add3A_519 : i32 to vector<16xi32>
          %eq3A_521 = arith.cmpi eq, %get3A_341, %eq3A_520 : vector<16xi32>
          %add3A_522 = arith.addf %mul3A_517, %broadcast_in_dim3A_1 : vector<16xf32>
          %select_n3A_523 = arith.select %eq3A_521, %add3A_522, %mul3A_517 : vector<16xi1>, vector<16xf32>
          %swap3A_524 = arith.constant 4 : i32
          %swap3A_525 = arith.constant 7 : i32
          %swap3A_526 = arith.index_cast %swap3A_524 : i32 to index
          %swap3A_527 = arith.index_cast %swap3A_525 : i32 to index
          %swap3A_528 = arith.index_cast %mul3A_339 : i32 to index
          %swap3A_529 = tpu.vector_load %arg7[%swap3A_526, %swap3A_527, %swap3A_528] {strides = array<i32>} : memref<6x8x1024xf32, #tpu.memory_space<vmem>>, vector<1x1x16xf32>,
          %swap3A_530 = vector.shape_cast %swap3A_529 : vector<1x1x16xf32> to vector<16xf32>
          %swap3A_531 = vector.shape_cast %select_n3A_523 : vector<16xf32> to vector<1x1x16xf32>
          tpu.vector_store %arg7[%swap3A_526, %swap3A_527, %swap3A_528], %swap3A_531 {strides = array<i32>} : memref<6x8x1024xf32, #tpu.memory_space<vmem>>, vector<1x1x16xf32>,
        }
        %scan3A_309 = arith.constant 64 : i32
        %multiple_of3A_310 = tpu.assume_multiple %mul3A_282, 8 : i32
        %dma_start3A_311 = arith.constant 4 : i32
        %dma_start3A_312 = arith.constant 4 : i32
        %dma_start3A_313 = arith.constant 0 : i32
        %dma_start3A_314 = arith.constant 0 : i32
        %dma_start3A_315 = tpu.memref_slice %arg7[%dma_start3A_311, %dma_start3A_313, %dma_start3A_314] : memref<6x8x1024xf32, #tpu.memory_space<vmem>> -> memref<1x8x1024xf32, #tpu.memory_space<vmem>>
        %dma_start3A_316 = tpu.memref_squeeze %dma_start3A_315 : memref<1x8x1024xf32, #tpu.memory_space<vmem>> -> memref<8x1024xf32, #tpu.memory_space<vmem>>
        %dma_start3A_317 = arith.constant 0 : i32
        %dma_start3A_318 = tpu.memref_slice %arg4[%multiple_of3A_310, %dma_start3A_317] : memref<100000x1024xf32, #tpu.memory_space<hbm>> -> memref<8x1024xf32, #tpu.memory_space<hbm>>
        %dma_start3A_319 = tpu.memref_slice %arg9[%dma_start3A_312] : memref<6x!tpu.dma_semaphore, #tpu.memory_space<semaphore_mem>> -> memref<1x!tpu.dma_semaphore, #tpu.memory_space<semaphore_mem>>
        %dma_start3A_320 = tpu.memref_squeeze %dma_start3A_319 : memref<1x!tpu.dma_semaphore, #tpu.memory_space<semaphore_mem>> -> memref<!tpu.dma_semaphore, #tpu.memory_space<semaphore_mem>>
        %dma_start3A_321 = arith.constant 0 : i32
        %dma_start3A_322 = tpu.memref_slice %arg4[%multiple_of3A_310, %dma_start3A_321] : memref<100000x1024xf32, #tpu.memory_space<hbm>> -> memref<8x1024xf32, #tpu.memory_space<hbm>>
        %dma_start3A_323 = arith.constant 0 : i32
        %dma_start3A_324 = arith.constant 0 : i32
        %dma_start3A_325 = tpu.memref_slice %arg7[%dma_start3A_311, %dma_start3A_323, %dma_start3A_324] : memref<6x8x1024xf32, #tpu.memory_space<vmem>> -> memref<1x8x1024xf32, #tpu.memory_space<vmem>>
        %dma_start3A_326 = tpu.memref_squeeze %dma_start3A_325 : memref<1x8x1024xf32, #tpu.memory_space<vmem>> -> memref<8x1024xf32, #tpu.memory_space<vmem>>
        tpu.enqueue_dma source(%dma_start3A_326 : memref<8x1024xf32, #tpu.memory_space<vmem>>) target(%dma_start3A_322 : memref<8x1024xf32, #tpu.memory_space<hbm>>) target_semaphore(%dma_start3A_320 : memref<!tpu.dma_semaphore, #tpu.memory_space<semaphore_mem>>)
        %add3A_327 = arith.constant 6 : i32
        %add3A_328 = arith.addi %add3A_267, %add3A_327 : i32
        %lt3A_329 = arith.cmpi slt, %add3A_328, %select_n3A : i32
        %convert_element_type3A_330 = arith.extui %lt3A_329 : i1 to i32
        %cond3A_331 = arith.constant 0 : i32
        %cond3A_332 = arith.cmpi ne, %convert_element_type3A_330, %cond3A_331 : i32
        scf.if %cond3A_332 {
          %add3A_333 = arith.constant 6 : i32
          %add3A_334 = arith.addi %add3A_267, %add3A_333 : i32
          %mul3A_335 = arith.constant 32 : i32
          %mul3A_336 = arith.muli %add3A_334, %mul3A_335 : i32
          %add3A_337 = arith.addi %add3A, %mul3A_336 : i32
          %mul3A_338 = arith.constant 8 : i32
          %mul3A_339 = arith.muli %add3A_337, %mul3A_338 : i32
          %multiple_of3A_340 = tpu.assume_multiple %mul3A_339, 8 : i32
          %dma_start3A_341 = arith.constant 4 : i32
          %dma_start3A_342 = arith.constant 4 : i32
          %dma_start3A_343 = arith.constant 0 : i32
          %dma_start3A_344 = arith.constant 0 : i32
          %dma_start3A_345 = tpu.memref_slice %arg6[%dma_start3A_341, %dma_start3A_343, %dma_start3A_344] : memref<6x8x1024xf32, #tpu.memory_space<vmem>> -> memref<1x8x1024xf32, #tpu.memory_space<vmem>>
          %dma_start3A_346 = tpu.memref_squeeze %dma_start3A_345 : memref<1x8x1024xf32, #tpu.memory_space<vmem>> -> memref<8x1024xf32, #tpu.memory_space<vmem>>
          %dma_start3A_347 = arith.constant 0 : i32
          %dma_start3A_348 = tpu.memref_slice %arg2[%multiple_of3A_340, %dma_start3A_347] : memref<100000x1024xf32, #tpu.memory_space<hbm>> -> memref<8x1024xf32, #tpu.memory_space<hbm>>
          %dma_start3A_349 = tpu.memref_slice %arg8[%dma_start3A_342] : memref<6x!tpu.dma_semaphore, #tpu.memory_space<semaphore_mem>> -> memref<1x!tpu.dma_semaphore, #tpu.memory_space<semaphore_mem>>
          %dma_start3A_350 = tpu.memref_squeeze %dma_start3A_349 : memref<1x!tpu.dma_semaphore, #tpu.memory_space<semaphore_mem>> -> memref<!tpu.dma_semaphore, #tpu.memory_space<semaphore_mem>>
          %dma_start3A_351 = arith.constant 0 : i32
          %dma_start3A_352 = arith.constant 0 : i32
          %dma_start3A_353 = tpu.memref_slice %arg6[%dma_start3A_341, %dma_start3A_351, %dma_start3A_352] : memref<6x8x1024xf32, #tpu.memory_space<vmem>> -> memref<1x8x1024xf32, #tpu.memory_space<vmem>>
          %dma_start3A_354 = tpu.memref_squeeze %dma_start3A_353 : memref<1x8x1024xf32, #tpu.memory_space<vmem>> -> memref<8x1024xf32, #tpu.memory_space<vmem>>
          %dma_start3A_355 = arith.constant 0 : i32
          %dma_start3A_356 = tpu.memref_slice %arg2[%multiple_of3A_340, %dma_start3A_355] : memref<100000x1024xf32, #tpu.memory_space<hbm>> -> memref<8x1024xf32, #tpu.memory_space<hbm>>
          tpu.enqueue_dma source(%dma_start3A_356 : memref<8x1024xf32, #tpu.memory_space<hbm>>) target(%dma_start3A_354 : memref<8x1024xf32, #tpu.memory_space<vmem>>) target_semaphore(%dma_start3A_350 : memref<!tpu.dma_semaphore, #tpu.memory_space<semaphore_mem>>)
        } else {
        }
      } else {
      }
      %add3A_272 = arith.constant 5 : i32
      %add3A_273 = arith.addi %add3A_243, %add3A_272 : i32
      %lt3A_274 = arith.cmpi slt, %add3A_273, %select_n3A : i32
      %convert_element_type3A_275 = arith.extui %lt3A_274 : i1 to i32
      %cond3A_276 = arith.constant 0 : i32
      %cond3A_277 = arith.cmpi ne, %convert_element_type3A_275, %cond3A_276 : i32
      scf.if %cond3A_277 {
        %mul3A_278 = arith.constant 32 : i32
        %mul3A_279 = arith.muli %add3A_273, %mul3A_278 : i32
        %add3A_280 = arith.addi %add3A, %mul3A_279 : i32
        %mul3A_281 = arith.constant 8 : i32
        %mul3A_282 = arith.muli %add3A_280, %mul3A_281 : i32
        %dma_wait3A_283 = arith.constant 5 : i32
        %dma_wait3A_284 = arith.constant 5 : i32
        %dma_wait3A_285 = arith.constant 0 : i32
        %dma_wait3A_286 = arith.constant 0 : i32
        %dma_wait3A_287 = tpu.memref_slice %arg6[%dma_wait3A_283, %dma_wait3A_285, %dma_wait3A_286] : memref<6x8x1024xf32, #tpu.memory_space<vmem>> -> memref<1x8x1024xf32, #tpu.memory_space<vmem>>
        %dma_wait3A_288 = tpu.memref_squeeze %dma_wait3A_287 : memref<1x8x1024xf32, #tpu.memory_space<vmem>> -> memref<8x1024xf32, #tpu.memory_space<vmem>>
        %dma_wait3A_289 = arith.constant 0 : i32
        %dma_wait3A_290 = arith.constant 0 : i32
        %dma_wait3A_291 = tpu.memref_slice %arg2[%dma_wait3A_289, %dma_wait3A_290] : memref<100000x1024xf32, #tpu.memory_space<hbm>> -> memref<8x1024xf32, #tpu.memory_space<hbm>>
        %dma_wait3A_292 = tpu.memref_slice %arg8[%dma_wait3A_284] : memref<6x!tpu.dma_semaphore, #tpu.memory_space<semaphore_mem>> -> memref<1x!tpu.dma_semaphore, #tpu.memory_space<semaphore_mem>>
        %dma_wait3A_293 = tpu.memref_squeeze %dma_wait3A_292 : memref<1x!tpu.dma_semaphore, #tpu.memory_space<semaphore_mem>> -> memref<!tpu.dma_semaphore, #tpu.memory_space<semaphore_mem>>
        %dma_wait3A_294 = arith.constant 0 : i32
        %dma_wait3A_295 = arith.constant 0 : i32
        %dma_wait3A_296 = tpu.memref_slice %arg6[%dma_wait3A_283, %dma_wait3A_294, %dma_wait3A_295] : memref<6x8x1024xf32, #tpu.memory_space<vmem>> -> memref<1x8x1024xf32, #tpu.memory_space<vmem>>
        %dma_wait3A_297 = tpu.memref_squeeze %dma_wait3A_296 : memref<1x8x1024xf32, #tpu.memory_space<vmem>> -> memref<8x1024xf32, #tpu.memory_space<vmem>>
        %dma_wait3A_298 = arith.constant 0 : i32
        %dma_wait3A_299 = arith.constant 0 : i32
        %dma_wait3A_300 = tpu.memref_slice %arg2[%dma_wait3A_298, %dma_wait3A_299] : memref<100000x1024xf32, #tpu.memory_space<hbm>> -> memref<8x1024xf32, #tpu.memory_space<hbm>>
        tpu.wait_dma2 semaphore(%dma_wait3A_293 : memref<!tpu.dma_semaphore, #tpu.memory_space<semaphore_mem>>) src(%dma_wait3A_300 : memref<8x1024xf32, #tpu.memory_space<hbm>>) dst(%dma_wait3A_297 : memref<8x1024xf32, #tpu.memory_space<vmem>>)
        %ge3A = arith.constant 6 : i32
        %ge3A_301 = arith.cmpi sge, %add3A_273, %ge3A : i32
        %convert_element_type3A_302 = arith.extui %ge3A_301 : i1 to i32
        %cond3A_303 = arith.constant 0 : i32
        %cond3A_304 = arith.cmpi ne, %convert_element_type3A_302, %cond3A_303 : i32
        scf.if %cond3A_304 {
          %dma_wait3A_333 = arith.constant 5 : i32
          %dma_wait3A_334 = arith.constant 5 : i32
          %dma_wait3A_335 = arith.constant 0 : i32
          %dma_wait3A_336 = arith.constant 0 : i32
          %dma_wait3A_337 = tpu.memref_slice %arg7[%dma_wait3A_333, %dma_wait3A_335, %dma_wait3A_336] : memref<6x8x1024xf32, #tpu.memory_space<vmem>> -> memref<1x8x1024xf32, #tpu.memory_space<vmem>>
          %dma_wait3A_338 = tpu.memref_squeeze %dma_wait3A_337 : memref<1x8x1024xf32, #tpu.memory_space<vmem>> -> memref<8x1024xf32, #tpu.memory_space<vmem>>
          %dma_wait3A_339 = arith.constant 0 : i32
          %dma_wait3A_340 = arith.constant 0 : i32
          %dma_wait3A_341 = tpu.memref_slice %arg2[%dma_wait3A_339, %dma_wait3A_340] : memref<100000x1024xf32, #tpu.memory_space<hbm>> -> memref<8x1024xf32, #tpu.memory_space<hbm>>
          %dma_wait3A_342 = tpu.memref_slice %arg9[%dma_wait3A_334] : memref<6x!tpu.dma_semaphore, #tpu.memory_space<semaphore_mem>> -> memref<1x!tpu.dma_semaphore, #tpu.memory_space<semaphore_mem>>
          %dma_wait3A_343 = tpu.memref_squeeze %dma_wait3A_342 : memref<1x!tpu.dma_semaphore, #tpu.memory_space<semaphore_mem>> -> memref<!tpu.dma_semaphore, #tpu.memory_space<semaphore_mem>>
          %dma_wait3A_344 = arith.constant 0 : i32
          %dma_wait3A_345 = arith.constant 0 : i32
          %dma_wait3A_346 = tpu.memref_slice %arg7[%dma_wait3A_333, %dma_wait3A_344, %dma_wait3A_345] : memref<6x8x1024xf32, #tpu.memory_space<vmem>> -> memref<1x8x1024xf32, #tpu.memory_space<vmem>>
          %dma_wait3A_347 = tpu.memref_squeeze %dma_wait3A_346 : memref<1x8x1024xf32, #tpu.memory_space<vmem>> -> memref<8x1024xf32, #tpu.memory_space<vmem>>
          %dma_wait3A_348 = arith.constant 0 : i32
          %dma_wait3A_349 = arith.constant 0 : i32
          %dma_wait3A_350 = tpu.memref_slice %arg2[%dma_wait3A_348, %dma_wait3A_349] : memref<100000x1024xf32, #tpu.memory_space<hbm>> -> memref<8x1024xf32, #tpu.memory_space<hbm>>
          tpu.wait_dma2 semaphore(%dma_wait3A_343 : memref<!tpu.dma_semaphore, #tpu.memory_space<semaphore_mem>>) src(%dma_wait3A_350 : memref<8x1024xf32, #tpu.memory_space<hbm>>) dst(%dma_wait3A_347 : memref<8x1024xf32, #tpu.memory_space<vmem>>)
        } else {
        }
        %scan3A_305 = arith.constant 0 : i32
        %scan3A_306 = arith.constant 64 : i32
        %scan3A_307 = arith.addi %scan3A_305, %scan3A_306 : i32
        %scan3A_308 = arith.constant 1 : i32
        scf.for %scan3A_333 = %scan3A_305 to %scan3A_307 step %scan3A_308  : i32 {
          %mul3A_334 = arith.constant 1 : i32
          %mul3A_335 = arith.muli %scan3A_333, %mul3A_334 : i32
          %add3A_336 = arith.constant 0 : i32
          %add3A_337 = arith.addi %add3A_336, %mul3A_335 : i32
          %mul3A_338 = arith.constant 16 : i32
          %mul3A_339 = arith.muli %add3A_337, %mul3A_338 : i32
          %get3A = arith.index_cast %mul3A_339 : i32 to index
          %get3A_340 = tpu.vector_load %arg5[%get3A] {strides = array<i32>} : memref<1024xi32, #tpu.memory_space<vmem>>, vector<16xi32>,
          %get3A_341 = vector.shape_cast %get3A_340 : vector<16xi32> to vector<16xi32>
          %get3A_342 = arith.constant 5 : i32
          %get3A_343 = arith.constant 0 : i32
          %get3A_344 = arith.index_cast %get3A_342 : i32 to index
          %get3A_345 = arith.index_cast %get3A_343 : i32 to index
          %get3A_346 = arith.index_cast %mul3A_339 : i32 to index
          %get3A_347 = tpu.vector_load %arg6[%get3A_344, %get3A_345, %get3A_346] {strides = array<i32>} : memref<6x8x1024xf32, #tpu.memory_space<vmem>>, vector<1x1x16xf32>,
          %get3A_348 = vector.shape_cast %get3A_347 : vector<1x1x16xf32> to vector<16xf32>
          %mul3A_349 = arith.constant 6.400000e+01 : f32
          %mul3A_350 = vector.broadcast %mul3A_349 : f32 to vector<16xf32>
          %mul3A_351 = arith.mulf %get3A_348, %mul3A_350 : vector<16xf32>
          %add3A_352 = arith.constant 0 : i32
          %add3A_353 = arith.addi %mul3A_282, %add3A_352 : i32
          %eq3A = vector.broadcast %add3A_353 : i32 to vector<16xi32>
          %eq3A_354 = arith.cmpi eq, %get3A_341, %eq3A : vector<16xi32>
          %add3A_355 = arith.addf %mul3A_351, %broadcast_in_dim3A_1 : vector<16xf32>
          %select_n3A_356 = arith.select %eq3A_354, %add3A_355, %mul3A_351 : vector<16xi1>, vector<16xf32>
          %swap3A = arith.constant 5 : i32
          %swap3A_357 = arith.constant 0 : i32
          %swap3A_358 = arith.index_cast %swap3A : i32 to index
          %swap3A_359 = arith.index_cast %swap3A_357 : i32 to index
          %swap3A_360 = arith.index_cast %mul3A_339 : i32 to index
          %swap3A_361 = tpu.vector_load %arg7[%swap3A_358, %swap3A_359, %swap3A_360] {strides = array<i32>} : memref<6x8x1024xf32, #tpu.memory_space<vmem>>, vector<1x1x16xf32>,
          %swap3A_362 = vector.shape_cast %swap3A_361 : vector<1x1x16xf32> to vector<16xf32>
          %swap3A_363 = vector.shape_cast %select_n3A_356 : vector<16xf32> to vector<1x1x16xf32>
          tpu.vector_store %arg7[%swap3A_358, %swap3A_359, %swap3A_360], %swap3A_363 {strides = array<i32>} : memref<6x8x1024xf32, #tpu.memory_space<vmem>>, vector<1x1x16xf32>,
          %get3A_364 = arith.constant 5 : i32
          %get3A_365 = arith.constant 1 : i32
          %get3A_366 = arith.index_cast %get3A_364 : i32 to index
          %get3A_367 = arith.index_cast %get3A_365 : i32 to index
          %get3A_368 = arith.index_cast %mul3A_339 : i32 to index
          %get3A_369 = tpu.vector_load %arg6[%get3A_366, %get3A_367, %get3A_368] {strides = array<i32>} : memref<6x8x1024xf32, #tpu.memory_space<vmem>>, vector<1x1x16xf32>,
          %get3A_370 = vector.shape_cast %get3A_369 : vector<1x1x16xf32> to vector<16xf32>
          %mul3A_371 = arith.constant 6.400000e+01 : f32
          %mul3A_372 = vector.broadcast %mul3A_371 : f32 to vector<16xf32>
          %mul3A_373 = arith.mulf %get3A_370, %mul3A_372 : vector<16xf32>
          %add3A_374 = arith.constant 1 : i32
          %add3A_375 = arith.addi %mul3A_282, %add3A_374 : i32
          %eq3A_376 = vector.broadcast %add3A_375 : i32 to vector<16xi32>
          %eq3A_377 = arith.cmpi eq, %get3A_341, %eq3A_376 : vector<16xi32>
          %add3A_378 = arith.addf %mul3A_373, %broadcast_in_dim3A_1 : vector<16xf32>
          %select_n3A_379 = arith.select %eq3A_377, %add3A_378, %mul3A_373 : vector<16xi1>, vector<16xf32>
          %swap3A_380 = arith.constant 5 : i32
          %swap3A_381 = arith.constant 1 : i32
          %swap3A_382 = arith.index_cast %swap3A_380 : i32 to index
          %swap3A_383 = arith.index_cast %swap3A_381 : i32 to index
          %swap3A_384 = arith.index_cast %mul3A_339 : i32 to index
          %swap3A_385 = tpu.vector_load %arg7[%swap3A_382, %swap3A_383, %swap3A_384] {strides = array<i32>} : memref<6x8x1024xf32, #tpu.memory_space<vmem>>, vector<1x1x16xf32>,
          %swap3A_386 = vector.shape_cast %swap3A_385 : vector<1x1x16xf32> to vector<16xf32>
          %swap3A_387 = vector.shape_cast %select_n3A_379 : vector<16xf32> to vector<1x1x16xf32>
          tpu.vector_store %arg7[%swap3A_382, %swap3A_383, %swap3A_384], %swap3A_387 {strides = array<i32>} : memref<6x8x1024xf32, #tpu.memory_space<vmem>>, vector<1x1x16xf32>,
          %get3A_388 = arith.constant 5 : i32
          %get3A_389 = arith.constant 2 : i32
          %get3A_390 = arith.index_cast %get3A_388 : i32 to index
          %get3A_391 = arith.index_cast %get3A_389 : i32 to index
          %get3A_392 = arith.index_cast %mul3A_339 : i32 to index
          %get3A_393 = tpu.vector_load %arg6[%get3A_390, %get3A_391, %get3A_392] {strides = array<i32>} : memref<6x8x1024xf32, #tpu.memory_space<vmem>>, vector<1x1x16xf32>,
          %get3A_394 = vector.shape_cast %get3A_393 : vector<1x1x16xf32> to vector<16xf32>
          %mul3A_395 = arith.constant 6.400000e+01 : f32
          %mul3A_396 = vector.broadcast %mul3A_395 : f32 to vector<16xf32>
          %mul3A_397 = arith.mulf %get3A_394, %mul3A_396 : vector<16xf32>
          %add3A_398 = arith.constant 2 : i32
          %add3A_399 = arith.addi %mul3A_282, %add3A_398 : i32
          %eq3A_400 = vector.broadcast %add3A_399 : i32 to vector<16xi32>
          %eq3A_401 = arith.cmpi eq, %get3A_341, %eq3A_400 : vector<16xi32>
          %add3A_402 = arith.addf %mul3A_397, %broadcast_in_dim3A_1 : vector<16xf32>
          %select_n3A_403 = arith.select %eq3A_401, %add3A_402, %mul3A_397 : vector<16xi1>, vector<16xf32>
          %swap3A_404 = arith.constant 5 : i32
          %swap3A_405 = arith.constant 2 : i32
          %swap3A_406 = arith.index_cast %swap3A_404 : i32 to index
          %swap3A_407 = arith.index_cast %swap3A_405 : i32 to index
          %swap3A_408 = arith.index_cast %mul3A_339 : i32 to index
          %swap3A_409 = tpu.vector_load %arg7[%swap3A_406, %swap3A_407, %swap3A_408] {strides = array<i32>} : memref<6x8x1024xf32, #tpu.memory_space<vmem>>, vector<1x1x16xf32>,
          %swap3A_410 = vector.shape_cast %swap3A_409 : vector<1x1x16xf32> to vector<16xf32>
          %swap3A_411 = vector.shape_cast %select_n3A_403 : vector<16xf32> to vector<1x1x16xf32>
          tpu.vector_store %arg7[%swap3A_406, %swap3A_407, %swap3A_408], %swap3A_411 {strides = array<i32>} : memref<6x8x1024xf32, #tpu.memory_space<vmem>>, vector<1x1x16xf32>,
          %get3A_412 = arith.constant 5 : i32
          %get3A_413 = arith.constant 3 : i32
          %get3A_414 = arith.index_cast %get3A_412 : i32 to index
          %get3A_415 = arith.index_cast %get3A_413 : i32 to index
          %get3A_416 = arith.index_cast %mul3A_339 : i32 to index
          %get3A_417 = tpu.vector_load %arg6[%get3A_414, %get3A_415, %get3A_416] {strides = array<i32>} : memref<6x8x1024xf32, #tpu.memory_space<vmem>>, vector<1x1x16xf32>,
          %get3A_418 = vector.shape_cast %get3A_417 : vector<1x1x16xf32> to vector<16xf32>
          %mul3A_419 = arith.constant 6.400000e+01 : f32
          %mul3A_420 = vector.broadcast %mul3A_419 : f32 to vector<16xf32>
          %mul3A_421 = arith.mulf %get3A_418, %mul3A_420 : vector<16xf32>
          %add3A_422 = arith.constant 3 : i32
          %add3A_423 = arith.addi %mul3A_282, %add3A_422 : i32
          %eq3A_424 = vector.broadcast %add3A_423 : i32 to vector<16xi32>
          %eq3A_425 = arith.cmpi eq, %get3A_341, %eq3A_424 : vector<16xi32>
          %add3A_426 = arith.addf %mul3A_421, %broadcast_in_dim3A_1 : vector<16xf32>
          %select_n3A_427 = arith.select %eq3A_425, %add3A_426, %mul3A_421 : vector<16xi1>, vector<16xf32>
          %swap3A_428 = arith.constant 5 : i32
          %swap3A_429 = arith.constant 3 : i32
          %swap3A_430 = arith.index_cast %swap3A_428 : i32 to index
          %swap3A_431 = arith.index_cast %swap3A_429 : i32 to index
          %swap3A_432 = arith.index_cast %mul3A_339 : i32 to index
          %swap3A_433 = tpu.vector_load %arg7[%swap3A_430, %swap3A_431, %swap3A_432] {strides = array<i32>} : memref<6x8x1024xf32, #tpu.memory_space<vmem>>, vector<1x1x16xf32>,
          %swap3A_434 = vector.shape_cast %swap3A_433 : vector<1x1x16xf32> to vector<16xf32>
          %swap3A_435 = vector.shape_cast %select_n3A_427 : vector<16xf32> to vector<1x1x16xf32>
          tpu.vector_store %arg7[%swap3A_430, %swap3A_431, %swap3A_432], %swap3A_435 {strides = array<i32>} : memref<6x8x1024xf32, #tpu.memory_space<vmem>>, vector<1x1x16xf32>,
          %get3A_436 = arith.constant 5 : i32
          %get3A_437 = arith.constant 4 : i32
          %get3A_438 = arith.index_cast %get3A_436 : i32 to index
          %get3A_439 = arith.index_cast %get3A_437 : i32 to index
          %get3A_440 = arith.index_cast %mul3A_339 : i32 to index
          %get3A_441 = tpu.vector_load %arg6[%get3A_438, %get3A_439, %get3A_440] {strides = array<i32>} : memref<6x8x1024xf32, #tpu.memory_space<vmem>>, vector<1x1x16xf32>,
          %get3A_442 = vector.shape_cast %get3A_441 : vector<1x1x16xf32> to vector<16xf32>
          %mul3A_443 = arith.constant 6.400000e+01 : f32
          %mul3A_444 = vector.broadcast %mul3A_443 : f32 to vector<16xf32>
          %mul3A_445 = arith.mulf %get3A_442, %mul3A_444 : vector<16xf32>
          %add3A_446 = arith.constant 4 : i32
          %add3A_447 = arith.addi %mul3A_282, %add3A_446 : i32
          %eq3A_448 = vector.broadcast %add3A_447 : i32 to vector<16xi32>
          %eq3A_449 = arith.cmpi eq, %get3A_341, %eq3A_448 : vector<16xi32>
          %add3A_450 = arith.addf %mul3A_445, %broadcast_in_dim3A_1 : vector<16xf32>
          %select_n3A_451 = arith.select %eq3A_449, %add3A_450, %mul3A_445 : vector<16xi1>, vector<16xf32>
          %swap3A_452 = arith.constant 5 : i32
          %swap3A_453 = arith.constant 4 : i32
          %swap3A_454 = arith.index_cast %swap3A_452 : i32 to index
          %swap3A_455 = arith.index_cast %swap3A_453 : i32 to index
          %swap3A_456 = arith.index_cast %mul3A_339 : i32 to index
          %swap3A_457 = tpu.vector_load %arg7[%swap3A_454, %swap3A_455, %swap3A_456] {strides = array<i32>} : memref<6x8x1024xf32, #tpu.memory_space<vmem>>, vector<1x1x16xf32>,
          %swap3A_458 = vector.shape_cast %swap3A_457 : vector<1x1x16xf32> to vector<16xf32>
          %swap3A_459 = vector.shape_cast %select_n3A_451 : vector<16xf32> to vector<1x1x16xf32>
          tpu.vector_store %arg7[%swap3A_454, %swap3A_455, %swap3A_456], %swap3A_459 {strides = array<i32>} : memref<6x8x1024xf32, #tpu.memory_space<vmem>>, vector<1x1x16xf32>,
          %get3A_460 = arith.constant 5 : i32
          %get3A_461 = arith.constant 5 : i32
          %get3A_462 = arith.index_cast %get3A_460 : i32 to index
          %get3A_463 = arith.index_cast %get3A_461 : i32 to index
          %get3A_464 = arith.index_cast %mul3A_339 : i32 to index
          %get3A_465 = tpu.vector_load %arg6[%get3A_462, %get3A_463, %get3A_464] {strides = array<i32>} : memref<6x8x1024xf32, #tpu.memory_space<vmem>>, vector<1x1x16xf32>,
          %get3A_466 = vector.shape_cast %get3A_465 : vector<1x1x16xf32> to vector<16xf32>
          %mul3A_467 = arith.constant 6.400000e+01 : f32
          %mul3A_468 = vector.broadcast %mul3A_467 : f32 to vector<16xf32>
          %mul3A_469 = arith.mulf %get3A_466, %mul3A_468 : vector<16xf32>
          %add3A_470 = arith.constant 5 : i32
          %add3A_471 = arith.addi %mul3A_282, %add3A_470 : i32
          %eq3A_472 = vector.broadcast %add3A_471 : i32 to vector<16xi32>
          %eq3A_473 = arith.cmpi eq, %get3A_341, %eq3A_472 : vector<16xi32>
          %add3A_474 = arith.addf %mul3A_469, %broadcast_in_dim3A_1 : vector<16xf32>
          %select_n3A_475 = arith.select %eq3A_473, %add3A_474, %mul3A_469 : vector<16xi1>, vector<16xf32>
          %swap3A_476 = arith.constant 5 : i32
          %swap3A_477 = arith.constant 5 : i32
          %swap3A_478 = arith.index_cast %swap3A_476 : i32 to index
          %swap3A_479 = arith.index_cast %swap3A_477 : i32 to index
          %swap3A_480 = arith.index_cast %mul3A_339 : i32 to index
          %swap3A_481 = tpu.vector_load %arg7[%swap3A_478, %swap3A_479, %swap3A_480] {strides = array<i32>} : memref<6x8x1024xf32, #tpu.memory_space<vmem>>, vector<1x1x16xf32>,
          %swap3A_482 = vector.shape_cast %swap3A_481 : vector<1x1x16xf32> to vector<16xf32>
          %swap3A_483 = vector.shape_cast %select_n3A_475 : vector<16xf32> to vector<1x1x16xf32>
          tpu.vector_store %arg7[%swap3A_478, %swap3A_479, %swap3A_480], %swap3A_483 {strides = array<i32>} : memref<6x8x1024xf32, #tpu.memory_space<vmem>>, vector<1x1x16xf32>,
          %get3A_484 = arith.constant 5 : i32
          %get3A_485 = arith.constant 6 : i32
          %get3A_486 = arith.index_cast %get3A_484 : i32 to index
          %get3A_487 = arith.index_cast %get3A_485 : i32 to index
          %get3A_488 = arith.index_cast %mul3A_339 : i32 to index
          %get3A_489 = tpu.vector_load %arg6[%get3A_486, %get3A_487, %get3A_488] {strides = array<i32>} : memref<6x8x1024xf32, #tpu.memory_space<vmem>>, vector<1x1x16xf32>,
          %get3A_490 = vector.shape_cast %get3A_489 : vector<1x1x16xf32> to vector<16xf32>
          %mul3A_491 = arith.constant 6.400000e+01 : f32
          %mul3A_492 = vector.broadcast %mul3A_491 : f32 to vector<16xf32>
          %mul3A_493 = arith.mulf %get3A_490, %mul3A_492 : vector<16xf32>
          %add3A_494 = arith.constant 6 : i32
          %add3A_495 = arith.addi %mul3A_282, %add3A_494 : i32
          %eq3A_496 = vector.broadcast %add3A_495 : i32 to vector<16xi32>
          %eq3A_497 = arith.cmpi eq, %get3A_341, %eq3A_496 : vector<16xi32>
          %add3A_498 = arith.addf %mul3A_493, %broadcast_in_dim3A_1 : vector<16xf32>
          %select_n3A_499 = arith.select %eq3A_497, %add3A_498, %mul3A_493 : vector<16xi1>, vector<16xf32>
          %swap3A_500 = arith.constant 5 : i32
          %swap3A_501 = arith.constant 6 : i32
          %swap3A_502 = arith.index_cast %swap3A_500 : i32 to index
          %swap3A_503 = arith.index_cast %swap3A_501 : i32 to index
          %swap3A_504 = arith.index_cast %mul3A_339 : i32 to index
          %swap3A_505 = tpu.vector_load %arg7[%swap3A_502, %swap3A_503, %swap3A_504] {strides = array<i32>} : memref<6x8x1024xf32, #tpu.memory_space<vmem>>, vector<1x1x16xf32>,
          %swap3A_506 = vector.shape_cast %swap3A_505 : vector<1x1x16xf32> to vector<16xf32>
          %swap3A_507 = vector.shape_cast %select_n3A_499 : vector<16xf32> to vector<1x1x16xf32>
          tpu.vector_store %arg7[%swap3A_502, %swap3A_503, %swap3A_504], %swap3A_507 {strides = array<i32>} : memref<6x8x1024xf32, #tpu.memory_space<vmem>>, vector<1x1x16xf32>,
          %get3A_508 = arith.constant 5 : i32
          %get3A_509 = arith.constant 7 : i32
          %get3A_510 = arith.index_cast %get3A_508 : i32 to index
          %get3A_511 = arith.index_cast %get3A_509 : i32 to index
          %get3A_512 = arith.index_cast %mul3A_339 : i32 to index
          %get3A_513 = tpu.vector_load %arg6[%get3A_510, %get3A_511, %get3A_512] {strides = array<i32>} : memref<6x8x1024xf32, #tpu.memory_space<vmem>>, vector<1x1x16xf32>,
          %get3A_514 = vector.shape_cast %get3A_513 : vector<1x1x16xf32> to vector<16xf32>
          %mul3A_515 = arith.constant 6.400000e+01 : f32
          %mul3A_516 = vector.broadcast %mul3A_515 : f32 to vector<16xf32>
          %mul3A_517 = arith.mulf %get3A_514, %mul3A_516 : vector<16xf32>
          %add3A_518 = arith.constant 7 : i32
          %add3A_519 = arith.addi %mul3A_282, %add3A_518 : i32
          %eq3A_520 = vector.broadcast %add3A_519 : i32 to vector<16xi32>
          %eq3A_521 = arith.cmpi eq, %get3A_341, %eq3A_520 : vector<16xi32>
          %add3A_522 = arith.addf %mul3A_517, %broadcast_in_dim3A_1 : vector<16xf32>
          %select_n3A_523 = arith.select %eq3A_521, %add3A_522, %mul3A_517 : vector<16xi1>, vector<16xf32>
          %swap3A_524 = arith.constant 5 : i32
          %swap3A_525 = arith.constant 7 : i32
          %swap3A_526 = arith.index_cast %swap3A_524 : i32 to index
          %swap3A_527 = arith.index_cast %swap3A_525 : i32 to index
          %swap3A_528 = arith.index_cast %mul3A_339 : i32 to index
          %swap3A_529 = tpu.vector_load %arg7[%swap3A_526, %swap3A_527, %swap3A_528] {strides = array<i32>} : memref<6x8x1024xf32, #tpu.memory_space<vmem>>, vector<1x1x16xf32>,
          %swap3A_530 = vector.shape_cast %swap3A_529 : vector<1x1x16xf32> to vector<16xf32>
          %swap3A_531 = vector.shape_cast %select_n3A_523 : vector<16xf32> to vector<1x1x16xf32>
          tpu.vector_store %arg7[%swap3A_526, %swap3A_527, %swap3A_528], %swap3A_531 {strides = array<i32>} : memref<6x8x1024xf32, #tpu.memory_space<vmem>>, vector<1x1x16xf32>,
        }
        %scan3A_309 = arith.constant 64 : i32
        %multiple_of3A_310 = tpu.assume_multiple %mul3A_282, 8 : i32
        %dma_start3A_311 = arith.constant 5 : i32
        %dma_start3A_312 = arith.constant 5 : i32
        %dma_start3A_313 = arith.constant 0 : i32
        %dma_start3A_314 = arith.constant 0 : i32
        %dma_start3A_315 = tpu.memref_slice %arg7[%dma_start3A_311, %dma_start3A_313, %dma_start3A_314] : memref<6x8x1024xf32, #tpu.memory_space<vmem>> -> memref<1x8x1024xf32, #tpu.memory_space<vmem>>
        %dma_start3A_316 = tpu.memref_squeeze %dma_start3A_315 : memref<1x8x1024xf32, #tpu.memory_space<vmem>> -> memref<8x1024xf32, #tpu.memory_space<vmem>>
        %dma_start3A_317 = arith.constant 0 : i32
        %dma_start3A_318 = tpu.memref_slice %arg4[%multiple_of3A_310, %dma_start3A_317] : memref<100000x1024xf32, #tpu.memory_space<hbm>> -> memref<8x1024xf32, #tpu.memory_space<hbm>>
        %dma_start3A_319 = tpu.memref_slice %arg9[%dma_start3A_312] : memref<6x!tpu.dma_semaphore, #tpu.memory_space<semaphore_mem>> -> memref<1x!tpu.dma_semaphore, #tpu.memory_space<semaphore_mem>>
        %dma_start3A_320 = tpu.memref_squeeze %dma_start3A_319 : memref<1x!tpu.dma_semaphore, #tpu.memory_space<semaphore_mem>> -> memref<!tpu.dma_semaphore, #tpu.memory_space<semaphore_mem>>
        %dma_start3A_321 = arith.constant 0 : i32
        %dma_start3A_322 = tpu.memref_slice %arg4[%multiple_of3A_310, %dma_start3A_321] : memref<100000x1024xf32, #tpu.memory_space<hbm>> -> memref<8x1024xf32, #tpu.memory_space<hbm>>
        %dma_start3A_323 = arith.constant 0 : i32
        %dma_start3A_324 = arith.constant 0 : i32
        %dma_start3A_325 = tpu.memref_slice %arg7[%dma_start3A_311, %dma_start3A_323, %dma_start3A_324] : memref<6x8x1024xf32, #tpu.memory_space<vmem>> -> memref<1x8x1024xf32, #tpu.memory_space<vmem>>
        %dma_start3A_326 = tpu.memref_squeeze %dma_start3A_325 : memref<1x8x1024xf32, #tpu.memory_space<vmem>> -> memref<8x1024xf32, #tpu.memory_space<vmem>>
        tpu.enqueue_dma source(%dma_start3A_326 : memref<8x1024xf32, #tpu.memory_space<vmem>>) target(%dma_start3A_322 : memref<8x1024xf32, #tpu.memory_space<hbm>>) target_semaphore(%dma_start3A_320 : memref<!tpu.dma_semaphore, #tpu.memory_space<semaphore_mem>>)
        %add3A_327 = arith.constant 6 : i32
        %add3A_328 = arith.addi %add3A_273, %add3A_327 : i32
        %lt3A_329 = arith.cmpi slt, %add3A_328, %select_n3A : i32
        %convert_element_type3A_330 = arith.extui %lt3A_329 : i1 to i32
        %cond3A_331 = arith.constant 0 : i32
        %cond3A_332 = arith.cmpi ne, %convert_element_type3A_330, %cond3A_331 : i32
        scf.if %cond3A_332 {
          %add3A_333 = arith.constant 6 : i32
          %add3A_334 = arith.addi %add3A_273, %add3A_333 : i32
          %mul3A_335 = arith.constant 32 : i32
          %mul3A_336 = arith.muli %add3A_334, %mul3A_335 : i32
          %add3A_337 = arith.addi %add3A, %mul3A_336 : i32
          %mul3A_338 = arith.constant 8 : i32
          %mul3A_339 = arith.muli %add3A_337, %mul3A_338 : i32
          %multiple_of3A_340 = tpu.assume_multiple %mul3A_339, 8 : i32
          %dma_start3A_341 = arith.constant 5 : i32
          %dma_start3A_342 = arith.constant 5 : i32
          %dma_start3A_343 = arith.constant 0 : i32
          %dma_start3A_344 = arith.constant 0 : i32
          %dma_start3A_345 = tpu.memref_slice %arg6[%dma_start3A_341, %dma_start3A_343, %dma_start3A_344] : memref<6x8x1024xf32, #tpu.memory_space<vmem>> -> memref<1x8x1024xf32, #tpu.memory_space<vmem>>
          %dma_start3A_346 = tpu.memref_squeeze %dma_start3A_345 : memref<1x8x1024xf32, #tpu.memory_space<vmem>> -> memref<8x1024xf32, #tpu.memory_space<vmem>>
          %dma_start3A_347 = arith.constant 0 : i32
          %dma_start3A_348 = tpu.memref_slice %arg2[%multiple_of3A_340, %dma_start3A_347] : memref<100000x1024xf32, #tpu.memory_space<hbm>> -> memref<8x1024xf32, #tpu.memory_space<hbm>>
          %dma_start3A_349 = tpu.memref_slice %arg8[%dma_start3A_342] : memref<6x!tpu.dma_semaphore, #tpu.memory_space<semaphore_mem>> -> memref<1x!tpu.dma_semaphore, #tpu.memory_space<semaphore_mem>>
          %dma_start3A_350 = tpu.memref_squeeze %dma_start3A_349 : memref<1x!tpu.dma_semaphore, #tpu.memory_space<semaphore_mem>> -> memref<!tpu.dma_semaphore, #tpu.memory_space<semaphore_mem>>
          %dma_start3A_351 = arith.constant 0 : i32
          %dma_start3A_352 = arith.constant 0 : i32
          %dma_start3A_353 = tpu.memref_slice %arg6[%dma_start3A_341, %dma_start3A_351, %dma_start3A_352] : memref<6x8x1024xf32, #tpu.memory_space<vmem>> -> memref<1x8x1024xf32, #tpu.memory_space<vmem>>
          %dma_start3A_354 = tpu.memref_squeeze %dma_start3A_353 : memref<1x8x1024xf32, #tpu.memory_space<vmem>> -> memref<8x1024xf32, #tpu.memory_space<vmem>>
          %dma_start3A_355 = arith.constant 0 : i32
          %dma_start3A_356 = tpu.memref_slice %arg2[%multiple_of3A_340, %dma_start3A_355] : memref<100000x1024xf32, #tpu.memory_space<hbm>> -> memref<8x1024xf32, #tpu.memory_space<hbm>>
          tpu.enqueue_dma source(%dma_start3A_356 : memref<8x1024xf32, #tpu.memory_space<hbm>>) target(%dma_start3A_354 : memref<8x1024xf32, #tpu.memory_space<vmem>>) target_semaphore(%dma_start3A_350 : memref<!tpu.dma_semaphore, #tpu.memory_space<semaphore_mem>>)
        } else {
        }
      } else {
      }
    }
    %scan3A_131 = arith.constant 66 : i32
    %dma_wait3A = arith.constant 0 : i32
    %dma_wait3A_132 = arith.constant 0 : i32
    %dma_wait3A_133 = arith.constant 0 : i32
    %dma_wait3A_134 = arith.constant 0 : i32
    %dma_wait3A_135 = tpu.memref_slice %arg7[%dma_wait3A, %dma_wait3A_133, %dma_wait3A_134] : memref<6x8x1024xf32, #tpu.memory_space<vmem>> -> memref<1x8x1024xf32, #tpu.memory_space<vmem>>
    %dma_wait3A_136 = tpu.memref_squeeze %dma_wait3A_135 : memref<1x8x1024xf32, #tpu.memory_space<vmem>> -> memref<8x1024xf32, #tpu.memory_space<vmem>>
    %dma_wait3A_137 = arith.constant 0 : i32
    %dma_wait3A_138 = arith.constant 0 : i32
    %dma_wait3A_139 = tpu.memref_slice %arg2[%dma_wait3A_137, %dma_wait3A_138] : memref<100000x1024xf32, #tpu.memory_space<hbm>> -> memref<8x1024xf32, #tpu.memory_space<hbm>>
    %dma_wait3A_140 = tpu.memref_slice %arg9[%dma_wait3A_132] : memref<6x!tpu.dma_semaphore, #tpu.memory_space<semaphore_mem>> -> memref<1x!tpu.dma_semaphore, #tpu.memory_space<semaphore_mem>>
    %dma_wait3A_141 = tpu.memref_squeeze %dma_wait3A_140 : memref<1x!tpu.dma_semaphore, #tpu.memory_space<semaphore_mem>> -> memref<!tpu.dma_semaphore, #tpu.memory_space<semaphore_mem>>
    %dma_wait3A_142 = arith.constant 0 : i32
    %dma_wait3A_143 = arith.constant 0 : i32
    %dma_wait3A_144 = tpu.memref_slice %arg7[%dma_wait3A, %dma_wait3A_142, %dma_wait3A_143] : memref<6x8x1024xf32, #tpu.memory_space<vmem>> -> memref<1x8x1024xf32, #tpu.memory_space<vmem>>
    %dma_wait3A_145 = tpu.memref_squeeze %dma_wait3A_144 : memref<1x8x1024xf32, #tpu.memory_space<vmem>> -> memref<8x1024xf32, #tpu.memory_space<vmem>>
    %dma_wait3A_146 = arith.constant 0 : i32
    %dma_wait3A_147 = arith.constant 0 : i32
    %dma_wait3A_148 = tpu.memref_slice %arg2[%dma_wait3A_146, %dma_wait3A_147] : memref<100000x1024xf32, #tpu.memory_space<hbm>> -> memref<8x1024xf32, #tpu.memory_space<hbm>>
    tpu.wait_dma2 semaphore(%dma_wait3A_141 : memref<!tpu.dma_semaphore, #tpu.memory_space<semaphore_mem>>) src(%dma_wait3A_148 : memref<8x1024xf32, #tpu.memory_space<hbm>>) dst(%dma_wait3A_145 : memref<8x1024xf32, #tpu.memory_space<vmem>>)
    %dma_wait3A_149 = arith.constant 1 : i32
    %dma_wait3A_150 = arith.constant 1 : i32
    %dma_wait3A_151 = arith.constant 0 : i32
    %dma_wait3A_152 = arith.constant 0 : i32
    %dma_wait3A_153 = tpu.memref_slice %arg7[%dma_wait3A_149, %dma_wait3A_151, %dma_wait3A_152] : memref<6x8x1024xf32, #tpu.memory_space<vmem>> -> memref<1x8x1024xf32, #tpu.memory_space<vmem>>
    %dma_wait3A_154 = tpu.memref_squeeze %dma_wait3A_153 : memref<1x8x1024xf32, #tpu.memory_space<vmem>> -> memref<8x1024xf32, #tpu.memory_space<vmem>>
    %dma_wait3A_155 = arith.constant 0 : i32
    %dma_wait3A_156 = arith.constant 0 : i32
    %dma_wait3A_157 = tpu.memref_slice %arg2[%dma_wait3A_155, %dma_wait3A_156] : memref<100000x1024xf32, #tpu.memory_space<hbm>> -> memref<8x1024xf32, #tpu.memory_space<hbm>>
    %dma_wait3A_158 = tpu.memref_slice %arg9[%dma_wait3A_150] : memref<6x!tpu.dma_semaphore, #tpu.memory_space<semaphore_mem>> -> memref<1x!tpu.dma_semaphore, #tpu.memory_space<semaphore_mem>>
    %dma_wait3A_159 = tpu.memref_squeeze %dma_wait3A_158 : memref<1x!tpu.dma_semaphore, #tpu.memory_space<semaphore_mem>> -> memref<!tpu.dma_semaphore, #tpu.memory_space<semaphore_mem>>
    %dma_wait3A_160 = arith.constant 0 : i32
    %dma_wait3A_161 = arith.constant 0 : i32
    %dma_wait3A_162 = tpu.memref_slice %arg7[%dma_wait3A_149, %dma_wait3A_160, %dma_wait3A_161] : memref<6x8x1024xf32, #tpu.memory_space<vmem>> -> memref<1x8x1024xf32, #tpu.memory_space<vmem>>
    %dma_wait3A_163 = tpu.memref_squeeze %dma_wait3A_162 : memref<1x8x1024xf32, #tpu.memory_space<vmem>> -> memref<8x1024xf32, #tpu.memory_space<vmem>>
    %dma_wait3A_164 = arith.constant 0 : i32
    %dma_wait3A_165 = arith.constant 0 : i32
    %dma_wait3A_166 = tpu.memref_slice %arg2[%dma_wait3A_164, %dma_wait3A_165] : memref<100000x1024xf32, #tpu.memory_space<hbm>> -> memref<8x1024xf32, #tpu.memory_space<hbm>>
    tpu.wait_dma2 semaphore(%dma_wait3A_159 : memref<!tpu.dma_semaphore, #tpu.memory_space<semaphore_mem>>) src(%dma_wait3A_166 : memref<8x1024xf32, #tpu.memory_space<hbm>>) dst(%dma_wait3A_163 : memref<8x1024xf32, #tpu.memory_space<vmem>>)
    %dma_wait3A_167 = arith.constant 2 : i32
    %dma_wait3A_168 = arith.constant 2 : i32
    %dma_wait3A_169 = arith.constant 0 : i32
    %dma_wait3A_170 = arith.constant 0 : i32
    %dma_wait3A_171 = tpu.memref_slice %arg7[%dma_wait3A_167, %dma_wait3A_169, %dma_wait3A_170] : memref<6x8x1024xf32, #tpu.memory_space<vmem>> -> memref<1x8x1024xf32, #tpu.memory_space<vmem>>
    %dma_wait3A_172 = tpu.memref_squeeze %dma_wait3A_171 : memref<1x8x1024xf32, #tpu.memory_space<vmem>> -> memref<8x1024xf32, #tpu.memory_space<vmem>>
    %dma_wait3A_173 = arith.constant 0 : i32
    %dma_wait3A_174 = arith.constant 0 : i32
    %dma_wait3A_175 = tpu.memref_slice %arg2[%dma_wait3A_173, %dma_wait3A_174] : memref<100000x1024xf32, #tpu.memory_space<hbm>> -> memref<8x1024xf32, #tpu.memory_space<hbm>>
    %dma_wait3A_176 = tpu.memref_slice %arg9[%dma_wait3A_168] : memref<6x!tpu.dma_semaphore, #tpu.memory_space<semaphore_mem>> -> memref<1x!tpu.dma_semaphore, #tpu.memory_space<semaphore_mem>>
    %dma_wait3A_177 = tpu.memref_squeeze %dma_wait3A_176 : memref<1x!tpu.dma_semaphore, #tpu.memory_space<semaphore_mem>> -> memref<!tpu.dma_semaphore, #tpu.memory_space<semaphore_mem>>
    %dma_wait3A_178 = arith.constant 0 : i32
    %dma_wait3A_179 = arith.constant 0 : i32
    %dma_wait3A_180 = tpu.memref_slice %arg7[%dma_wait3A_167, %dma_wait3A_178, %dma_wait3A_179] : memref<6x8x1024xf32, #tpu.memory_space<vmem>> -> memref<1x8x1024xf32, #tpu.memory_space<vmem>>
    %dma_wait3A_181 = tpu.memref_squeeze %dma_wait3A_180 : memref<1x8x1024xf32, #tpu.memory_space<vmem>> -> memref<8x1024xf32, #tpu.memory_space<vmem>>
    %dma_wait3A_182 = arith.constant 0 : i32
    %dma_wait3A_183 = arith.constant 0 : i32
    %dma_wait3A_184 = tpu.memref_slice %arg2[%dma_wait3A_182, %dma_wait3A_183] : memref<100000x1024xf32, #tpu.memory_space<hbm>> -> memref<8x1024xf32, #tpu.memory_space<hbm>>
    tpu.wait_dma2 semaphore(%dma_wait3A_177 : memref<!tpu.dma_semaphore, #tpu.memory_space<semaphore_mem>>) src(%dma_wait3A_184 : memref<8x1024xf32, #tpu.memory_space<hbm>>) dst(%dma_wait3A_181 : memref<8x1024xf32, #tpu.memory_space<vmem>>)
    %dma_wait3A_185 = arith.constant 3 : i32
    %dma_wait3A_186 = arith.constant 3 : i32
    %dma_wait3A_187 = arith.constant 0 : i32
    %dma_wait3A_188 = arith.constant 0 : i32
    %dma_wait3A_189 = tpu.memref_slice %arg7[%dma_wait3A_185, %dma_wait3A_187, %dma_wait3A_188] : memref<6x8x1024xf32, #tpu.memory_space<vmem>> -> memref<1x8x1024xf32, #tpu.memory_space<vmem>>
    %dma_wait3A_190 = tpu.memref_squeeze %dma_wait3A_189 : memref<1x8x1024xf32, #tpu.memory_space<vmem>> -> memref<8x1024xf32, #tpu.memory_space<vmem>>
    %dma_wait3A_191 = arith.constant 0 : i32
    %dma_wait3A_192 = arith.constant 0 : i32
    %dma_wait3A_193 = tpu.memref_slice %arg2[%dma_wait3A_191, %dma_wait3A_192] : memref<100000x1024xf32, #tpu.memory_space<hbm>> -> memref<8x1024xf32, #tpu.memory_space<hbm>>
    %dma_wait3A_194 = tpu.memref_slice %arg9[%dma_wait3A_186] : memref<6x!tpu.dma_semaphore, #tpu.memory_space<semaphore_mem>> -> memref<1x!tpu.dma_semaphore, #tpu.memory_space<semaphore_mem>>
    %dma_wait3A_195 = tpu.memref_squeeze %dma_wait3A_194 : memref<1x!tpu.dma_semaphore, #tpu.memory_space<semaphore_mem>> -> memref<!tpu.dma_semaphore, #tpu.memory_space<semaphore_mem>>
    %dma_wait3A_196 = arith.constant 0 : i32
    %dma_wait3A_197 = arith.constant 0 : i32
    %dma_wait3A_198 = tpu.memref_slice %arg7[%dma_wait3A_185, %dma_wait3A_196, %dma_wait3A_197] : memref<6x8x1024xf32, #tpu.memory_space<vmem>> -> memref<1x8x1024xf32, #tpu.memory_space<vmem>>
    %dma_wait3A_199 = tpu.memref_squeeze %dma_wait3A_198 : memref<1x8x1024xf32, #tpu.memory_space<vmem>> -> memref<8x1024xf32, #tpu.memory_space<vmem>>
    %dma_wait3A_200 = arith.constant 0 : i32
    %dma_wait3A_201 = arith.constant 0 : i32
    %dma_wait3A_202 = tpu.memref_slice %arg2[%dma_wait3A_200, %dma_wait3A_201] : memref<100000x1024xf32, #tpu.memory_space<hbm>> -> memref<8x1024xf32, #tpu.memory_space<hbm>>
    tpu.wait_dma2 semaphore(%dma_wait3A_195 : memref<!tpu.dma_semaphore, #tpu.memory_space<semaphore_mem>>) src(%dma_wait3A_202 : memref<8x1024xf32, #tpu.memory_space<hbm>>) dst(%dma_wait3A_199 : memref<8x1024xf32, #tpu.memory_space<vmem>>)
    %dma_wait3A_203 = arith.constant 4 : i32
    %dma_wait3A_204 = arith.constant 4 : i32
    %dma_wait3A_205 = arith.constant 0 : i32
    %dma_wait3A_206 = arith.constant 0 : i32
    %dma_wait3A_207 = tpu.memref_slice %arg7[%dma_wait3A_203, %dma_wait3A_205, %dma_wait3A_206] : memref<6x8x1024xf32, #tpu.memory_space<vmem>> -> memref<1x8x1024xf32, #tpu.memory_space<vmem>>
    %dma_wait3A_208 = tpu.memref_squeeze %dma_wait3A_207 : memref<1x8x1024xf32, #tpu.memory_space<vmem>> -> memref<8x1024xf32, #tpu.memory_space<vmem>>
    %dma_wait3A_209 = arith.constant 0 : i32
    %dma_wait3A_210 = arith.constant 0 : i32
    %dma_wait3A_211 = tpu.memref_slice %arg2[%dma_wait3A_209, %dma_wait3A_210] : memref<100000x1024xf32, #tpu.memory_space<hbm>> -> memref<8x1024xf32, #tpu.memory_space<hbm>>
    %dma_wait3A_212 = tpu.memref_slice %arg9[%dma_wait3A_204] : memref<6x!tpu.dma_semaphore, #tpu.memory_space<semaphore_mem>> -> memref<1x!tpu.dma_semaphore, #tpu.memory_space<semaphore_mem>>
    %dma_wait3A_213 = tpu.memref_squeeze %dma_wait3A_212 : memref<1x!tpu.dma_semaphore, #tpu.memory_space<semaphore_mem>> -> memref<!tpu.dma_semaphore, #tpu.memory_space<semaphore_mem>>
    %dma_wait3A_214 = arith.constant 0 : i32
    %dma_wait3A_215 = arith.constant 0 : i32
    %dma_wait3A_216 = tpu.memref_slice %arg7[%dma_wait3A_203, %dma_wait3A_214, %dma_wait3A_215] : memref<6x8x1024xf32, #tpu.memory_space<vmem>> -> memref<1x8x1024xf32, #tpu.memory_space<vmem>>
    %dma_wait3A_217 = tpu.memref_squeeze %dma_wait3A_216 : memref<1x8x1024xf32, #tpu.memory_space<vmem>> -> memref<8x1024xf32, #tpu.memory_space<vmem>>
    %dma_wait3A_218 = arith.constant 0 : i32
    %dma_wait3A_219 = arith.constant 0 : i32
    %dma_wait3A_220 = tpu.memref_slice %arg2[%dma_wait3A_218, %dma_wait3A_219] : memref<100000x1024xf32, #tpu.memory_space<hbm>> -> memref<8x1024xf32, #tpu.memory_space<hbm>>
    tpu.wait_dma2 semaphore(%dma_wait3A_213 : memref<!tpu.dma_semaphore, #tpu.memory_space<semaphore_mem>>) src(%dma_wait3A_220 : memref<8x1024xf32, #tpu.memory_space<hbm>>) dst(%dma_wait3A_217 : memref<8x1024xf32, #tpu.memory_space<vmem>>)
    %dma_wait3A_221 = arith.constant 5 : i32
    %dma_wait3A_222 = arith.constant 5 : i32
    %dma_wait3A_223 = arith.constant 0 : i32
    %dma_wait3A_224 = arith.constant 0 : i32
    %dma_wait3A_225 = tpu.memref_slice %arg7[%dma_wait3A_221, %dma_wait3A_223, %dma_wait3A_224] : memref<6x8x1024xf32, #tpu.memory_space<vmem>> -> memref<1x8x1024xf32, #tpu.memory_space<vmem>>
    %dma_wait3A_226 = tpu.memref_squeeze %dma_wait3A_225 : memref<1x8x1024xf32, #tpu.memory_space<vmem>> -> memref<8x1024xf32, #tpu.memory_space<vmem>>
    %dma_wait3A_227 = arith.constant 0 : i32
    %dma_wait3A_228 = arith.constant 0 : i32
    %dma_wait3A_229 = tpu.memref_slice %arg2[%dma_wait3A_227, %dma_wait3A_228] : memref<100000x1024xf32, #tpu.memory_space<hbm>> -> memref<8x1024xf32, #tpu.memory_space<hbm>>
    %dma_wait3A_230 = tpu.memref_slice %arg9[%dma_wait3A_222] : memref<6x!tpu.dma_semaphore, #tpu.memory_space<semaphore_mem>> -> memref<1x!tpu.dma_semaphore, #tpu.memory_space<semaphore_mem>>
    %dma_wait3A_231 = tpu.memref_squeeze %dma_wait3A_230 : memref<1x!tpu.dma_semaphore, #tpu.memory_space<semaphore_mem>> -> memref<!tpu.dma_semaphore, #tpu.memory_space<semaphore_mem>>
    %dma_wait3A_232 = arith.constant 0 : i32
    %dma_wait3A_233 = arith.constant 0 : i32
    %dma_wait3A_234 = tpu.memref_slice %arg7[%dma_wait3A_221, %dma_wait3A_232, %dma_wait3A_233] : memref<6x8x1024xf32, #tpu.memory_space<vmem>> -> memref<1x8x1024xf32, #tpu.memory_space<vmem>>
    %dma_wait3A_235 = tpu.memref_squeeze %dma_wait3A_234 : memref<1x8x1024xf32, #tpu.memory_space<vmem>> -> memref<8x1024xf32, #tpu.memory_space<vmem>>
    %dma_wait3A_236 = arith.constant 0 : i32
    %dma_wait3A_237 = arith.constant 0 : i32
    %dma_wait3A_238 = tpu.memref_slice %arg2[%dma_wait3A_236, %dma_wait3A_237] : memref<100000x1024xf32, #tpu.memory_space<hbm>> -> memref<8x1024xf32, #tpu.memory_space<hbm>>
    tpu.wait_dma2 semaphore(%dma_wait3A_231 : memref<!tpu.dma_semaphore, #tpu.memory_space<semaphore_mem>>) src(%dma_wait3A_238 : memref<8x1024xf32, #tpu.memory_space<hbm>>) dst(%dma_wait3A_235 : memref<8x1024xf32, #tpu.memory_space<vmem>>)
    return
  }
}

</mosaic_0001>

<sc_bundles>
// kernel: kernel.3.cloned.1.call-start
scs
__scs_entry_jumppad:
0x0: {  	(pc) =	sbr.rel $0x88, $3  }
0x1: {  	(tag) =	ssettag $0x0;
	lr =	simm.s32 $0x1  }
0x2: {  	[smem:$0x3F9F] =	sst lr;
	_ =	strace $0xD0000000  }
0x3: {  	_ = 	snop  }
0x4: {  	_ = 	snop  }
0x5: {  	_ = 	snop  }
0x6: {  	_ = 	snop  }
0x7: {  	_ = 	snop  }
__scs_overlays_trampoline_lowered:
0x8: {  	[smem:$0x3FAE] =	sst s0  }
0x9: {  	[smem:$0x3FAF] =	sst s1  }
0xa: {  	[smem:$0x3FB0] =	sst s2  }
0xb: {  	[smem:$0x3FB1] =	sst s3  }
0xc: {  	[smem:$0x3FB2] =	sst s4  }
0xd: {  	[smem:$0x3FB3] =	sst s5  }
0xe: {  	[smem:$0x3FB4] =	sst s6  }
0xf: {  	[smem:$0x3FB5] =	sst s7  }
0x10: {  	[smem:$0x3FB6] =	sst s8  }
0x11: {  	[smem:$0x3FB7] =	sst s9;
	s0 =	simm.s32 @!p0 $0x0  }
0x12: {  	s1 =	sld [smem:$0x3F9D];
	s0 =	simm.s32 @p0 $0x1  }
0x13: {  	[smem:$0x3FB8] =	sst s0;
	s0 =	simm.s32 @!p1 $0x0  }
0x14: {  	s2 =	sld [smem:$0x3F9C];
	s0 =	simm.s32 @p1 $0x1  }
0x15: {  	[smem:$0x3FB9] =	sst s0;
	s0 =	simm.s32 @!p2 $0x0  }
0x16: {  	s3 =	sld [smem:$0x3FDB];
	s0 =	simm.s32 @p2 $0x1  }
0x17: {  	s4 =	simm.s32 $0x1BF5;
	[smem:$0x3FBB] =	sst s0  }
0x18: {  	s0 =	sld [smem:$0x3F9E];
	_ =	swait.ge [sflag:s4], $0x0  }
0x19: {  	s7 =	sld [smem:$0x3F9F]  }
0x1a: {  	s8 =	sadd.s32 $0xFFFFE003, lr  }
0x1b: {  	s9 =	sadd.s32 $0xFFFFFEF7, lr;
	s5 =	simm.s32 $0xFFFFFFFF;
	p2 =	slt.u32 s8, $0xFFFFF086  }
0x1c: {  	p1 =	slt.u32 s9, $0xF7A;
	s5 =	simm.s32 @!p2 $0x0  }
0x1d: {  	s5 =	simm.s32 @p1 $0x1;
	p0 =	seq.s32 s7, s2  }
0x1e: {  	s7 =	smul.u32 @!p0 $0xF7A, s2;
	p2 =	seq.s32 @!p0 s5, $0x0  }
0x1f: {  	s9 =	smul.u32 $0xF7A, s1;
	s8 =	simm.s32 @!p0 $0x1BF5;
	p2 =	por !p2, p0  }
0x20: {  	[sflag:s8] =	ssyncset.s32 @!p0 $0xFFFFF086;
	s6 =	sadd.s32 @!p0 s3, s7;
	s7 =	simm.s32 @!p0 $0x108  }
0x21: {  	s3 =	sadd.s32 s3, s9;
	s6 =	sadd.s32 @!p0 $0x88, s6;
	s7 =	simm.s32 @p2 $0x1082  }
0x22: {  	[simem:s7], [sflag:s8] =	dma.local @!p0 [hbm:s6], $0xF7A  }
0x23: {  	s9 =	sor.u32 $0xD0000000, s2;
	s6 =	simm.s32 $0x108;
	_ =	swait.ge @!p0 [sflag:s8], $0x0  }
0x24: {  	s3 =	sadd.s32 $0x88, s3;
	s6 =	simm.s32 @!p1 $0x1082;
	[sflag:s4] =	ssyncset.s32 $0xFFFFF086  }
0x25: {  	[simem:s6], [sflag:s4] =	dma.local [hbm:s3], $0xF7A  }
0x26: {  	[smem:$0x3F9F] =	sst s1;
	(tag) =	ssettag s2;
	_ =	strace s9  }
0x27: {  	s1 =	sld [smem:$0x3FAF]  }
0x28: {  	s2 =	sld [smem:$0x3FB0]  }
0x29: {  	s4 =	sld [smem:$0x3FB2]  }
0x2a: {  	p0 =	seq.s32 s5, $0x0;
	s5 =	sld [smem:$0x3FB3]  }
0x2b: {  	s6 =	sld [smem:$0x3FB4]  }
0x2c: {  	s7 =	sld [smem:$0x3FB5]  }
0x2d: {  	s3 =	simm.s32 $0x108;
	s8 =	sld [smem:$0x3FB6]  }
0x2e: {  	s3 =	simm.s32 @!p0 $0x1082;
	s9 =	sld [smem:$0x3FB7]  }
0x2f: {  	lr =	sadd.s32 s0, s3;
	s0 =	sld [smem:$0x3FAE]  }
0x30: {  	s3 =	sld [smem:$0x3FB1]  }
0x31: {  	[smem:$0x3FBA] =	sst s10  }
0x32: {  	s10 =	sld [smem:$0x3FB8];
	_ =	sdelay $0x3  }
0x33: {  	p0 =	seq.s32 s10, $0x1;
	s10 =	sld [smem:$0x3FBA];
	_ =	sdelay $0x3  }
0x34: {  	[smem:$0x3FBA] =	sst s10  }
0x35: {  	s10 =	sld [smem:$0x3FB9];
	_ =	sdelay $0x3  }
0x36: {  	p1 =	seq.s32 s10, $0x1;
	s10 =	sld [smem:$0x3FBA];
	_ =	sdelay $0x3  }
0x37: {  	[smem:$0x3FBA] =	sst s10  }
0x38: {  	s10 =	sld [smem:$0x3FBB]  }
0x39: {  	_ = 	snop;
	(pc) =	sbr.ind lr, $3  }
0x3a: {  	_ = 	snop  }
0x3b: {  	_ = 	snop  }
0x3c: {  	p2 =	seq.s32 s10, $0x1;
	s10 =	sld [smem:$0x3FBA]  }
0x3d: {  	_ =	shalt  }
0x3e: {  	_ =	shalt  }
0x3f: {  	_ =	shalt  }
0x40: {  	_ =	shalt  }
0x41: {  	_ =	shalt  }
0x42: {  	_ =	shalt  }
0x43: {  	_ =	shalt  }
0x44: {  	_ =	shalt  }
0x45: {  	_ =	shalt  }
0x46: {  	_ =	shalt  }
0x47: {  	_ =	shalt  }
0x48: {  	_ =	shalt  }
0x49: {  	_ =	shalt  }
0x4a: {  	_ =	shalt  }
0x4b: {  	_ =	shalt  }
0x4c: {  	_ =	shalt  }
0x4d: {  	_ =	shalt  }
0x4e: {  	_ =	shalt  }
0x4f: {  	_ =	shalt  }
0x50: {  	_ =	shalt  }
0x51: {  	_ =	shalt  }
0x52: {  	_ =	shalt  }
0x53: {  	_ =	shalt  }
0x54: {  	_ =	shalt  }
0x55: {  	_ =	shalt  }
0x56: {  	_ =	shalt  }
0x57: {  	_ =	shalt  }
0x58: {  	_ =	shalt  }
0x59: {  	_ =	shalt  }
0x5a: {  	_ =	shalt  }
0x5b: {  	_ =	shalt  }
0x5c: {  	_ =	shalt  }
0x5d: {  	_ =	shalt  }
0x5e: {  	_ =	shalt  }
0x5f: {  	_ =	shalt  }
0x60: {  	_ =	shalt  }
0x61: {  	_ =	shalt  }
0x62: {  	_ =	shalt  }
0x63: {  	_ =	shalt  }
0x64: {  	_ =	shalt  }
0x65: {  	_ =	shalt  }
0x66: {  	_ =	shalt  }
0x67: {  	_ =	shalt  }
0x68: {  	_ =	shalt  }
0x69: {  	_ =	shalt  }
0x6a: {  	_ =	shalt  }
0x6b: {  	_ =	shalt  }
0x6c: {  	_ =	shalt  }
0x6d: {  	_ =	shalt  }
0x6e: {  	_ =	shalt  }
0x6f: {  	_ =	shalt  }
0x70: {  	_ =	shalt  }
0x71: {  	_ =	shalt  }
0x72: {  	_ =	shalt  }
0x73: {  	_ =	shalt  }
0x74: {  	_ =	shalt  }
0x75: {  	_ =	shalt  }
0x76: {  	_ =	shalt  }
0x77: {  	_ =	shalt  }
0x78: {  	_ =	shalt  }
0x79: {  	_ =	shalt  }
0x7a: {  	_ =	shalt  }
0x7b: {  	_ =	shalt  }
0x7c: {  	_ =	shalt  }
0x7d: {  	_ =	shalt  }
0x7e: {  	_ =	shalt  }
0x7f: {  	_ =	shalt  }
0x80: {  	_ =	shalt  }
0x81: {  	_ =	shalt  }
0x82: {  	_ =	shalt  }
0x83: {  	_ =	shalt  }
0x84: {  	_ =	shalt  }
0x85: {  	_ =	shalt  }
0x86: {  	_ =	shalt  }
0x87: {  	_ =	shalt  }
.Lfunc_end0:
.L_simem_size_0:
called_computation_lowered:
.L_overlay_start_0:
0x88: {  	s2 =	sld [smem:$0x3FD9]  }
0x89: {  	s3 =	sld [smem:$0x3FFE];
	_ =	sdelay $0x1  }
0x8a: {  	s1 =	srdreg.scid  }
0x8b: {  	s0 =	sand.u32 $0x1, s1  }
0x8c: {  	s18 =	sshll.u32 s0, $0xA;
	s2 =	sadd.s32 s3, s2  }
0x8d: {  	s2 =	sadd.s32 s2, s18  }
0x8e: {  	[smem:$0x3FC6] =	sst s2  }
0x8f: {  	_ = 	snop  }
0x90: {  	s2 =	sld [smem:$0x3FC9]  }
0x91: {  	s19 =	sld [smem:$0x3FC8]  }
0x92: {  	s4 =	sld [smem:$0x3FD0];
	(tm) =	ssettm $0x1  }
0x93: {  	s5 =	sld [smem:$0x3FFB];
	_ =	sdelay $0x3  }
0x94: {  	_ =	strace s5  }
0x95: {  	s5 =	sld [smem:$0x3FFC];
	_ =	sdelay $0x3  }
0x96: {  	_ =	strace s5  }
0x97: {  	s5 =	sld [smem:$0x3FFD];
	_ =	sdelay $0x3  }
0x98: {  	_ =	strace s5  }
0x99: {  	_ =	strace $0x8FFFFFFF  }
0x9a: {  	s20 =	sld [smem:$0x3FDB];
	_ =	sdelay $0x1  }
0x9b: {  	s6 =	simm.s32 $_scs_section_size  }
0x9c: {  	s7 =	simm.s32 $_size__tile_overlayer_lowered;
	s8 =	simm.s32 $_tile_overlayer_lowered  }
0x9d: {  	s23 =	simm.s32 $0x1BFF;
	s22 =	sshll.u32 s8, $0x1;
	s5 =	sadd.s32 s6, s20  }
0x9e: {  	s9 =	simm.s32 $0x0;
	s21 =	sshll.u32 s7, $0x1;
	s7 =	sadd.s32 s22, s5  }
0x9f: {  	[timem:s9], [sflag:s23] =	dma.local [hbm:s7], s21  }
0xa0: {  	_ =	swait.ge [sflag:s23], s21  }
0xa1: {  	s6 =	ssub.s32 $0x0, s21;
	[sflag:s23] =	ssyncset.done $0x0  }
0xa2: {  	[sflag:s23] =	ssyncadd.s32 s6;
	_ =	sdelay $0x1  }
0xa3: {  	s24 =	simm.s32 $0x1B8B  }
0xa4: {  	_ =	swait.ge [sflag:s24], $0x1  }
0xa5: {  	[sflag:s24] =	ssyncset.done $0x0  }
0xa6: {  	s25 =	simm.s32 $0x1B8E;
	[sflag:s24] =	ssyncadd.s32 $0xFFFFFFFF  }
0xa7: {  	s26 =	simm.s32 $execute0_lowered;
	[smem:$0x3FD2] =	sst s25  }
0xa8: {  	s6 =	sshll.u32 s26, $0x1;
	_ =	strace $0x80000046;
	[dreg:$0x1] =	wrdreg $0xFFFFFFFF  }
0xa9: {  	s28 =	simm.s32 $_size_execute0_lowered;
	s5 =	sadd.s32 s5, s6;
	[dreg:$0x0] =	wrdreg $0x0  }
0xaa: {  	s6 =	sshll.u32 s28, $0x1;
	[dreg:$0x2] =	wrdreg s5  }
0xab: {  	[dreg:$0x3] =	wrdreg s6  }
0xac: {  	[dreg:$0x4] =	wrdreg $0xC0  }
0xad: {  	_ =	task [dreg:s9], $0x5FFFF  }
0xae: {  	[dreg:$0x1] =	wrdreg $0xFFFFFFFF  }
0xaf: {  	[dreg:$0x0] =	wrdreg $0x60  }
0xb0: {  	[dreg:$0x2] =	wrdreg s2  }
0xb1: {  	[dreg:$0x3] =	wrdreg s19  }
0xb2: {  	[dreg:$0x4] =	wrdreg s4  }
0xb3: {  	[dreg:$0x5] =	wrdreg $0x9  }
0xb4: {  	_ =	task.clear_ibuf [dreg:s9], $0x6FFFF;
	_ =	strace $0x90000046  }
0xb5: {  	s29 =	simm.s32 $0x9;
	_ =	strace $0x80000048  }
0xb6: {  	_ =	swait.ge [sflag:s29], $0x1  }
0xb7: {  	[sflag:s29] =	ssyncadd.s32 $0xFFFFFFFF  }
0xb8: {  	_ =	strace $0x90000048  }
0xb9: {  	_ =	sfence  }
0xba: {  	s30 =	sld [smem:$0x0];
	_ =	sdelay $0x2  }
0xbb: {  	s31 =	sshll.u32 s1, $0xD;
	s1 =	sshrl.u32 s1, $0x2  }
0xbc: {  	s3 =	sand.u32 $0x4000, s31;
	s1 =	sadd.s32 s1, s30  }
0xbd: {  	s0 =	sor.u32 s3, s0;
	s1 =	sshll.u32 s1, $0x11  }
0xbe: {  	s0 =	sor.u32 s1, s0  }
0xbf: {  	s0 =	sadd.s32 $0x8F2B, s0  }
0xc0: {  	[sflag:s0] =	ssyncadd.remote.s32 $0x1  }
0xc1: {  	_ =	sfence.sel $0xFFFF  }
0xc2: {  	[dreg:$0x0] =	wrdreg $0xFFFFFFFF;
	(pc) =	sbr.abs _section_cstart, $3  }
0xc3: {  	[dreg:$0x1] =	wrdreg $0xFFFFFFFF  }
0xc4: {  	_ =	task.clear_ibuf [dreg:s9], $0x2FFFF;
	_ =	strace $0x9FFFFFFF  }
0xc5: {  	(tm) =	ssettm $0x7FFFFFFF  }
tec
execute0_lowered:
.L_overlay_start_1:
0x0: {  	(tag) =	ssettag $0x1  }
0x1: {  	s0 =	rddreg [dreg:$0x0]  }
0x2: {  	s3 =	rddreg [dreg:$0x2]  }
0x3: {  	s1 =	srdreg.scid;
	s4 =	simm.s32 $0x0;
	s6 =	stileid.u32  }
0x4: {  	s28 =	simm.s32 $0x10400;
	s29 =	simm.s32 $0x4;
	s30 =	simm.s32 $0x12400  }
0x5: {  	s31 =	simm.s32 $0x5;
	s1 =	sand.u32 $0x1, s1;
	s5 =	sshll.u32 s6, $0x1  }
0x6: {  	s20 =	simm.s32 $0xB;
	s2 =	ssub.s32 $0x2, s1;
	s5 =	sor.u32 s1, s5  }
0x7: {  	s21 =	simm.s32 $0xC;
	s7 =	sshrl.u32 s2, $0x1;
	s1 =	sshll.u32 s5, $0xA  }
0x8: {  	s8 =	simm.s32 $0x0;
	s2 =	ssub.s32 s2, s7;
	s7 =	sadd.s32 s0, s1  }
0x9: {  	[smem:$0x7FF] =	sst s4;
	p0 =	slt.u32 s6, $0xA;
	s0 =	sadd.s32 $0x8000, s7  }
0xa: {  	_ =	strace $0x80000047;
	s22 =	sadd.s32 $0x10000, s7;
	[dreg:$0x4] =	wrdreg s0  }
0xb: {  	s6 =	simm.s32 $0x187;
	s23 =	sadd.s32 $0x18000, s7;
	[dreg:$0x5] =	wrdreg s22  }
0xc: {  	s6 =	simm.s32 @!p0 $0x186;
	s24 =	sadd.s32 $0x20000, s7;
	[dreg:$0x6] =	wrdreg s23  }
.Ltmp0:
0xd: {  	s25 =	sadd.s32 $0x28000, s7;
	[dreg:$0x7] =	wrdreg s24;
	(pc) =	sbr.rel .LBB2_1-.Ltmp0, $4  }
0xe: {  	s13 =	sshll.u32 s5, $0x3;
	s26 =	smax.u32 s2, $0x1;
	[dreg:$0x8] =	wrdreg s25  }
0xf: {  	s1 =	simm.s32 $0x16400;
	s2 =	simm.s32 $0x6;
	[dreg:$0x9] =	wrdreg s26  }
0x10: {  	s22 =	simm.s32 $0x1;
	s23 =	simm.s32 $0xC400;
	s24 =	simm.s32 $0x2  }
0x11: {  	s25 =	simm.s32 $0xE400;
	s26 =	simm.s32 $0x3;
	s0 =	simm.s32 $0x14400  }
.LBB2_27:
0x12: {  	s9 =	simm.s32 $0x7  }
0x13: {  	_ =	swait.ge [sflag:s9], $0x2000  }
0x14: {  	[sflag:s9] =	ssyncset.done $0x0  }
0x15: {  	s16 =	simm.s32 $0x8;
	[sflag:s9] =	ssyncadd.s32 $0xFFFFE000  }
0x16: {  	_ =	swait.ge [sflag:s16], $0x2000  }
0x17: {  	[sflag:s16] =	ssyncset.done $0x0  }
0x18: {  	s17 =	simm.s32 $0x9;
	[sflag:s16] =	ssyncadd.s32 $0xFFFFE000  }
0x19: {  	_ =	swait.ge [sflag:s17], $0x2000  }
0x1a: {  	[sflag:s17] =	ssyncset.done $0x0  }
0x1b: {  	s18 =	simm.s32 $0xA;
	[sflag:s17] =	ssyncadd.s32 $0xFFFFE000  }
0x1c: {  	_ =	swait.ge [sflag:s18], $0x2000  }
0x1d: {  	[sflag:s18] =	ssyncset.done $0x0  }
0x1e: {  	[sflag:s18] =	ssyncadd.s32 $0xFFFFE000  }
0x1f: {  	_ =	swait.ge [sflag:s20], $0x2000  }
0x20: {  	[sflag:s20] =	ssyncset.done $0x0  }
0x21: {  	[sflag:s20] =	ssyncadd.s32 $0xFFFFE000  }
0x22: {  	_ =	swait.ge [sflag:s21], $0x2000  }
0x23: {  	s8 =	sadd.s32 $0x1, s8;
	s19 =	rddreg [dreg:$0x9]  }
0x24: {  	p0 =	sne.s32 s8, s19  }
.Ltmp1:
0x25: {  	_ = 	snop;
	(pc) =	sbr.rel @!p0 .LBB2_28-.Ltmp1, $3  }
0x26: {  	_ =	sdelay $0x1  }
0x27: {  	[sflag:s21] =	ssyncset.done $0x0  }
0x28: {  	[sflag:s21] =	ssyncadd.s32 $0xFFFFE000  }
.LBB2_1:
0x29: {  	s9 =	rddreg [dreg:$0x1];
	s17 =	simm.s32 $0xD  }
0x2a: {  	[tilespmem:s4], [sflag:$0xD] =	stream.linear.gather [hbm4b:s9+s4], $0x400, $0x38;
	[tilespmem:$0x18400] =	vst v63  }
0x2b: {  	_ =	swait.ge [sflag:s17], $0x400  }
0x2c: {  	[sflag:s17] =	ssyncset.done $0x0  }
0x2d: {  	s18 =	simm.s32 $0x400;
	[sflag:s17] =	ssyncadd.s32 $0xFFFFFC00  }
0x2e: {  	[tilespmem:s18], [sflag:$0x1] =	stream.linear.gather [hbm4b:s7+s4], $0x2000, $0x38;
	[tilespmem:$0x18400] =	vst v63  }
0x2f: {  	s10 =	simm.s32 $0x2400;
	s19 =	rddreg [dreg:$0x4]  }
0x30: {  	[tilespmem:s10], [sflag:$0x2] =	stream.linear.gather [hbm4b:s19+s4], $0x2000, $0x38;
	[tilespmem:$0x18400] =	vst v63  }
0x31: {  	s12 =	simm.s32 $0x4400;
	s11 =	rddreg [dreg:$0x5]  }
0x32: {  	[tilespmem:s12], [sflag:$0x3] =	stream.linear.gather [hbm4b:s11+s4], $0x2000, $0x38;
	[tilespmem:$0x18400] =	vst v63  }
0x33: {  	s15 =	simm.s32 $0x6400;
	s14 =	rddreg [dreg:$0x6]  }
0x34: {  	[tilespmem:s15], [sflag:$0x4] =	stream.linear.gather [hbm4b:s14+s4], $0x2000, $0x38;
	[tilespmem:$0x18400] =	vst v63  }
.Ltmp2:
0x35: {  	_ = 	snop;
	(pc) =	sbr.rel .LBB2_2-.Ltmp2, $4  }
0x36: {  	s16 =	rddreg [dreg:$0x7];
	s17 =	simm.s32 $0x8400  }
0x37: {  	[tilespmem:s17], [sflag:$0x5] =	stream.linear.gather [hbm4b:s16+s4], $0x2000, $0x38;
	[tilespmem:$0x18400] =	vst v63  }
0x38: {  	s9 =	simm.s32 $0x0;
	s18 =	rddreg [dreg:$0x8];
	s19 =	simm.s32 $0xA400  }
0x39: {  	[tilespmem:s19], [sflag:$0x6] =	stream.linear.gather [hbm4b:s18+s4], $0x2000, $0x38;
	[tilespmem:$0x18400] =	vst v63  }
.LBB2_26:
0x3a: {  	s9 =	sadd.s32 $0x1, s9  }
0x3b: {  	p0 =	sne.s32 s9, $0x42  }
.Ltmp3:
0x3c: {  	_ = 	snop;
	(pc) =	sbr.rel @!p0 .LBB2_27-.Ltmp3, $1  }
0x3d: {  	_ =	sdelay $0x3  }
.LBB2_2:
0x3e: {  	s10 =	smul.u32 $0x6, s9;
	_ =	sdelay $0x1  }
0x3f: {  	p0 =	sge.u32 s10, s6  }
.Ltmp4:
0x40: {  	_ = 	snop;
	(pc) =	sbr.rel @p0 .LBB2_6-.Ltmp4, $1  }
0x41: {  	_ =	sdelay $0x3  }
0x42: {  	_ =	swait.ge [sflag:s22], $0x2000  }
0x43: {  	p0 =	seq.s32 s9, $0x0;
	[sflag:s22] =	ssyncset.done $0x0  }
0x44: {  	s11 =	simm.s32 @!p0 $0x7;
	[sflag:s22] =	ssyncadd.s32 $0xFFFFE000  }
0x45: {  	s12 =	simm.s32 $0x0;
	_ =	swait.ge @!p0 [sflag:s11], $0x2000  }
0x46: {  	s14 =	sand.u32 $0x70, s12;
	s15 =	sand.u32 $0x1C00, s12;
	[sflag:s11] =	ssyncset.done @!p0 $0x0  }
0x47: {  	s16 =	smul.u32 $0xC0, s9;
	s14 =	sor.u32 s14, s15;
	[sflag:s11] =	ssyncadd.s32 @!p0 $0xFFFFE000  }
0x48: {  	v5 =	vld [tilespmem:s14+$0x480]  }
0x49: {  	s11 =	sor.u32 s5, s16;
	v0 =	vld [tilespmem:s12+$0x0]  }
0x4a: {  	s15 =	sshll.u32 s11, $0x3;
	v8 =	vld [tilespmem:s14+$0x680]  }
0x4b: {  	v9 =	vld [tilespmem:s14+$0x600];
	s19 =	sor.u32 $0x1, s15;
	s18 =	sor.u32 $0x3, s15  }
0x4c: {  	v10 =	vld [tilespmem:s14+$0x500];
	s17 =	sor.u32 $0x2, s15;
	v1 =	vmov s19;
	s19 =	sor.u32 $0x4, s15;
	v3 =	vmov s18;
	s18 =	sor.u32 $0x5, s15  }
0x4d: {  	v12 =	vld [tilespmem:s14+$0x700];
	v2 =	vmov s17;
	v4 =	vmov s19;
	s19 =	sor.u32 $0x6, s15;
	v6 =	vmov s18  }
0x4e: {  	v13 =	vld [tilespmem:s14+$0x400];
	v7 =	vmov s19;
	v11 =	vmul.f32 $6.400000000e+01, v5;
	v5 =	vmov s15  }
0x4f: {  	v14 =	vld [tilespmem:s14+$0x580];
	vm0 =	veq.s32 v0, v2;
	v8 =	vmul.f32 $6.400000000e+01, v8;
	vm1 =	veq.s32 v0, v6  }
0x50: {  	v9 =	vmul.f32 $6.400000000e+01, v9;
	vm2 =	veq.s32 v0, v1;
	v15 =	vadd.f32 $-2.560000040e+01, v11  }
0x51: {  	v10 =	vmul.f32 $6.400000000e+01, v10;
	vm12 =	veq.s32 v0, v4;
	v16 =	vadd.f32 $-2.560000040e+01, v8  }
0x52: {  	v12 =	vmul.f32 $6.400000000e+01, v12;
	v63 =	vadd.f32 $-2.560000040e+01, v9;
	v11 =	vsel vm2, v15, v11  }
0x53: {  	v13 =	vmul.f32 $6.400000000e+01, v13;
	v8 =	vsel vm1, v16, v8;
	[tilespmem:s14+$0xC480] =	vst v11;
	v11 =	vadd.f32 $-2.560000040e+01, v10  }
0x54: {  	v14 =	vmul.f32 $6.400000000e+01, v14;
	v9 =	vsel vm12, v63, v9;
	[tilespmem:s14+$0xC680] =	vst v8;
	v8 =	vadd.f32 $-2.560000040e+01, v12  }
0x55: {  	vm13 =	veq.s32 v0, v7;
	[tilespmem:s14+$0xC600] =	vst v9;
	v9 =	vadd.f32 $-2.560000040e+01, v13;
	v10 =	vsel vm0, v11, v10  }
0x56: {  	vm14 =	veq.s32 v0, v5;
	v8 =	vsel vm13, v8, v12;
	[tilespmem:s14+$0xC500] =	vst v10;
	v10 =	vadd.f32 $-2.560000040e+01, v14  }
0x57: {  	s15 =	sor.u32 $0x7, s15;
	vm15 =	veq.s32 v0, v3;
	v11 =	vsel vm14, v9, v13;
	[tilespmem:s14+$0xC700] =	vst v8  }
0x58: {  	s16 =	simm.s32 $0x0;
	s17 =	sor.u32 s12, s12;
	v8 =	vmov s15;
	s15 =	simm.s32 $0x10;
	[tilespmem:s14+$0xC400] =	vst v11;
	v9 =	vsel vm15, v10, v14  }
.LBB2_4:
0x59: {  	[tilespmem:s14+$0xC580] =	vst v9;
	s18 =	sor.u32 $0x380, s17;
	s12 =	sadd.s32 $0x80, s12;
	s16 =	sadd.s32 $0x10, s16  }
0x5a: {  	p0 =	sne.s32 s15, $0x3F0;
	s17 =	smov.u32 s15;
	s15 =	sadd.s32 $0x10, s15;
	v9 =	vld [tilespmem:s18+$0x400]  }
0x5b: {  	_ =	sdelay $0x3  }
0x5c: {  	v9 =	vmul.f32 $6.400000000e+01, v9  }
0x5d: {  	s14 =	sand.u32 $0x70, s17;
	s19 =	sand.u32 $0x1C00, s12  }
0x5e: {  	s14 =	sor.u32 s14, s19;
	v10 =	vadd.f32 $-2.560000040e+01, v9  }
0x5f: {  	vm0 =	veq.s32 v0, v8  }
0x60: {  	v0 =	vsel vm0, v10, v9  }
0x61: {  	[tilespmem:s18+$0xC400] =	vst v0  }
0x62: {  	v0 =	vld [tilespmem:s16+$0x0]  }
0x63: {  	v9 =	vld [tilespmem:s14+$0x480]  }
0x64: {  	v10 =	vld [tilespmem:s14+$0x680]  }
0x65: {  	v11 =	vld [tilespmem:s14+$0x600]  }
0x66: {  	v12 =	vld [tilespmem:s14+$0x500]  }
0x67: {  	vm0 =	veq.s32 v0, v2;
	v13 =	vld [tilespmem:s14+$0x580]  }
0x68: {  	v9 =	vmul.f32 $6.400000000e+01, v9;
	v14 =	vld [tilespmem:s14+$0x700]  }
0x69: {  	vm1 =	veq.s32 v0, v6;
	v15 =	vld [tilespmem:s14+$0x400];
	v10 =	vmul.f32 $6.400000000e+01, v10  }
0x6a: {  	v16 =	vadd.f32 $-2.560000040e+01, v9;
	v11 =	vmul.f32 $6.400000000e+01, v11  }
0x6b: {  	vm2 =	veq.s32 v0, v1;
	v12 =	vmul.f32 $6.400000000e+01, v12;
	v17 =	vadd.f32 $-2.560000040e+01, v10  }
0x6c: {  	v9 =	vsel vm2, v16, v9;
	vm2 =	veq.s32 v0, v4;
	v16 =	vadd.f32 $-2.560000040e+01, v11  }
0x6d: {  	[tilespmem:s14+$0xC480] =	vst v9;
	v9 =	vadd.f32 $-2.560000040e+01, v12;
	v10 =	vsel vm1, v17, v10;
	v14 =	vmul.f32 $6.400000000e+01, v14  }
0x6e: {  	v13 =	vmul.f32 $6.400000000e+01, v13;
	v15 =	vmul.f32 $6.400000000e+01, v15;
	v11 =	vsel vm2, v16, v11;
	[tilespmem:s14+$0xC680] =	vst v10  }
.Ltmp5:
0x6f: {  	v9 =	vsel vm0, v9, v12;
	[tilespmem:s14+$0xC600] =	vst v11;
	v10 =	vadd.f32 $-2.560000040e+01, v14;
	(pc) =	sbr.rel @p0 .LBB2_4-.Ltmp5, $4  }
0x70: {  	vm0 =	veq.s32 v0, v7;
	v11 =	vadd.f32 $-2.560000040e+01, v15;
	[tilespmem:s14+$0xC500] =	vst v9;
	v9 =	vadd.f32 $-2.560000040e+01, v13  }
0x71: {  	vm1 =	veq.s32 v0, v5;
	vm2 =	veq.s32 v0, v3;
	v10 =	vsel vm0, v10, v14  }
0x72: {  	v11 =	vsel vm1, v11, v15;
	v9 =	vsel vm2, v9, v13;
	[tilespmem:s14+$0xC700] =	vst v10  }
0x73: {  	s17 =	sor.u32 s12, s17;
	[tilespmem:s14+$0xC400] =	vst v11  }
0x74: {  	[tilespmem:s14+$0xC580] =	vst v9;
	s12 =	sor.u32 $0x380, s17  }
0x75: {  	v1 =	vld [tilespmem:s12+$0x400];
	_ =	sdelay $0x4  }
0x76: {  	v1 =	vmul.f32 $6.400000000e+01, v1;
	_ =	sdelay $0x1  }
0x77: {  	v2 =	vadd.f32 $-2.560000040e+01, v1  }
0x78: {  	vm0 =	veq.s32 v0, v8  }
0x79: {  	s11 =	sshll.u32 s11, $0xA;
	v0 =	vsel vm0, v2, v1  }
0x7a: {  	s11 =	sadd.s32 s3, s11;
	[tilespmem:s12+$0xC400] =	vst v0  }
0x7b: {  	[hbm4b:s11+s4] =	stream.linear.scatter [tilespmem:s23], [sflag:$0x7], $0x2000, $0x38;
	[tilespmem:$0x18400] =	vst v63  }
0x7c: {  	s11 =	sadd.s32 $0x6, s10  }
0x7d: {  	p0 =	sge.u32 s11, s6  }
0x7e: {  	s11 =	sshll.u32 @!p0 s11, $0xF  }
0x7f: {  	s12 =	simm.s32 @!p0 $0x0;
	s14 =	simm.s32 @!p0 $0x400;
	s11 =	sadd.s32 @!p0 s11, s7  }
0x80: {  	[tilespmem:s14], [sflag:$0x1] =	stream.linear.gather @!p0 [hbm4b:s11+s12], $0x2000, $0x38;
	[tilespmem:$0x18400] =	vst v63  }
.LBB2_6:
0x81: {  	s12 =	sor.u32 $0x1, s10  }
0x82: {  	p0 =	sge.u32 s12, s6  }
.Ltmp6:
0x83: {  	_ = 	snop;
	(pc) =	sbr.rel @p0 .LBB2_10-.Ltmp6, $1  }
0x84: {  	_ =	sdelay $0x3  }
0x85: {  	_ =	swait.ge [sflag:s24], $0x2000  }
0x86: {  	p0 =	seq.s32 s9, $0x0;
	[sflag:s24] =	ssyncset.done $0x0  }
0x87: {  	s14 =	simm.s32 @!p0 $0x8;
	[sflag:s24] =	ssyncadd.s32 $0xFFFFE000  }
0x88: {  	s11 =	simm.s32 $0x0;
	_ =	swait.ge @!p0 [sflag:s14], $0x2000  }
0x89: {  	s15 =	sand.u32 $0x70, s11;
	s16 =	sand.u32 $0x1C00, s11;
	[sflag:s14] =	ssyncset.done @!p0 $0x0  }
0x8a: {  	[sflag:s14] =	ssyncadd.s32 @!p0 $0xFFFFE000;
	s14 =	sor.u32 s15, s16  }
0x8b: {  	v5 =	vld [tilespmem:s14+$0x2480]  }
0x8c: {  	v0 =	vld [tilespmem:s11+$0x0]  }
0x8d: {  	s12 =	sshll.u32 s12, $0x8;
	v8 =	vld [tilespmem:s14+$0x2680]  }
0x8e: {  	s12 =	sor.u32 s13, s12;
	v9 =	vld [tilespmem:s14+$0x2600]  }
0x8f: {  	s18 =	sor.u32 $0x2, s12;
	v10 =	vld [tilespmem:s14+$0x2500]  }
0x90: {  	s17 =	sor.u32 $0x1, s12;
	v1 =	vmov s12;
	s19 =	sor.u32 $0x3, s12;
	v3 =	vmov s18;
	s18 =	sor.u32 $0x5, s12;
	v12 =	vld [tilespmem:s14+$0x2700]  }
0x91: {  	v2 =	vmov s17;
	v4 =	vmov s19;
	s17 =	sor.u32 $0x6, s12;
	v6 =	vmov s18;
	s16 =	sor.u32 $0x4, s12;
	v13 =	vld [tilespmem:s14+$0x2400]  }
0x92: {  	v7 =	vmov s17;
	v11 =	vmul.f32 $6.400000000e+01, v5;
	v5 =	vmov s16  }
0x93: {  	v14 =	vld [tilespmem:s14+$0x2580];
	vm0 =	veq.s32 v0, v3;
	v8 =	vmul.f32 $6.400000000e+01, v8;
	vm1 =	veq.s32 v0, v6  }
0x94: {  	v9 =	vmul.f32 $6.400000000e+01, v9;
	vm2 =	veq.s32 v0, v2;
	v15 =	vadd.f32 $-2.560000040e+01, v11  }
0x95: {  	v10 =	vmul.f32 $6.400000000e+01, v10;
	v12 =	vmul.f32 $6.400000000e+01, v12;
	v16 =	vadd.f32 $-2.560000040e+01, v8  }
0x96: {  	v13 =	vmul.f32 $6.400000000e+01, v13;
	v63 =	vadd.f32 $-2.560000040e+01, v9;
	v11 =	vsel vm2, v15, v11  }
0x97: {  	vm12 =	veq.s32 v0, v5;
	v8 =	vsel vm1, v16, v8;
	[tilespmem:s14+$0xE480] =	vst v11;
	v11 =	vadd.f32 $-2.560000040e+01, v10  }
0x98: {  	v14 =	vmul.f32 $6.400000000e+01, v14;
	v9 =	vsel vm12, v63, v9;
	[tilespmem:s14+$0xE680] =	vst v8;
	v8 =	vadd.f32 $-2.560000040e+01, v12  }
0x99: {  	vm13 =	veq.s32 v0, v7;
	[tilespmem:s14+$0xE600] =	vst v9;
	v9 =	vadd.f32 $-2.560000040e+01, v13;
	v10 =	vsel vm0, v11, v10  }
0x9a: {  	vm14 =	veq.s32 v0, v1;
	v8 =	vsel vm13, v8, v12;
	[tilespmem:s14+$0xE500] =	vst v10;
	v10 =	vadd.f32 $-2.560000040e+01, v14  }
0x9b: {  	s19 =	sor.u32 $0x7, s12;
	vm15 =	veq.s32 v0, v4;
	v11 =	vsel vm14, v9, v13;
	[tilespmem:s14+$0xE700] =	vst v8  }
0x9c: {  	s17 =	sor.u32 s11, s11;
	s15 =	simm.s32 $0x10;
	s16 =	simm.s32 $0x0;
	v8 =	vmov s19;
	[tilespmem:s14+$0xE400] =	vst v11;
	v9 =	vsel vm15, v10, v14  }
.LBB2_8:
0x9d: {  	[tilespmem:s14+$0xE580] =	vst v9;
	s18 =	sor.u32 $0x2380, s17;
	s11 =	sadd.s32 $0x80, s11;
	s16 =	sadd.s32 $0x10, s16  }
0x9e: {  	p0 =	sne.s32 s15, $0x3F0;
	s17 =	smov.u32 s15;
	s15 =	sadd.s32 $0x10, s15;
	v9 =	vld [tilespmem:s18+$0x400]  }
0x9f: {  	_ =	sdelay $0x3  }
0xa0: {  	v9 =	vmul.f32 $6.400000000e+01, v9  }
0xa1: {  	s14 =	sand.u32 $0x70, s17;
	s19 =	sand.u32 $0x1C00, s11  }
0xa2: {  	s14 =	sor.u32 s14, s19;
	v10 =	vadd.f32 $-2.560000040e+01, v9  }
0xa3: {  	vm0 =	veq.s32 v0, v8  }
0xa4: {  	v0 =	vsel vm0, v10, v9  }
0xa5: {  	[tilespmem:s18+$0xC400] =	vst v0  }
0xa6: {  	v0 =	vld [tilespmem:s16+$0x0]  }
0xa7: {  	v9 =	vld [tilespmem:s14+$0x2480]  }
0xa8: {  	v10 =	vld [tilespmem:s14+$0x2680]  }
0xa9: {  	v11 =	vld [tilespmem:s14+$0x2600]  }
0xaa: {  	v12 =	vld [tilespmem:s14+$0x2500]  }
0xab: {  	vm0 =	veq.s32 v0, v3;
	v13 =	vld [tilespmem:s14+$0x2580]  }
0xac: {  	v9 =	vmul.f32 $6.400000000e+01, v9;
	v14 =	vld [tilespmem:s14+$0x2700]  }
0xad: {  	vm1 =	veq.s32 v0, v6;
	v15 =	vld [tilespmem:s14+$0x2400];
	v10 =	vmul.f32 $6.400000000e+01, v10  }
0xae: {  	v16 =	vadd.f32 $-2.560000040e+01, v9;
	v11 =	vmul.f32 $6.400000000e+01, v11  }
0xaf: {  	vm2 =	veq.s32 v0, v2;
	v12 =	vmul.f32 $6.400000000e+01, v12;
	v17 =	vadd.f32 $-2.560000040e+01, v10  }
0xb0: {  	v9 =	vsel vm2, v16, v9;
	vm2 =	veq.s32 v0, v5;
	v16 =	vadd.f32 $-2.560000040e+01, v11  }
0xb1: {  	[tilespmem:s14+$0xE480] =	vst v9;
	v9 =	vadd.f32 $-2.560000040e+01, v12;
	v10 =	vsel vm1, v17, v10;
	v14 =	vmul.f32 $6.400000000e+01, v14  }
0xb2: {  	v13 =	vmul.f32 $6.400000000e+01, v13;
	v15 =	vmul.f32 $6.400000000e+01, v15;
	v11 =	vsel vm2, v16, v11;
	[tilespmem:s14+$0xE680] =	vst v10  }
.Ltmp7:
0xb3: {  	v9 =	vsel vm0, v9, v12;
	[tilespmem:s14+$0xE600] =	vst v11;
	v10 =	vadd.f32 $-2.560000040e+01, v14;
	(pc) =	sbr.rel @p0 .LBB2_8-.Ltmp7, $4  }
0xb4: {  	vm0 =	veq.s32 v0, v7;
	v11 =	vadd.f32 $-2.560000040e+01, v15;
	[tilespmem:s14+$0xE500] =	vst v9;
	v9 =	vadd.f32 $-2.560000040e+01, v13  }
0xb5: {  	vm1 =	veq.s32 v0, v1;
	vm2 =	veq.s32 v0, v4;
	v10 =	vsel vm0, v10, v14  }
0xb6: {  	v11 =	vsel vm1, v11, v15;
	v9 =	vsel vm2, v9, v13;
	[tilespmem:s14+$0xE700] =	vst v10  }
0xb7: {  	s17 =	sor.u32 s11, s17;
	[tilespmem:s14+$0xE400] =	vst v11  }
0xb8: {  	[tilespmem:s14+$0xE580] =	vst v9;
	s11 =	sor.u32 $0x2380, s17  }
0xb9: {  	v1 =	vld [tilespmem:s11+$0x400];
	_ =	sdelay $0x4  }
0xba: {  	v1 =	vmul.f32 $6.400000000e+01, v1;
	_ =	sdelay $0x1  }
0xbb: {  	v2 =	vadd.f32 $-2.560000040e+01, v1  }
0xbc: {  	vm0 =	veq.s32 v0, v8  }
0xbd: {  	s12 =	sshll.u32 s12, $0x7;
	v0 =	vsel vm0, v2, v1  }
0xbe: {  	s19 =	sadd.s32 s3, s12;
	[tilespmem:s11+$0xC400] =	vst v0;
	s11 =	sadd.s32 $0x7, s10  }
0xbf: {  	[hbm4b:s19+s4] =	stream.linear.scatter [tilespmem:s25], [sflag:$0x8], $0x2000, $0x38;
	[tilespmem:$0x18400] =	vst v63  }
0xc0: {  	p0 =	sge.u32 s11, s6  }
0xc1: {  	s11 =	sshll.u32 @!p0 s11, $0xF  }
0xc2: {  	s12 =	simm.s32 @!p0 $0x0;
	s14 =	simm.s32 @!p0 $0x2400;
	s11 =	sadd.s32 @!p0 s11, s7  }
0xc3: {  	[tilespmem:s14], [sflag:$0x2] =	stream.linear.gather @!p0 [hbm4b:s11+s12], $0x2000, $0x38;
	[tilespmem:$0x18400] =	vst v63  }
.LBB2_10:
0xc4: {  	s12 =	sadd.s32 $0x2, s10  }
0xc5: {  	p0 =	sge.u32 s12, s6  }
.Ltmp8:
0xc6: {  	_ = 	snop;
	(pc) =	sbr.rel @p0 .LBB2_14-.Ltmp8, $1  }
0xc7: {  	_ =	sdelay $0x3  }
0xc8: {  	_ =	swait.ge [sflag:s26], $0x2000  }
0xc9: {  	p0 =	seq.s32 s9, $0x0;
	[sflag:s26] =	ssyncset.done $0x0  }
0xca: {  	s14 =	simm.s32 @!p0 $0x9;
	[sflag:s26] =	ssyncadd.s32 $0xFFFFE000  }
0xcb: {  	s11 =	simm.s32 $0x0;
	_ =	swait.ge @!p0 [sflag:s14], $0x2000  }
0xcc: {  	s15 =	sand.u32 $0x70, s11;
	s16 =	sand.u32 $0x1C00, s11;
	[sflag:s14] =	ssyncset.done @!p0 $0x0  }
0xcd: {  	[sflag:s14] =	ssyncadd.s32 @!p0 $0xFFFFE000;
	s14 =	sor.u32 s15, s16  }
0xce: {  	v5 =	vld [tilespmem:s14+$0x4480]  }
0xcf: {  	v0 =	vld [tilespmem:s11+$0x0]  }
0xd0: {  	s12 =	sshll.u32 s12, $0x8;
	v8 =	vld [tilespmem:s14+$0x4680]  }
0xd1: {  	s12 =	sor.u32 s13, s12;
	v9 =	vld [tilespmem:s14+$0x4600]  }
0xd2: {  	s18 =	sor.u32 $0x2, s12;
	v10 =	vld [tilespmem:s14+$0x4500]  }
0xd3: {  	s17 =	sor.u32 $0x1, s12;
	v1 =	vmov s12;
	s19 =	sor.u32 $0x3, s12;
	v3 =	vmov s18;
	s18 =	sor.u32 $0x5, s12;
	v12 =	vld [tilespmem:s14+$0x4700]  }
0xd4: {  	v2 =	vmov s17;
	v4 =	vmov s19;
	s17 =	sor.u32 $0x6, s12;
	v6 =	vmov s18;
	s16 =	sor.u32 $0x4, s12;
	v13 =	vld [tilespmem:s14+$0x4400]  }
0xd5: {  	v7 =	vmov s17;
	v11 =	vmul.f32 $6.400000000e+01, v5;
	v5 =	vmov s16  }
0xd6: {  	v14 =	vld [tilespmem:s14+$0x4580];
	vm0 =	veq.s32 v0, v3;
	v8 =	vmul.f32 $6.400000000e+01, v8;
	vm1 =	veq.s32 v0, v6  }
0xd7: {  	v9 =	vmul.f32 $6.400000000e+01, v9;
	vm2 =	veq.s32 v0, v2;
	v15 =	vadd.f32 $-2.560000040e+01, v11  }
0xd8: {  	v10 =	vmul.f32 $6.400000000e+01, v10;
	v12 =	vmul.f32 $6.400000000e+01, v12;
	v16 =	vadd.f32 $-2.560000040e+01, v8  }
0xd9: {  	v13 =	vmul.f32 $6.400000000e+01, v13;
	v63 =	vadd.f32 $-2.560000040e+01, v9;
	v11 =	vsel vm2, v15, v11  }
0xda: {  	vm12 =	veq.s32 v0, v5;
	v8 =	vsel vm1, v16, v8;
	[tilespmem:s14+$0x10480] =	vst v11;
	v11 =	vadd.f32 $-2.560000040e+01, v10  }
0xdb: {  	v14 =	vmul.f32 $6.400000000e+01, v14;
	v9 =	vsel vm12, v63, v9;
	[tilespmem:s14+$0x10680] =	vst v8;
	v8 =	vadd.f32 $-2.560000040e+01, v12  }
0xdc: {  	vm13 =	veq.s32 v0, v7;
	[tilespmem:s14+$0x10600] =	vst v9;
	v9 =	vadd.f32 $-2.560000040e+01, v13;
	v10 =	vsel vm0, v11, v10  }
0xdd: {  	vm14 =	veq.s32 v0, v1;
	v8 =	vsel vm13, v8, v12;
	[tilespmem:s14+$0x10500] =	vst v10;
	v10 =	vadd.f32 $-2.560000040e+01, v14  }
0xde: {  	s19 =	sor.u32 $0x7, s12;
	vm15 =	veq.s32 v0, v4;
	v11 =	vsel vm14, v9, v13;
	[tilespmem:s14+$0x10700] =	vst v8  }
0xdf: {  	s17 =	sor.u32 s11, s11;
	s15 =	simm.s32 $0x10;
	s16 =	simm.s32 $0x0;
	v8 =	vmov s19;
	[tilespmem:s14+$0x10400] =	vst v11;
	v9 =	vsel vm15, v10, v14  }
.LBB2_12:
0xe0: {  	[tilespmem:s14+$0x10580] =	vst v9;
	s18 =	sor.u32 $0x4380, s17;
	s11 =	sadd.s32 $0x80, s11;
	s16 =	sadd.s32 $0x10, s16  }
0xe1: {  	p0 =	sne.s32 s15, $0x3F0;
	s17 =	smov.u32 s15;
	s15 =	sadd.s32 $0x10, s15;
	v9 =	vld [tilespmem:s18+$0x400]  }
0xe2: {  	_ =	sdelay $0x3  }
0xe3: {  	v9 =	vmul.f32 $6.400000000e+01, v9  }
0xe4: {  	s14 =	sand.u32 $0x70, s17;
	s19 =	sand.u32 $0x1C00, s11  }
0xe5: {  	s14 =	sor.u32 s14, s19;
	v10 =	vadd.f32 $-2.560000040e+01, v9  }
0xe6: {  	vm0 =	veq.s32 v0, v8  }
0xe7: {  	v0 =	vsel vm0, v10, v9  }
0xe8: {  	[tilespmem:s18+$0xC400] =	vst v0  }
0xe9: {  	v0 =	vld [tilespmem:s16+$0x0]  }
0xea: {  	v9 =	vld [tilespmem:s14+$0x4480]  }
0xeb: {  	v10 =	vld [tilespmem:s14+$0x4680]  }
0xec: {  	v11 =	vld [tilespmem:s14+$0x4600]  }
0xed: {  	v12 =	vld [tilespmem:s14+$0x4500]  }
0xee: {  	vm0 =	veq.s32 v0, v3;
	v13 =	vld [tilespmem:s14+$0x4580]  }
0xef: {  	v9 =	vmul.f32 $6.400000000e+01, v9;
	v14 =	vld [tilespmem:s14+$0x4700]  }
0xf0: {  	vm1 =	veq.s32 v0, v6;
	v15 =	vld [tilespmem:s14+$0x4400];
	v10 =	vmul.f32 $6.400000000e+01, v10  }
0xf1: {  	v16 =	vadd.f32 $-2.560000040e+01, v9;
	v11 =	vmul.f32 $6.400000000e+01, v11  }
0xf2: {  	vm2 =	veq.s32 v0, v2;
	v12 =	vmul.f32 $6.400000000e+01, v12;
	v17 =	vadd.f32 $-2.560000040e+01, v10  }
0xf3: {  	v9 =	vsel vm2, v16, v9;
	vm2 =	veq.s32 v0, v5;
	v16 =	vadd.f32 $-2.560000040e+01, v11  }
0xf4: {  	[tilespmem:s14+$0x10480] =	vst v9;
	v9 =	vadd.f32 $-2.560000040e+01, v12;
	v10 =	vsel vm1, v17, v10;
	v14 =	vmul.f32 $6.400000000e+01, v14  }
0xf5: {  	v13 =	vmul.f32 $6.400000000e+01, v13;
	v15 =	vmul.f32 $6.400000000e+01, v15;
	v11 =	vsel vm2, v16, v11;
	[tilespmem:s14+$0x10680] =	vst v10  }
.Ltmp9:
0xf6: {  	v9 =	vsel vm0, v9, v12;
	[tilespmem:s14+$0x10600] =	vst v11;
	v10 =	vadd.f32 $-2.560000040e+01, v14;
	(pc) =	sbr.rel @p0 .LBB2_12-.Ltmp9, $4  }
0xf7: {  	vm0 =	veq.s32 v0, v7;
	v11 =	vadd.f32 $-2.560000040e+01, v15;
	[tilespmem:s14+$0x10500] =	vst v9;
	v9 =	vadd.f32 $-2.560000040e+01, v13  }
0xf8: {  	vm1 =	veq.s32 v0, v1;
	vm2 =	veq.s32 v0, v4;
	v10 =	vsel vm0, v10, v14  }
0xf9: {  	v11 =	vsel vm1, v11, v15;
	v9 =	vsel vm2, v9, v13;
	[tilespmem:s14+$0x10700] =	vst v10  }
0xfa: {  	s17 =	sor.u32 s11, s17;
	[tilespmem:s14+$0x10400] =	vst v11  }
0xfb: {  	[tilespmem:s14+$0x10580] =	vst v9;
	s11 =	sor.u32 $0x4380, s17  }
0xfc: {  	v1 =	vld [tilespmem:s11+$0x400];
	_ =	sdelay $0x4  }
0xfd: {  	v1 =	vmul.f32 $6.400000000e+01, v1;
	_ =	sdelay $0x1  }
0xfe: {  	v2 =	vadd.f32 $-2.560000040e+01, v1  }
0xff: {  	vm0 =	veq.s32 v0, v8  }
0x100: {  	s12 =	sshll.u32 s12, $0x7;
	v0 =	vsel vm0, v2, v1  }
0x101: {  	s19 =	sadd.s32 s3, s12;
	[tilespmem:s11+$0xC400] =	vst v0;
	s11 =	sadd.s32 $0x8, s10  }
0x102: {  	[hbm4b:s19+s4] =	stream.linear.scatter [tilespmem:s28], [sflag:$0x9], $0x2000, $0x38;
	[tilespmem:$0x18400] =	vst v63  }
0x103: {  	p0 =	sge.u32 s11, s6  }
0x104: {  	s11 =	sshll.u32 @!p0 s11, $0xF  }
0x105: {  	s12 =	simm.s32 @!p0 $0x0;
	s14 =	simm.s32 @!p0 $0x4400;
	s11 =	sadd.s32 @!p0 s11, s7  }
0x106: {  	[tilespmem:s14], [sflag:$0x3] =	stream.linear.gather @!p0 [hbm4b:s11+s12], $0x2000, $0x38;
	[tilespmem:$0x18400] =	vst v63  }
.LBB2_14:
0x107: {  	s12 =	sadd.s32 $0x3, s10  }
0x108: {  	p0 =	sge.u32 s12, s6  }
.Ltmp10:
0x109: {  	_ = 	snop;
	(pc) =	sbr.rel @p0 .LBB2_18-.Ltmp10, $1  }
0x10a: {  	_ =	sdelay $0x3  }
0x10b: {  	_ =	swait.ge [sflag:s29], $0x2000  }
0x10c: {  	p0 =	seq.s32 s9, $0x0;
	[sflag:s29] =	ssyncset.done $0x0  }
0x10d: {  	s14 =	simm.s32 @!p0 $0xA;
	[sflag:s29] =	ssyncadd.s32 $0xFFFFE000  }
0x10e: {  	s11 =	simm.s32 $0x0;
	_ =	swait.ge @!p0 [sflag:s14], $0x2000  }
0x10f: {  	s15 =	sand.u32 $0x70, s11;
	s16 =	sand.u32 $0x1C00, s11;
	[sflag:s14] =	ssyncset.done @!p0 $0x0  }
0x110: {  	[sflag:s14] =	ssyncadd.s32 @!p0 $0xFFFFE000;
	s14 =	sor.u32 s15, s16  }
0x111: {  	v5 =	vld [tilespmem:s14+$0x6480]  }
0x112: {  	v0 =	vld [tilespmem:s11+$0x0]  }
0x113: {  	s12 =	sshll.u32 s12, $0x8;
	v8 =	vld [tilespmem:s14+$0x6680]  }
0x114: {  	s12 =	sor.u32 s13, s12;
	v9 =	vld [tilespmem:s14+$0x6600]  }
0x115: {  	s18 =	sor.u32 $0x2, s12;
	v10 =	vld [tilespmem:s14+$0x6500]  }
0x116: {  	s17 =	sor.u32 $0x1, s12;
	v1 =	vmov s12;
	s19 =	sor.u32 $0x3, s12;
	v3 =	vmov s18;
	s18 =	sor.u32 $0x5, s12;
	v12 =	vld [tilespmem:s14+$0x6700]  }
0x117: {  	v2 =	vmov s17;
	v4 =	vmov s19;
	s17 =	sor.u32 $0x6, s12;
	v6 =	vmov s18;
	s16 =	sor.u32 $0x4, s12;
	v13 =	vld [tilespmem:s14+$0x6400]  }
0x118: {  	v7 =	vmov s17;
	v11 =	vmul.f32 $6.400000000e+01, v5;
	v5 =	vmov s16  }
0x119: {  	v14 =	vld [tilespmem:s14+$0x6580];
	vm0 =	veq.s32 v0, v3;
	v8 =	vmul.f32 $6.400000000e+01, v8;
	vm1 =	veq.s32 v0, v6  }
0x11a: {  	v9 =	vmul.f32 $6.400000000e+01, v9;
	vm2 =	veq.s32 v0, v2;
	v15 =	vadd.f32 $-2.560000040e+01, v11  }
0x11b: {  	v10 =	vmul.f32 $6.400000000e+01, v10;
	v12 =	vmul.f32 $6.400000000e+01, v12;
	v16 =	vadd.f32 $-2.560000040e+01, v8  }
0x11c: {  	v13 =	vmul.f32 $6.400000000e+01, v13;
	v63 =	vadd.f32 $-2.560000040e+01, v9;
	v11 =	vsel vm2, v15, v11  }
0x11d: {  	vm12 =	veq.s32 v0, v5;
	v8 =	vsel vm1, v16, v8;
	[tilespmem:s14+$0x12480] =	vst v11;
	v11 =	vadd.f32 $-2.560000040e+01, v10  }
0x11e: {  	v14 =	vmul.f32 $6.400000000e+01, v14;
	v9 =	vsel vm12, v63, v9;
	[tilespmem:s14+$0x12680] =	vst v8;
	v8 =	vadd.f32 $-2.560000040e+01, v12  }
0x11f: {  	vm13 =	veq.s32 v0, v7;
	[tilespmem:s14+$0x12600] =	vst v9;
	v9 =	vadd.f32 $-2.560000040e+01, v13;
	v10 =	vsel vm0, v11, v10  }
0x120: {  	vm14 =	veq.s32 v0, v1;
	v8 =	vsel vm13, v8, v12;
	[tilespmem:s14+$0x12500] =	vst v10;
	v10 =	vadd.f32 $-2.560000040e+01, v14  }
0x121: {  	s19 =	sor.u32 $0x7, s12;
	vm15 =	veq.s32 v0, v4;
	v11 =	vsel vm14, v9, v13;
	[tilespmem:s14+$0x12700] =	vst v8  }
0x122: {  	s17 =	sor.u32 s11, s11;
	s15 =	simm.s32 $0x10;
	s16 =	simm.s32 $0x0;
	v8 =	vmov s19;
	[tilespmem:s14+$0x12400] =	vst v11;
	v9 =	vsel vm15, v10, v14  }
.LBB2_16:
0x123: {  	[tilespmem:s14+$0x12580] =	vst v9;
	s18 =	sor.u32 $0x6380, s17;
	s11 =	sadd.s32 $0x80, s11;
	s16 =	sadd.s32 $0x10, s16  }
0x124: {  	p0 =	sne.s32 s15, $0x3F0;
	s17 =	smov.u32 s15;
	s15 =	sadd.s32 $0x10, s15;
	v9 =	vld [tilespmem:s18+$0x400]  }
0x125: {  	_ =	sdelay $0x3  }
0x126: {  	v9 =	vmul.f32 $6.400000000e+01, v9  }
0x127: {  	s14 =	sand.u32 $0x70, s17;
	s19 =	sand.u32 $0x1C00, s11  }
0x128: {  	s14 =	sor.u32 s14, s19;
	v10 =	vadd.f32 $-2.560000040e+01, v9  }
0x129: {  	vm0 =	veq.s32 v0, v8  }
0x12a: {  	v0 =	vsel vm0, v10, v9  }
0x12b: {  	[tilespmem:s18+$0xC400] =	vst v0  }
0x12c: {  	v0 =	vld [tilespmem:s16+$0x0]  }
0x12d: {  	v9 =	vld [tilespmem:s14+$0x6480]  }
0x12e: {  	v10 =	vld [tilespmem:s14+$0x6680]  }
0x12f: {  	v11 =	vld [tilespmem:s14+$0x6600]  }
0x130: {  	v12 =	vld [tilespmem:s14+$0x6500]  }
0x131: {  	vm0 =	veq.s32 v0, v3;
	v13 =	vld [tilespmem:s14+$0x6580]  }
0x132: {  	v9 =	vmul.f32 $6.400000000e+01, v9;
	v14 =	vld [tilespmem:s14+$0x6700]  }
0x133: {  	vm1 =	veq.s32 v0, v6;
	v15 =	vld [tilespmem:s14+$0x6400];
	v10 =	vmul.f32 $6.400000000e+01, v10  }
0x134: {  	v16 =	vadd.f32 $-2.560000040e+01, v9;
	v11 =	vmul.f32 $6.400000000e+01, v11  }
0x135: {  	vm2 =	veq.s32 v0, v2;
	v12 =	vmul.f32 $6.400000000e+01, v12;
	v17 =	vadd.f32 $-2.560000040e+01, v10  }
0x136: {  	v9 =	vsel vm2, v16, v9;
	vm2 =	veq.s32 v0, v5;
	v16 =	vadd.f32 $-2.560000040e+01, v11  }
0x137: {  	[tilespmem:s14+$0x12480] =	vst v9;
	v9 =	vadd.f32 $-2.560000040e+01, v12;
	v10 =	vsel vm1, v17, v10;
	v14 =	vmul.f32 $6.400000000e+01, v14  }
0x138: {  	v13 =	vmul.f32 $6.400000000e+01, v13;
	v15 =	vmul.f32 $6.400000000e+01, v15;
	v11 =	vsel vm2, v16, v11;
	[tilespmem:s14+$0x12680] =	vst v10  }
.Ltmp11:
0x139: {  	v9 =	vsel vm0, v9, v12;
	[tilespmem:s14+$0x12600] =	vst v11;
	v10 =	vadd.f32 $-2.560000040e+01, v14;
	(pc) =	sbr.rel @p0 .LBB2_16-.Ltmp11, $4  }
0x13a: {  	vm0 =	veq.s32 v0, v7;
	v11 =	vadd.f32 $-2.560000040e+01, v15;
	[tilespmem:s14+$0x12500] =	vst v9;
	v9 =	vadd.f32 $-2.560000040e+01, v13  }
0x13b: {  	vm1 =	veq.s32 v0, v1;
	vm2 =	veq.s32 v0, v4;
	v10 =	vsel vm0, v10, v14  }
0x13c: {  	v11 =	vsel vm1, v11, v15;
	v9 =	vsel vm2, v9, v13;
	[tilespmem:s14+$0x12700] =	vst v10  }
0x13d: {  	s17 =	sor.u32 s11, s17;
	[tilespmem:s14+$0x12400] =	vst v11  }
0x13e: {  	[tilespmem:s14+$0x12580] =	vst v9;
	s11 =	sor.u32 $0x6380, s17  }
0x13f: {  	v1 =	vld [tilespmem:s11+$0x400];
	_ =	sdelay $0x4  }
0x140: {  	v1 =	vmul.f32 $6.400000000e+01, v1;
	_ =	sdelay $0x1  }
0x141: {  	v2 =	vadd.f32 $-2.560000040e+01, v1  }
0x142: {  	vm0 =	veq.s32 v0, v8  }
0x143: {  	s12 =	sshll.u32 s12, $0x7;
	v0 =	vsel vm0, v2, v1  }
0x144: {  	s19 =	sadd.s32 s3, s12;
	[tilespmem:s11+$0xC400] =	vst v0;
	s11 =	sadd.s32 $0x9, s10  }
0x145: {  	[hbm4b:s19+s4] =	stream.linear.scatter [tilespmem:s30], [sflag:$0xA], $0x2000, $0x38;
	[tilespmem:$0x18400] =	vst v63  }
0x146: {  	p0 =	sge.u32 s11, s6  }
0x147: {  	s11 =	sshll.u32 @!p0 s11, $0xF  }
0x148: {  	s12 =	simm.s32 @!p0 $0x0;
	s14 =	simm.s32 @!p0 $0x6400;
	s11 =	sadd.s32 @!p0 s11, s7  }
0x149: {  	[tilespmem:s14], [sflag:$0x4] =	stream.linear.gather @!p0 [hbm4b:s11+s12], $0x2000, $0x38;
	[tilespmem:$0x18400] =	vst v63  }
.LBB2_18:
0x14a: {  	s12 =	sadd.s32 $0x4, s10  }
0x14b: {  	p0 =	sge.u32 s12, s6  }
.Ltmp12:
0x14c: {  	_ = 	snop;
	(pc) =	sbr.rel @p0 .LBB2_22-.Ltmp12, $1  }
0x14d: {  	_ =	sdelay $0x3  }
0x14e: {  	_ =	swait.ge [sflag:s31], $0x2000  }
0x14f: {  	p0 =	seq.s32 s9, $0x0;
	[sflag:s31] =	ssyncset.done $0x0  }
0x150: {  	s14 =	simm.s32 @!p0 $0xB;
	[sflag:s31] =	ssyncadd.s32 $0xFFFFE000  }
0x151: {  	s11 =	simm.s32 $0x0;
	_ =	swait.ge @!p0 [sflag:s14], $0x2000  }
0x152: {  	s15 =	sand.u32 $0x70, s11;
	s16 =	sand.u32 $0x1C00, s11;
	[sflag:s14] =	ssyncset.done @!p0 $0x0  }
0x153: {  	[sflag:s14] =	ssyncadd.s32 @!p0 $0xFFFFE000;
	s14 =	sor.u32 s15, s16  }
0x154: {  	v5 =	vld [tilespmem:s14+$0x8480]  }
0x155: {  	v0 =	vld [tilespmem:s11+$0x0]  }
0x156: {  	s12 =	sshll.u32 s12, $0x8;
	v8 =	vld [tilespmem:s14+$0x8680]  }
0x157: {  	s12 =	sor.u32 s13, s12;
	v9 =	vld [tilespmem:s14+$0x8600]  }
0x158: {  	s18 =	sor.u32 $0x2, s12;
	v10 =	vld [tilespmem:s14+$0x8500]  }
0x159: {  	s17 =	sor.u32 $0x1, s12;
	v1 =	vmov s12;
	s19 =	sor.u32 $0x3, s12;
	v3 =	vmov s18;
	s18 =	sor.u32 $0x5, s12;
	v12 =	vld [tilespmem:s14+$0x8700]  }
0x15a: {  	v2 =	vmov s17;
	v4 =	vmov s19;
	s17 =	sor.u32 $0x6, s12;
	v6 =	vmov s18;
	s16 =	sor.u32 $0x4, s12;
	v13 =	vld [tilespmem:s14+$0x8400]  }
0x15b: {  	v7 =	vmov s17;
	v11 =	vmul.f32 $6.400000000e+01, v5;
	v5 =	vmov s16  }
0x15c: {  	v14 =	vld [tilespmem:s14+$0x8580];
	vm0 =	veq.s32 v0, v3;
	v8 =	vmul.f32 $6.400000000e+01, v8;
	vm1 =	veq.s32 v0, v6  }
0x15d: {  	v9 =	vmul.f32 $6.400000000e+01, v9;
	vm2 =	veq.s32 v0, v2;
	v15 =	vadd.f32 $-2.560000040e+01, v11  }
0x15e: {  	v10 =	vmul.f32 $6.400000000e+01, v10;
	v12 =	vmul.f32 $6.400000000e+01, v12;
	v16 =	vadd.f32 $-2.560000040e+01, v8  }
0x15f: {  	v13 =	vmul.f32 $6.400000000e+01, v13;
	v63 =	vadd.f32 $-2.560000040e+01, v9;
	v11 =	vsel vm2, v15, v11  }
0x160: {  	vm12 =	veq.s32 v0, v5;
	v8 =	vsel vm1, v16, v8;
	[tilespmem:s14+$0x14480] =	vst v11;
	v11 =	vadd.f32 $-2.560000040e+01, v10  }
0x161: {  	v14 =	vmul.f32 $6.400000000e+01, v14;
	v9 =	vsel vm12, v63, v9;
	[tilespmem:s14+$0x14680] =	vst v8;
	v8 =	vadd.f32 $-2.560000040e+01, v12  }
0x162: {  	vm13 =	veq.s32 v0, v7;
	[tilespmem:s14+$0x14600] =	vst v9;
	v9 =	vadd.f32 $-2.560000040e+01, v13;
	v10 =	vsel vm0, v11, v10  }
0x163: {  	vm14 =	veq.s32 v0, v1;
	v8 =	vsel vm13, v8, v12;
	[tilespmem:s14+$0x14500] =	vst v10;
	v10 =	vadd.f32 $-2.560000040e+01, v14  }
0x164: {  	s19 =	sor.u32 $0x7, s12;
	vm15 =	veq.s32 v0, v4;
	v11 =	vsel vm14, v9, v13;
	[tilespmem:s14+$0x14700] =	vst v8  }
0x165: {  	s17 =	sor.u32 s11, s11;
	s15 =	simm.s32 $0x10;
	s16 =	simm.s32 $0x0;
	v8 =	vmov s19;
	[tilespmem:s14+$0x14400] =	vst v11;
	v9 =	vsel vm15, v10, v14  }
.LBB2_20:
0x166: {  	[tilespmem:s14+$0x14580] =	vst v9;
	s18 =	sor.u32 $0x8380, s17;
	s11 =	sadd.s32 $0x80, s11;
	s16 =	sadd.s32 $0x10, s16  }
0x167: {  	p0 =	sne.s32 s15, $0x3F0;
	s17 =	smov.u32 s15;
	s15 =	sadd.s32 $0x10, s15;
	v9 =	vld [tilespmem:s18+$0x400]  }
0x168: {  	_ =	sdelay $0x3  }
0x169: {  	v9 =	vmul.f32 $6.400000000e+01, v9  }
0x16a: {  	s14 =	sand.u32 $0x70, s17;
	s19 =	sand.u32 $0x1C00, s11  }
0x16b: {  	s14 =	sor.u32 s14, s19;
	v10 =	vadd.f32 $-2.560000040e+01, v9  }
0x16c: {  	vm0 =	veq.s32 v0, v8  }
0x16d: {  	v0 =	vsel vm0, v10, v9  }
0x16e: {  	[tilespmem:s18+$0xC400] =	vst v0  }
0x16f: {  	v0 =	vld [tilespmem:s16+$0x0]  }
0x170: {  	v9 =	vld [tilespmem:s14+$0x8480]  }
0x171: {  	v10 =	vld [tilespmem:s14+$0x8680]  }
0x172: {  	v11 =	vld [tilespmem:s14+$0x8600]  }
0x173: {  	v12 =	vld [tilespmem:s14+$0x8500]  }
0x174: {  	vm0 =	veq.s32 v0, v3;
	v13 =	vld [tilespmem:s14+$0x8580]  }
0x175: {  	v9 =	vmul.f32 $6.400000000e+01, v9;
	v14 =	vld [tilespmem:s14+$0x8700]  }
0x176: {  	vm1 =	veq.s32 v0, v6;
	v15 =	vld [tilespmem:s14+$0x8400];
	v10 =	vmul.f32 $6.400000000e+01, v10  }
0x177: {  	v16 =	vadd.f32 $-2.560000040e+01, v9;
	v11 =	vmul.f32 $6.400000000e+01, v11  }
0x178: {  	vm2 =	veq.s32 v0, v2;
	v12 =	vmul.f32 $6.400000000e+01, v12;
	v17 =	vadd.f32 $-2.560000040e+01, v10  }
0x179: {  	v9 =	vsel vm2, v16, v9;
	vm2 =	veq.s32 v0, v5;
	v16 =	vadd.f32 $-2.560000040e+01, v11  }
0x17a: {  	[tilespmem:s14+$0x14480] =	vst v9;
	v9 =	vadd.f32 $-2.560000040e+01, v12;
	v10 =	vsel vm1, v17, v10;
	v14 =	vmul.f32 $6.400000000e+01, v14  }
0x17b: {  	v13 =	vmul.f32 $6.400000000e+01, v13;
	v15 =	vmul.f32 $6.400000000e+01, v15;
	v11 =	vsel vm2, v16, v11;
	[tilespmem:s14+$0x14680] =	vst v10  }
.Ltmp13:
0x17c: {  	v9 =	vsel vm0, v9, v12;
	[tilespmem:s14+$0x14600] =	vst v11;
	v10 =	vadd.f32 $-2.560000040e+01, v14;
	(pc) =	sbr.rel @p0 .LBB2_20-.Ltmp13, $4  }
0x17d: {  	vm0 =	veq.s32 v0, v7;
	v11 =	vadd.f32 $-2.560000040e+01, v15;
	[tilespmem:s14+$0x14500] =	vst v9;
	v9 =	vadd.f32 $-2.560000040e+01, v13  }
0x17e: {  	vm1 =	veq.s32 v0, v1;
	vm2 =	veq.s32 v0, v4;
	v10 =	vsel vm0, v10, v14  }
0x17f: {  	v11 =	vsel vm1, v11, v15;
	v9 =	vsel vm2, v9, v13;
	[tilespmem:s14+$0x14700] =	vst v10  }
0x180: {  	s17 =	sor.u32 s11, s17;
	[tilespmem:s14+$0x14400] =	vst v11  }
0x181: {  	[tilespmem:s14+$0x14580] =	vst v9;
	s11 =	sor.u32 $0x8380, s17  }
0x182: {  	v1 =	vld [tilespmem:s11+$0x400];
	_ =	sdelay $0x4  }
0x183: {  	v1 =	vmul.f32 $6.400000000e+01, v1;
	_ =	sdelay $0x1  }
0x184: {  	v2 =	vadd.f32 $-2.560000040e+01, v1  }
0x185: {  	vm0 =	veq.s32 v0, v8  }
0x186: {  	s12 =	sshll.u32 s12, $0x7;
	v0 =	vsel vm0, v2, v1  }
0x187: {  	s19 =	sadd.s32 s3, s12;
	[tilespmem:s11+$0xC400] =	vst v0;
	s11 =	sadd.s32 $0xA, s10  }
0x188: {  	[hbm4b:s19+s4] =	stream.linear.scatter [tilespmem:s0], [sflag:$0xB], $0x2000, $0x38;
	[tilespmem:$0x18400] =	vst v63  }
0x189: {  	p0 =	sge.u32 s11, s6  }
0x18a: {  	s11 =	sshll.u32 @!p0 s11, $0xF  }
0x18b: {  	s12 =	simm.s32 @!p0 $0x0;
	s14 =	simm.s32 @!p0 $0x8400;
	s11 =	sadd.s32 @!p0 s11, s7  }
0x18c: {  	[tilespmem:s14], [sflag:$0x5] =	stream.linear.gather @!p0 [hbm4b:s11+s12], $0x2000, $0x38;
	[tilespmem:$0x18400] =	vst v63  }
.LBB2_22:
0x18d: {  	s12 =	sadd.s32 $0x5, s10  }
0x18e: {  	p0 =	sge.u32 s12, s6  }
.Ltmp14:
0x18f: {  	_ = 	snop;
	(pc) =	sbr.rel @p0 .LBB2_26-.Ltmp14, $1  }
0x190: {  	_ =	sdelay $0x3  }
0x191: {  	_ =	swait.ge [sflag:s2], $0x2000  }
0x192: {  	p0 =	seq.s32 s9, $0x0;
	[sflag:s2] =	ssyncset.done $0x0  }
0x193: {  	s14 =	simm.s32 @!p0 $0xC;
	[sflag:s2] =	ssyncadd.s32 $0xFFFFE000  }
0x194: {  	s11 =	simm.s32 $0x0;
	_ =	swait.ge @!p0 [sflag:s14], $0x2000  }
0x195: {  	s15 =	sand.u32 $0x70, s11;
	s16 =	sand.u32 $0x1C00, s11;
	[sflag:s14] =	ssyncset.done @!p0 $0x0  }
0x196: {  	[sflag:s14] =	ssyncadd.s32 @!p0 $0xFFFFE000;
	s14 =	sor.u32 s15, s16  }
0x197: {  	v5 =	vld [tilespmem:s14+$0xA480]  }
0x198: {  	v0 =	vld [tilespmem:s11+$0x0]  }
0x199: {  	s12 =	sshll.u32 s12, $0x8;
	v8 =	vld [tilespmem:s14+$0xA680]  }
0x19a: {  	s12 =	sor.u32 s13, s12;
	v9 =	vld [tilespmem:s14+$0xA600]  }
0x19b: {  	s18 =	sor.u32 $0x2, s12;
	v10 =	vld [tilespmem:s14+$0xA500]  }
0x19c: {  	s17 =	sor.u32 $0x1, s12;
	v1 =	vmov s12;
	s19 =	sor.u32 $0x3, s12;
	v3 =	vmov s18;
	s18 =	sor.u32 $0x5, s12;
	v12 =	vld [tilespmem:s14+$0xA700]  }
0x19d: {  	v2 =	vmov s17;
	v4 =	vmov s19;
	s17 =	sor.u32 $0x6, s12;
	v6 =	vmov s18;
	s16 =	sor.u32 $0x4, s12;
	v13 =	vld [tilespmem:s14+$0xA400]  }
0x19e: {  	v7 =	vmov s17;
	v11 =	vmul.f32 $6.400000000e+01, v5;
	v5 =	vmov s16  }
0x19f: {  	v14 =	vld [tilespmem:s14+$0xA580];
	vm0 =	veq.s32 v0, v3;
	v8 =	vmul.f32 $6.400000000e+01, v8;
	vm1 =	veq.s32 v0, v6  }
0x1a0: {  	v9 =	vmul.f32 $6.400000000e+01, v9;
	vm2 =	veq.s32 v0, v2;
	v15 =	vadd.f32 $-2.560000040e+01, v11  }
0x1a1: {  	v10 =	vmul.f32 $6.400000000e+01, v10;
	v12 =	vmul.f32 $6.400000000e+01, v12;
	v16 =	vadd.f32 $-2.560000040e+01, v8  }
0x1a2: {  	v13 =	vmul.f32 $6.400000000e+01, v13;
	v63 =	vadd.f32 $-2.560000040e+01, v9;
	v11 =	vsel vm2, v15, v11  }
0x1a3: {  	vm12 =	veq.s32 v0, v5;
	v8 =	vsel vm1, v16, v8;
	[tilespmem:s14+$0x16480] =	vst v11;
	v11 =	vadd.f32 $-2.560000040e+01, v10  }
0x1a4: {  	v14 =	vmul.f32 $6.400000000e+01, v14;
	v9 =	vsel vm12, v63, v9;
	[tilespmem:s14+$0x16680] =	vst v8;
	v8 =	vadd.f32 $-2.560000040e+01, v12  }
0x1a5: {  	vm13 =	veq.s32 v0, v7;
	[tilespmem:s14+$0x16600] =	vst v9;
	v9 =	vadd.f32 $-2.560000040e+01, v13;
	v10 =	vsel vm0, v11, v10  }
0x1a6: {  	vm14 =	veq.s32 v0, v1;
	v8 =	vsel vm13, v8, v12;
	[tilespmem:s14+$0x16500] =	vst v10;
	v10 =	vadd.f32 $-2.560000040e+01, v14  }
0x1a7: {  	s19 =	sor.u32 $0x7, s12;
	vm15 =	veq.s32 v0, v4;
	v11 =	vsel vm14, v9, v13;
	[tilespmem:s14+$0x16700] =	vst v8  }
0x1a8: {  	s17 =	sor.u32 s11, s11;
	s15 =	simm.s32 $0x10;
	s16 =	simm.s32 $0x0;
	v8 =	vmov s19;
	[tilespmem:s14+$0x16400] =	vst v11;
	v9 =	vsel vm15, v10, v14  }
.LBB2_24:
0x1a9: {  	[tilespmem:s14+$0x16580] =	vst v9;
	s18 =	sor.u32 $0xA380, s17;
	s11 =	sadd.s32 $0x80, s11;
	s16 =	sadd.s32 $0x10, s16  }
0x1aa: {  	p0 =	sne.s32 s15, $0x3F0;
	s17 =	smov.u32 s15;
	s15 =	sadd.s32 $0x10, s15;
	v9 =	vld [tilespmem:s18+$0x400]  }
0x1ab: {  	_ =	sdelay $0x3  }
0x1ac: {  	v9 =	vmul.f32 $6.400000000e+01, v9  }
0x1ad: {  	s14 =	sand.u32 $0x70, s17;
	s19 =	sand.u32 $0x1C00, s11  }
0x1ae: {  	s14 =	sor.u32 s14, s19;
	v10 =	vadd.f32 $-2.560000040e+01, v9  }
0x1af: {  	vm0 =	veq.s32 v0, v8  }
0x1b0: {  	v0 =	vsel vm0, v10, v9  }
0x1b1: {  	[tilespmem:s18+$0xC400] =	vst v0  }
0x1b2: {  	v0 =	vld [tilespmem:s16+$0x0]  }
0x1b3: {  	v9 =	vld [tilespmem:s14+$0xA480]  }
0x1b4: {  	v10 =	vld [tilespmem:s14+$0xA680]  }
0x1b5: {  	v11 =	vld [tilespmem:s14+$0xA600]  }
0x1b6: {  	v12 =	vld [tilespmem:s14+$0xA500]  }
0x1b7: {  	vm0 =	veq.s32 v0, v3;
	v13 =	vld [tilespmem:s14+$0xA580]  }
0x1b8: {  	v9 =	vmul.f32 $6.400000000e+01, v9;
	v14 =	vld [tilespmem:s14+$0xA700]  }
0x1b9: {  	vm1 =	veq.s32 v0, v6;
	v15 =	vld [tilespmem:s14+$0xA400];
	v10 =	vmul.f32 $6.400000000e+01, v10  }
0x1ba: {  	v16 =	vadd.f32 $-2.560000040e+01, v9;
	v11 =	vmul.f32 $6.400000000e+01, v11  }
0x1bb: {  	vm2 =	veq.s32 v0, v2;
	v12 =	vmul.f32 $6.400000000e+01, v12;
	v17 =	vadd.f32 $-2.560000040e+01, v10  }
0x1bc: {  	v9 =	vsel vm2, v16, v9;
	vm2 =	veq.s32 v0, v5;
	v16 =	vadd.f32 $-2.560000040e+01, v11  }
0x1bd: {  	[tilespmem:s14+$0x16480] =	vst v9;
	v9 =	vadd.f32 $-2.560000040e+01, v12;
	v10 =	vsel vm1, v17, v10;
	v14 =	vmul.f32 $6.400000000e+01, v14  }
0x1be: {  	v13 =	vmul.f32 $6.400000000e+01, v13;
	v15 =	vmul.f32 $6.400000000e+01, v15;
	v11 =	vsel vm2, v16, v11;
	[tilespmem:s14+$0x16680] =	vst v10  }
.Ltmp15:
0x1bf: {  	v9 =	vsel vm0, v9, v12;
	[tilespmem:s14+$0x16600] =	vst v11;
	v10 =	vadd.f32 $-2.560000040e+01, v14;
	(pc) =	sbr.rel @p0 .LBB2_24-.Ltmp15, $4  }
0x1c0: {  	vm0 =	veq.s32 v0, v7;
	v11 =	vadd.f32 $-2.560000040e+01, v15;
	[tilespmem:s14+$0x16500] =	vst v9;
	v9 =	vadd.f32 $-2.560000040e+01, v13  }
0x1c1: {  	vm1 =	veq.s32 v0, v1;
	vm2 =	veq.s32 v0, v4;
	v10 =	vsel vm0, v10, v14  }
0x1c2: {  	v11 =	vsel vm1, v11, v15;
	v9 =	vsel vm2, v9, v13;
	[tilespmem:s14+$0x16700] =	vst v10  }
0x1c3: {  	s17 =	sor.u32 s11, s17;
	[tilespmem:s14+$0x16400] =	vst v11  }
0x1c4: {  	[tilespmem:s14+$0x16580] =	vst v9;
	s11 =	sor.u32 $0xA380, s17  }
0x1c5: {  	v1 =	vld [tilespmem:s11+$0x400];
	_ =	sdelay $0x4  }
0x1c6: {  	v1 =	vmul.f32 $6.400000000e+01, v1;
	_ =	sdelay $0x1  }
0x1c7: {  	v2 =	vadd.f32 $-2.560000040e+01, v1  }
0x1c8: {  	vm0 =	veq.s32 v0, v8;
	s10 =	sadd.s32 $0xB, s10  }
.Ltmp16:
0x1c9: {  	s12 =	sshll.u32 s12, $0x7;
	p0 =	sge.u32 s10, s6;
	v0 =	vsel vm0, v2, v1;
	(pc) =	sbr.rel .LBB2_26-.Ltmp16, $4  }
0x1ca: {  	s19 =	sadd.s32 s3, s12;
	s10 =	sshll.u32 @!p0 s10, $0xF;
	[tilespmem:s11+$0xC400] =	vst v0  }
0x1cb: {  	[hbm4b:s19+s4] =	stream.linear.scatter [tilespmem:s1], [sflag:$0xC], $0x2000, $0x38;
	[tilespmem:$0x18400] =	vst v63  }
0x1cc: {  	s12 =	simm.s32 @!p0 $0xA400;
	s10 =	sadd.s32 @!p0 s10, s7;
	s11 =	simm.s32 @!p0 $0x0  }
0x1cd: {  	[tilespmem:s12], [sflag:$0x6] =	stream.linear.gather @!p0 [hbm4b:s10+s11], $0x2000, $0x38;
	[tilespmem:$0x18400] =	vst v63  }
.LBB2_28:
0x1ce: {  	_ =	sfence.sel $0x180000  }
0x1cf: {  	[bflag:$0x0] =	sbarrier.arrive $0xFFFF  }
0x1d0: {  	_ =	strace $0x90000047  }
0x1d1: {  	s0 =	stileid.u32;
	[bflag:$0x2] =	sbarrier.arrive $0xFFFF  }
0x1d2: {  	p0 =	sne.s32 s0, $0x0;
	s0 =	rddreg [dreg:$0x3]  }
0x1d3: {  	s0 =	sadd.s32 @!p0 $0x100000, s0  }
0x1d4: {  	[sflag:s0] =	ssyncadd.tile.s32 @!p0 $0x1;
	_ =	shalt  }
.Lfunc_end2:
_tile_overlayer_lowered:
.L_overlay_start_2:
0x1d5: {  	(tag) =	ssettag $0x2  }
0x1d6: {  	s0 =	rddreg [dreg:$0x0];
	s2 =	stileid.u32  }
0x1d7: {  	s1 =	rddreg [dreg:$0x1];
	p0 =	sne.s32 s2, $0x0  }
0x1d8: {  	s3 =	rddreg [dreg:$0x2];
	[bflag:$0x3] =	sbarrier.arrive $0xFFFF;
	s2 =	simm.s32 @!p0 $0x1C0D  }
0x1d9: {  	[timem:s3], [sflag:s2] =	dma.local @!p0 [hbm:s0], s1  }
0x1da: {  	s0 =	simm.s32 @!p0 $0xD  }
0x1db: {  	_ =	swait.ge @!p0 [sflag:s0], s1  }
0x1dc: {  	s1 =	ssub.s32 @!p0 $0x0, s1;
	[sflag:s0] =	ssyncset.done @!p0 $0x0  }
0x1dd: {  	[sflag:s0] =	ssyncadd.s32 @!p0 s1  }
0x1de: {  	[bflag:$0x3] =	sbarrier.arrive $0xFFFF  }
0x1df: {  	_ =	shalt  }

</sc_bundles>
